<compile_context>
chip_gen: v7x
topology: tpu7x:2x2x1
jax: 0.10.2.dev20260603
libtpu: 0.0.44.dev20260713+nightly
codegen_flags: <defaults>
</compile_context>

<pallas_src>
import functools

import jax
import jax.numpy as jnp
from jax import lax
from jax.experimental import pallas as pl
from jax.experimental.pallas import tpu as pltpu
from jax.experimental.pallas import tpu_sc as plsc

D = 128
W16 = 16

NPAD = 10240
EPAD = 327680
NC = 2
NS = 16
NW = NC * NS
K = 128
NCHT = EPAD // K
CTOT = NCHT // NS
RPS = NPAD // NS

_MESH = dict(core_axis_name="c", subcore_axis_name="s", num_cores=NC,
             num_subcores=NS)


def _make_agg(d, sup, c0):
    mesh = plsc.VectorSubcoreMesh(**_MESH)
    c1 = CTOT - c0
    assert c0 % sup == 0 and c1 % sup == 0

    @functools.partial(
        pl.kernel,
        out_type=jax.ShapeDtypeStruct((NC, NPAD, d), jnp.float32),
        mesh=mesh,
        compiler_params=pltpu.CompilerParams(use_tc_tiling_on_sc=False),
        scratch_types=[
            pltpu.VMEM((sup, K), jnp.int32),
            pltpu.VMEM((sup, K), jnp.int32),
            pltpu.VMEM((K, d), jnp.float32),
            pltpu.VMEM((K, d), jnp.float32),
            pltpu.VMEM_SHARED((NPAD, d), jnp.float32),
            pltpu.SemaphoreType.DMA,
            pltpu.SemaphoreType.DMA,
        ],
    )
    def agg(tbl, srcp, dstp, out, src_a, dst_a, rows0, rows1, acc, sem0,
            sem1):
        c = lax.axis_index("c")
        s = lax.axis_index("s")
        cbase = jnp.where(c == 0, s * c0, NS * c0 + s * c1)
        nsup = jnp.where(c == 0, c0 // sup, c1 // sup)

        def zrow(r, _):
            def zcol(cc, _):
                rows0[r, pl.ds(cc * 16, 16)] = jnp.zeros((16,), jnp.float32)
                return 0
            return lax.fori_loop(0, d // 16, zcol, 0)
        lax.fori_loop(0, K, zrow, 0)

        def zstripe(j, _):
            pltpu.sync_copy(rows0, acc.at[pl.ds(s * RPS + j * K, K)])
            return 0
        lax.fori_loop(0, RPS // K, zstripe, 0)
        plsc.subcore_barrier()

        def start_g(i, buf, sem):
            pltpu.async_copy(tbl.at[src_a.at[i]], buf, sem)

        def wait_g(buf, sem):
            pltpu.make_async_copy(tbl.at[pl.ds(0, K)], buf, sem).wait()

        def scat(i, buf):
            pltpu.sync_copy(buf, acc.at[dst_a.at[i]], add=True)

        def super_chunk(g, _):
            sbase = cbase + g * sup
            pltpu.sync_copy(srcp.at[pl.ds(sbase, sup)], src_a)
            pltpu.sync_copy(dstp.at[pl.ds(sbase, sup)], dst_a)
            start_g(0, rows0, sem0)

            def loop(j, _):
                i0 = 2 * j
                start_g(i0 + 1, rows1, sem1)
                wait_g(rows0, sem0)
                scat(i0, rows0)
                start_g(i0 + 2, rows0, sem0)
                wait_g(rows1, sem1)
                scat(i0 + 1, rows1)
                return 0
            lax.fori_loop(0, sup // 2 - 1, loop, 0)

            start_g(sup - 1, rows1, sem1)
            wait_g(rows0, sem0)
            scat(sup - 2, rows0)
            wait_g(rows1, sem1)
            scat(sup - 1, rows1)
            return 0
        lax.fori_loop(0, nsup, super_chunk, 0)

        plsc.subcore_barrier()
        pltpu.sync_copy(acc.at[pl.ds(s * RPS, RPS)],
                        out.at[c, pl.ds(s * RPS, RPS)])

    return agg


_agg128 = _make_agg(D, 8, 120)
_agg16 = _make_agg(W16, 16, 96)


def _make_deg():
    mesh = plsc.VectorSubcoreMesh(**_MESH)
    npw = NCHT // NW

    @functools.partial(
        pl.kernel,
        out_type=jax.ShapeDtypeStruct((NC, NPAD, W16), jnp.float32),
        mesh=mesh,
        compiler_params=pltpu.CompilerParams(use_tc_tiling_on_sc=False),
        scratch_types=[
            pltpu.VMEM((npw, K), jnp.int32),
            pltpu.VMEM((K, W16), jnp.float32),
            pltpu.VMEM((K, W16), jnp.float32),
            pltpu.VMEM_SHARED((NPAD, W16), jnp.float32),
            pltpu.SemaphoreType.DMA,
        ],
    )
    def deg(dstp, out, dst_a, ones_v, zb, acc, sem):
        c = lax.axis_index("c")
        s = lax.axis_index("s")
        wid = s * NC + c

        pltpu.sync_copy(dstp.at[pl.ds(wid * npw, npw)], dst_a)

        def fill(r, _):
            ones_v[r, pl.ds(0, 16)] = jnp.ones((16,), jnp.float32)
            zb[r, pl.ds(0, 16)] = jnp.zeros((16,), jnp.float32)
            return 0
        lax.fori_loop(0, K, fill, 0)

        def zstripe(j, _):
            pltpu.sync_copy(zb, acc.at[pl.ds(s * RPS + j * K, K)])
            return 0
        lax.fori_loop(0, RPS // K, zstripe, 0)
        plsc.subcore_barrier()

        def chunk(i, _):
            pltpu.sync_copy(ones_v, acc.at[dst_a.at[i]], add=True)
            return 0
        lax.fori_loop(0, npw, chunk, 0)
        plsc.subcore_barrier()

        pltpu.sync_copy(acc.at[pl.ds(s * RPS, RPS)],
                        out.at[c, pl.ds(s * RPS, RPS)])

    return deg


_deg = _make_deg()

BN = 256
GRID = NPAD // BN


def _dinv_of(degr):
    deg = (jnp.sum(degr[0], axis=1, keepdims=True)
           + jnp.sum(degr[1], axis=1, keepdims=True)) * (1.0 / W16) + 1.0
    return lax.rsqrt(deg)


def _tcb_body(xr, w1r, degr, hsr):
    dinv = _dinv_of(degr)
    hsr[...] = jnp.dot(xr[...], w1r[...],
                       preferred_element_type=jnp.float32) * dinv


_tcb = pl.pallas_call(
    _tcb_body,
    grid=(GRID,),
    in_specs=[
        pl.BlockSpec((BN, D), lambda i: (i, 0)),
        pl.BlockSpec((D, D), lambda i: (0, 0)),
        pl.BlockSpec((NC, BN, W16), lambda i: (0, i, 0)),
    ],
    out_specs=pl.BlockSpec((BN, D), lambda i: (i, 0)),
    out_shape=jax.ShapeDtypeStruct((NPAD, D), jnp.float32),
)


def _tcd_body(pr, hsr, degr, b1r, w2r, xr, wsr, br, h2sr, baser):
    dinv = _dinv_of(degr)
    h = jnp.maximum((pr[0] + pr[1] + hsr[...]) * dinv + b1r[...], 0.0)
    h2sr[...] = jnp.dot(h, w2r[...], preferred_element_type=jnp.float32) * dinv
    baser[...] = jnp.dot(xr[...], wsr[...],
                         preferred_element_type=jnp.float32) + br[...]


_tcd = pl.pallas_call(
    _tcd_body,
    grid=(GRID,),
    in_specs=[
        pl.BlockSpec((NC, BN, D), lambda i: (0, i, 0)),
        pl.BlockSpec((BN, D), lambda i: (i, 0)),
        pl.BlockSpec((NC, BN, W16), lambda i: (0, i, 0)),
        pl.BlockSpec((1, D), lambda i: (0, 0)),
        pl.BlockSpec((D, W16), lambda i: (0, 0)),
        pl.BlockSpec((BN, D), lambda i: (i, 0)),
        pl.BlockSpec((D, W16), lambda i: (0, 0)),
        pl.BlockSpec((1, W16), lambda i: (0, 0)),
    ],
    out_specs=[
        pl.BlockSpec((BN, W16), lambda i: (i, 0)),
        pl.BlockSpec((BN, W16), lambda i: (i, 0)),
    ],
    out_shape=[
        jax.ShapeDtypeStruct((NPAD, W16), jnp.float32),
        jax.ShapeDtypeStruct((NPAD, W16), jnp.float32),
    ],
)


def _tcf_body(qr, h2sr, baser, degr, outr):
    dinv = _dinv_of(degr)
    outr[...] = (qr[0] + qr[1] + h2sr[...]) * dinv + baser[...]


_tcf = pl.pallas_call(
    _tcf_body,
    grid=(GRID,),
    in_specs=[
        pl.BlockSpec((NC, BN, W16), lambda i: (0, i, 0)),
        pl.BlockSpec((BN, W16), lambda i: (i, 0)),
        pl.BlockSpec((BN, W16), lambda i: (i, 0)),
        pl.BlockSpec((NC, BN, W16), lambda i: (0, i, 0)),
    ],
    out_specs=pl.BlockSpec((BN, W16), lambda i: (i, 0)),
    out_shape=jax.ShapeDtypeStruct((NPAD, W16), jnp.float32),
)


def kernel(x, edge_index, W1, b1, W2, b2, Ws, bs):
    n = x.shape[0]
    e = edge_index.shape[1]
    xp = jnp.pad(x, ((0, NPAD - n), (0, 0)))
    srcp = jnp.pad(edge_index[0], (0, EPAD - e),
                   constant_values=NPAD - 1).reshape(NCHT, K)
    dstp = jnp.pad(edge_index[1], (0, EPAD - e),
                   constant_values=NPAD - 1).reshape(NCHT, K)
    w2p = jnp.pad(W2, ((0, 0), (0, W16 - W2.shape[1])))
    wsp = jnp.pad(Ws, ((0, 0), (0, W16 - Ws.shape[1])))
    br = jnp.pad(bs + b2, (0, W16 - bs.shape[0])).reshape(1, W16)
    b1r = b1.reshape(1, D)

    degp = _deg(dstp)
    hs = _tcb(xp, W1, degp)
    p = _agg128(hs, srcp, dstp)
    h2s, base = _tcd(p, hs, degp, b1r, w2p, xp, wsp, br)
    q = _agg16(h2s, srcp, dstp)
    outp = _tcf(q, h2s, base, degp)
    return outp[:n, :2]

# --- scband reference (transcript-rebuilt; emitter-appended) ---
"""Pipeline reference for scband-skip-gcn-67164698575458 (READ-ONLY COPY).

The authoritative reference and input builder live on the scoring server;
editing this copy changes nothing except your own understanding.
"""

import jax, jax.numpy as jnp
import numpy as np

N = 10000
E = 320000
D = 128
H = 128
OUT = 2


def setup_inputs(seed: int = 0) -> dict:
    key = jax.random.key(seed)
    ks = jax.random.split(key, 9)
    x = jax.random.normal(ks[0], (N, D), dtype=jnp.float32)
    edge_index = jax.random.randint(ks[1], (2, E), 0, N, dtype=jnp.int32)
    W1 = jax.random.normal(ks[2], (D, H), dtype=jnp.float32) * (1.0 / np.sqrt(D))
    b1 = jnp.zeros((H,), dtype=jnp.float32)
    W2 = jax.random.normal(ks[3], (H, OUT), dtype=jnp.float32) * (1.0 / np.sqrt(H))
    b2 = jnp.zeros((OUT,), dtype=jnp.float32)
    Ws = jax.random.normal(ks[4], (D, OUT), dtype=jnp.float32) * (1.0 / np.sqrt(D))
    bs = jnp.zeros((OUT,), dtype=jnp.float32)
    return {"x": x, "edge_index": edge_index, "W1": W1, "b1": b1, "W2": W2, "b2": b2, "Ws": Ws, "bs": bs}


def _gcn_conv(x, src, dst, W, b, n):
    # linear transform (PyG applies lin before propagate)
    h = x @ W
    # symmetric normalization: deg over target nodes (self-loops already in src/dst)
    deg = jnp.zeros((n,), dtype=x.dtype).at[dst].add(1.0)
    deg_inv_sqrt = jnp.where(deg > 0, 1.0 / jnp.sqrt(deg), 0.0)
    norm = deg_inv_sqrt[src] * deg_inv_sqrt[dst]
    msg = h[src] * norm[:, None]
    out = jnp.zeros((n, h.shape[1]), dtype=x.dtype).at[dst].add(msg)
    return out + b


def reference(x, edge_index, W1, b1, W2, b2, Ws, bs):
    n = x.shape[0]
    loops = jnp.arange(n, dtype=edge_index.dtype)
    src = jnp.concatenate([edge_index[0], loops])
    dst = jnp.concatenate([edge_index[1], loops])
    h = _gcn_conv(x, src, dst, W1, b1, n)
    h = jax.nn.relu(h)
    # dropout p=0.0 / eval mode -> identity
    out = _gcn_conv(h, src, dst, W2, b2, n)
    out = out + (x @ Ws + bs)
    return out

if __name__ == "__main__":
    import jax
    _d = setup_inputs()
    print(jax.jit(kernel)(*tuple(_d.values())))

</pallas_src>

<mosaic_0001>
#map = affine_map<(d0, d1) -> (0, 0)>
#map1 = affine_map<(d0, d1) -> (0, 0, 0)>
module attributes {stable_mosaic.version = 14 : i64} {
  func.func @agg(%arg0: i32, %arg1: i32, %arg2: memref<10240x16xf32, #tpu.memory_space<hbm>>, %arg3: memref<2560x128xi32, #tpu.memory_space<hbm>>, %arg4: memref<2560x128xi32, #tpu.memory_space<hbm>>, %arg5: memref<2x10240x16xf32, #tpu.memory_space<hbm>>, %arg6: memref<16x128xi32, #tpu.memory_space<vmem>>, %arg7: memref<16x128xi32, #tpu.memory_space<vmem>>, %arg8: memref<128x16xf32, #tpu.memory_space<vmem>>, %arg9: memref<128x16xf32, #tpu.memory_space<vmem>>, %arg10: memref<10240x16xf32, #tpu.memory_space<vmem_shared>>, %arg11: memref<!tpu.dma_semaphore, #tpu.memory_space<semaphore_mem>>, %arg12: memref<!tpu.dma_semaphore, #tpu.memory_space<semaphore_mem>>) attributes {dimension_semantics = [#tpu.dimension_semantics<core_parallel>, #tpu.dimension_semantics<subcore_parallel>], iteration_bounds = array<i64: 2, 16>, scalar_prefetch = 0 : i64, scratch_operands = 7 : i64, tpu.core_type = #tpu.core_type<sc_vector_subcore>, window_params = [{transform_indices = #map}, {transform_indices = #map}, {transform_indices = #map}, {transform_indices = #map1}]} {
    %eq3A = arith.constant 0 : i32
    %eq3A_0 = arith.cmpi eq, %arg0, %eq3A : i32
    %mul3A = arith.constant 96 : i32
    %mul3A_1 = arith.muli %arg1, %mul3A : i32
    %mul3A_2 = arith.constant 64 : i32
    %mul3A_3 = arith.muli %arg1, %mul3A_2 : i32
    %add3A = arith.constant 1536 : i32
    %add3A_4 = arith.addi %add3A, %mul3A_3 : i32
    %select_n3A = arith.select %eq3A_0, %mul3A_1, %add3A_4 : i32
    %eq3A_5 = arith.constant 0 : i32
    %eq3A_6 = arith.cmpi eq, %arg0, %eq3A_5 : i32
    %jit3A = arith.constant 6 : i32
    %jit3A_7 = arith.constant 4 : i32
    %select_n3A_8 = arith.select %eq3A_6, %jit3A, %jit3A_7 : i32
    %scan3A = arith.constant 0 : i32
    %scan3A_9 = arith.constant 0 : i32
    %scan3A_10 = arith.constant 128 : i32
    %scan3A_11 = arith.addi %scan3A_9, %scan3A_10 : i32
    %scan3A_12 = arith.constant 1 : i32
    %scan3A_13 = scf.for %scan3A_38 = %scan3A_9 to %scan3A_11 step %scan3A_12 iter_args(%scan3A_39 = %scan3A) -> (i32)  : i32 {
      %scan3A_40 = arith.constant 0 : i32
      %scan3A_41 = arith.constant 0 : i32
      %broadcast_in_dim3A = arith.constant 0.000000e+00 : f32
      %broadcast_in_dim3A_42 = vector.broadcast %broadcast_in_dim3A : f32 to vector<16xf32>
      %mul3A_43 = arith.constant 16 : i32
      %mul3A_44 = arith.muli %scan3A_41, %mul3A_43 : i32
      %swap3A = arith.index_cast %scan3A_38 : i32 to index
      %swap3A_45 = arith.index_cast %mul3A_44 : i32 to index
      %swap3A_46 = tpu.vector_load %arg8[%swap3A, %swap3A_45] {strides = array<i32>} : memref<128x16xf32, #tpu.memory_space<vmem>>, vector<1x16xf32>,
      %swap3A_47 = vector.shape_cast %swap3A_46 : vector<1x16xf32> to vector<16xf32>
      %swap3A_48 = vector.shape_cast %broadcast_in_dim3A_42 : vector<16xf32> to vector<1x16xf32>
      tpu.vector_store %arg8[%swap3A, %swap3A_45], %swap3A_48 {strides = array<i32>} : memref<128x16xf32, #tpu.memory_space<vmem>>, vector<1x16xf32>,
      %scan3A_49 = arith.constant 0 : i32
      %scan3A_50 = arith.constant 1 : i32
      scf.yield %scan3A_49 : i32
    }
    %scan3A_14 = arith.constant 128 : i32
    %scan3A_15 = arith.constant 0 : i32
    %scan3A_16 = arith.constant 0 : i32
    %scan3A_17 = arith.constant 5 : i32
    %scan3A_18 = arith.addi %scan3A_16, %scan3A_17 : i32
    %scan3A_19 = arith.constant 1 : i32
    %scan3A_20 = scf.for %scan3A_38 = %scan3A_16 to %scan3A_18 step %scan3A_19 iter_args(%scan3A_39 = %scan3A_15) -> (i32)  : i32 {
      %mul3A_40 = arith.constant 640 : i32
      %mul3A_41 = arith.muli %arg1, %mul3A_40 : i32
      %mul3A_42 = arith.constant 128 : i32
      %mul3A_43 = arith.muli %scan3A_38, %mul3A_42 : i32
      %add3A_44 = arith.addi %mul3A_41, %mul3A_43 : i32
      "tpu.region"() ({
        %run_scoped3A = tpu.sem_alloc : memref<!tpu.dma_semaphore, #tpu.memory_space<semaphore_mem>>
        %dma_start3A = arith.constant 0 : i32
        %dma_start3A_46 = tpu.memref_slice %arg10[%add3A_44, %dma_start3A] : memref<10240x16xf32, #tpu.memory_space<vmem_shared>> -> memref<128x16xf32, #tpu.memory_space<vmem_shared>>
        %dma_start3A_47 = arith.constant 0 : i32
        %dma_start3A_48 = tpu.memref_slice %arg10[%add3A_44, %dma_start3A_47] : memref<10240x16xf32, #tpu.memory_space<vmem_shared>> -> memref<128x16xf32, #tpu.memory_space<vmem_shared>>
        tpu.enqueue_dma source(%arg8 : memref<128x16xf32, #tpu.memory_space<vmem>>) target(%dma_start3A_48 : memref<128x16xf32, #tpu.memory_space<vmem_shared>>) target_semaphore(%run_scoped3A : memref<!tpu.dma_semaphore, #tpu.memory_space<semaphore_mem>>)
        %dma_wait3A = arith.constant 0 : i32
        %dma_wait3A_49 = tpu.memref_slice %arg10[%add3A_44, %dma_wait3A] : memref<10240x16xf32, #tpu.memory_space<vmem_shared>> -> memref<128x16xf32, #tpu.memory_space<vmem_shared>>
        %dma_wait3A_50 = arith.constant 0 : i32
        %dma_wait3A_51 = tpu.memref_slice %arg10[%add3A_44, %dma_wait3A_50] : memref<10240x16xf32, #tpu.memory_space<vmem_shared>> -> memref<128x16xf32, #tpu.memory_space<vmem_shared>>
        tpu.wait_dma2 semaphore(%run_scoped3A : memref<!tpu.dma_semaphore, #tpu.memory_space<semaphore_mem>>) src(%arg8 : memref<128x16xf32, #tpu.memory_space<vmem>>) dst(%dma_wait3A_51 : memref<128x16xf32, #tpu.memory_space<vmem_shared>>)
        tpu.yield
      }) : () -> ()
      %scan3A_45 = arith.constant 0 : i32
      scf.yield %scan3A_45 : i32
    }
    %scan3A_21 = arith.constant 5 : i32
    %barrier3A = arith.constant 0 : index
    tpu.barrier barrier_id(%barrier3A)
    %while3A = arith.constant 0 : i32
    %while3A_22 = arith.constant 0 : i32
    %while3A_23 = arith.subi %select_n3A_8, %while3A : i32
    %while3A_24 = arith.addi %while3A, %while3A_23 : i32
    %while3A_25 = arith.constant 1 : i32
    %while3A_26 = arith.divsi %while3A_23, %while3A_25 : i32
    %while3A_27 = arith.muli %while3A_26, %while3A_25 : i32
    %while3A_28 = arith.addi %while3A, %while3A_27 : i32
    %while3A_29 = arith.constant 1 : i32
    %while3A_30 = scf.for %while3A_38 = %while3A to %while3A_28 step %while3A_29 iter_args(%while3A_39 = %while3A_22) -> (i32)  : i32 {
      %mul3A_40 = arith.constant 16 : i32
      %mul3A_41 = arith.muli %while3A_38, %mul3A_40 : i32
      %add3A_42 = arith.addi %select_n3A, %mul3A_41 : i32
      "tpu.region"() ({
        %run_scoped3A_76 = tpu.sem_alloc : memref<!tpu.dma_semaphore, #tpu.memory_space<semaphore_mem>>
        %dma_start3A_77 = arith.constant 0 : i32
        %dma_start3A_78 = tpu.memref_slice %arg3[%add3A_42, %dma_start3A_77] : memref<2560x128xi32, #tpu.memory_space<hbm>> -> memref<16x128xi32, #tpu.memory_space<hbm>>
        %dma_start3A_79 = arith.constant 0 : i32
        %dma_start3A_80 = tpu.memref_slice %arg3[%add3A_42, %dma_start3A_79] : memref<2560x128xi32, #tpu.memory_space<hbm>> -> memref<16x128xi32, #tpu.memory_space<hbm>>
        tpu.enqueue_dma source(%dma_start3A_80 : memref<16x128xi32, #tpu.memory_space<hbm>>) target(%arg6 : memref<16x128xi32, #tpu.memory_space<vmem>>) target_semaphore(%run_scoped3A_76 : memref<!tpu.dma_semaphore, #tpu.memory_space<semaphore_mem>>)
        %dma_wait3A_81 = arith.constant 0 : i32
        %dma_wait3A_82 = tpu.memref_slice %arg3[%add3A_42, %dma_wait3A_81] : memref<2560x128xi32, #tpu.memory_space<hbm>> -> memref<16x128xi32, #tpu.memory_space<hbm>>
        %dma_wait3A_83 = arith.constant 0 : i32
        %dma_wait3A_84 = tpu.memref_slice %arg3[%add3A_42, %dma_wait3A_83] : memref<2560x128xi32, #tpu.memory_space<hbm>> -> memref<16x128xi32, #tpu.memory_space<hbm>>
        tpu.wait_dma2 semaphore(%run_scoped3A_76 : memref<!tpu.dma_semaphore, #tpu.memory_space<semaphore_mem>>) src(%dma_wait3A_84 : memref<16x128xi32, #tpu.memory_space<hbm>>) dst(%arg6 : memref<16x128xi32, #tpu.memory_space<vmem>>)
        tpu.yield
      }) : () -> ()
      "tpu.region"() ({
        %run_scoped3A_76 = tpu.sem_alloc : memref<!tpu.dma_semaphore, #tpu.memory_space<semaphore_mem>>
        %dma_start3A_77 = arith.constant 0 : i32
        %dma_start3A_78 = tpu.memref_slice %arg4[%add3A_42, %dma_start3A_77] : memref<2560x128xi32, #tpu.memory_space<hbm>> -> memref<16x128xi32, #tpu.memory_space<hbm>>
        %dma_start3A_79 = arith.constant 0 : i32
        %dma_start3A_80 = tpu.memref_slice %arg4[%add3A_42, %dma_start3A_79] : memref<2560x128xi32, #tpu.memory_space<hbm>> -> memref<16x128xi32, #tpu.memory_space<hbm>>
        tpu.enqueue_dma source(%dma_start3A_80 : memref<16x128xi32, #tpu.memory_space<hbm>>) target(%arg7 : memref<16x128xi32, #tpu.memory_space<vmem>>) target_semaphore(%run_scoped3A_76 : memref<!tpu.dma_semaphore, #tpu.memory_space<semaphore_mem>>)
        %dma_wait3A_81 = arith.constant 0 : i32
        %dma_wait3A_82 = tpu.memref_slice %arg4[%add3A_42, %dma_wait3A_81] : memref<2560x128xi32, #tpu.memory_space<hbm>> -> memref<16x128xi32, #tpu.memory_space<hbm>>
        %dma_wait3A_83 = arith.constant 0 : i32
        %dma_wait3A_84 = tpu.memref_slice %arg4[%add3A_42, %dma_wait3A_83] : memref<2560x128xi32, #tpu.memory_space<hbm>> -> memref<16x128xi32, #tpu.memory_space<hbm>>
        tpu.wait_dma2 semaphore(%run_scoped3A_76 : memref<!tpu.dma_semaphore, #tpu.memory_space<semaphore_mem>>) src(%dma_wait3A_84 : memref<16x128xi32, #tpu.memory_space<hbm>>) dst(%arg7 : memref<16x128xi32, #tpu.memory_space<vmem>>)
        tpu.yield
      }) : () -> ()
      %dma_start3A = arith.constant 0 : i32
      %dma_start3A_43 = arith.constant 0 : i32
      %dma_start3A_44 = tpu.memref_slice %arg6[%dma_start3A, %dma_start3A_43] : memref<16x128xi32, #tpu.memory_space<vmem>> -> memref<1x128xi32, #tpu.memory_space<vmem>>
      %dma_start3A_45 = tpu.memref_squeeze %dma_start3A_44 : memref<1x128xi32, #tpu.memory_space<vmem>> -> memref<128xi32, #tpu.memory_space<vmem>>
      %dma_start3A_46 = arith.constant 0 : i32
      %dma_start3A_47 = arith.constant 0 : i32
      %dma_start3A_48 = tpu.memref_slice %arg2[%dma_start3A_46, %dma_start3A_47] : memref<10240x16xf32, #tpu.memory_space<hbm>> -> memref<10240x16xf32, #tpu.memory_space<hbm>>
      tpu.enqueue_indirect_dma source(%dma_start3A_48 : memref<10240x16xf32, #tpu.memory_space<hbm>>) target(%arg8 : memref<128x16xf32, #tpu.memory_space<vmem>>) offsets(%dma_start3A_45 : memref<128xi32, #tpu.memory_space<vmem>>) semaphore(%arg11 : memref<!tpu.dma_semaphore, #tpu.memory_space<semaphore_mem>>)
      %scan3A_49 = arith.constant 0 : i32
      %scan3A_50 = arith.constant 0 : i32
      %scan3A_51 = arith.constant 7 : i32
      %scan3A_52 = arith.addi %scan3A_50, %scan3A_51 : i32
      %scan3A_53 = arith.constant 1 : i32
      %scan3A_54 = scf.for %scan3A_76 = %scan3A_50 to %scan3A_52 step %scan3A_53 iter_args(%scan3A_77 = %scan3A_49) -> (i32)  : i32 {
        %mul3A_78 = arith.constant 2 : i32
        %mul3A_79 = arith.muli %mul3A_78, %scan3A_76 : i32
        %add3A_80 = arith.constant 1 : i32
        %add3A_81 = arith.addi %mul3A_79, %add3A_80 : i32
        %dma_start3A_82 = arith.constant 0 : i32
        %dma_start3A_83 = tpu.memref_slice %arg6[%add3A_81, %dma_start3A_82] : memref<16x128xi32, #tpu.memory_space<vmem>> -> memref<1x128xi32, #tpu.memory_space<vmem>>
        %dma_start3A_84 = tpu.memref_squeeze %dma_start3A_83 : memref<1x128xi32, #tpu.memory_space<vmem>> -> memref<128xi32, #tpu.memory_space<vmem>>
        %dma_start3A_85 = arith.constant 0 : i32
        %dma_start3A_86 = arith.constant 0 : i32
        %dma_start3A_87 = tpu.memref_slice %arg2[%dma_start3A_85, %dma_start3A_86] : memref<10240x16xf32, #tpu.memory_space<hbm>> -> memref<10240x16xf32, #tpu.memory_space<hbm>>
        tpu.enqueue_indirect_dma source(%dma_start3A_87 : memref<10240x16xf32, #tpu.memory_space<hbm>>) target(%arg9 : memref<128x16xf32, #tpu.memory_space<vmem>>) offsets(%dma_start3A_84 : memref<128xi32, #tpu.memory_space<vmem>>) semaphore(%arg12 : memref<!tpu.dma_semaphore, #tpu.memory_space<semaphore_mem>>)
        %dma_wait3A_88 = arith.constant 0 : i32
        %dma_wait3A_89 = arith.constant 0 : i32
        %dma_wait3A_90 = tpu.memref_slice %arg2[%dma_wait3A_88, %dma_wait3A_89] : memref<10240x16xf32, #tpu.memory_space<hbm>> -> memref<128x16xf32, #tpu.memory_space<hbm>>
        %dma_wait3A_91 = arith.constant 0 : i32
        %dma_wait3A_92 = arith.constant 0 : i32
        %dma_wait3A_93 = tpu.memref_slice %arg2[%dma_wait3A_91, %dma_wait3A_92] : memref<10240x16xf32, #tpu.memory_space<hbm>> -> memref<128x16xf32, #tpu.memory_space<hbm>>
        tpu.wait_dma2 semaphore(%arg11 : memref<!tpu.dma_semaphore, #tpu.memory_space<semaphore_mem>>) src(%dma_wait3A_93 : memref<128x16xf32, #tpu.memory_space<hbm>>) dst(%arg8 : memref<128x16xf32, #tpu.memory_space<vmem>>)
        "tpu.region"() ({
          %run_scoped3A_111 = tpu.sem_alloc : memref<!tpu.dma_semaphore, #tpu.memory_space<semaphore_mem>>
          %dma_start3A_112 = arith.constant 0 : i32
          %dma_start3A_113 = tpu.memref_slice %arg7[%mul3A_79, %dma_start3A_112] : memref<16x128xi32, #tpu.memory_space<vmem>> -> memref<1x128xi32, #tpu.memory_space<vmem>>
          %dma_start3A_114 = tpu.memref_squeeze %dma_start3A_113 : memref<1x128xi32, #tpu.memory_space<vmem>> -> memref<128xi32, #tpu.memory_space<vmem>>
          %dma_start3A_115 = arith.constant 0 : i32
          %dma_start3A_116 = arith.constant 0 : i32
          %dma_start3A_117 = tpu.memref_slice %arg10[%dma_start3A_115, %dma_start3A_116] : memref<10240x16xf32, #tpu.memory_space<vmem_shared>> -> memref<10240x16xf32, #tpu.memory_space<vmem_shared>>
          tpu.enqueue_indirect_dma source(%arg8 : memref<128x16xf32, #tpu.memory_space<vmem>>) target(%dma_start3A_117 : memref<10240x16xf32, #tpu.memory_space<vmem_shared>>) offsets(%dma_start3A_114 : memref<128xi32, #tpu.memory_space<vmem>>) semaphore(%run_scoped3A_111 : memref<!tpu.dma_semaphore, #tpu.memory_space<semaphore_mem>>) {add = true}
          %dma_wait3A_118 = arith.constant 0 : i32
          %dma_wait3A_119 = tpu.memref_slice %arg7[%mul3A_79, %dma_wait3A_118] : memref<16x128xi32, #tpu.memory_space<vmem>> -> memref<1x128xi32, #tpu.memory_space<vmem>>
          %dma_wait3A_120 = tpu.memref_squeeze %dma_wait3A_119 : memref<1x128xi32, #tpu.memory_space<vmem>> -> memref<128xi32, #tpu.memory_space<vmem>>
          %dma_wait3A_121 = arith.constant 0 : i32
          %dma_wait3A_122 = arith.constant 0 : i32
          %dma_wait3A_123 = tpu.memref_slice %arg10[%dma_wait3A_121, %dma_wait3A_122] : memref<10240x16xf32, #tpu.memory_space<vmem_shared>> -> memref<10240x16xf32, #tpu.memory_space<vmem_shared>>
          tpu.wait_indirect_dma semaphore(%run_scoped3A_111 : memref<!tpu.dma_semaphore, #tpu.memory_space<semaphore_mem>>) src(%arg8 : memref<128x16xf32, #tpu.memory_space<vmem>>) dst(%dma_wait3A_123 : memref<10240x16xf32, #tpu.memory_space<vmem_shared>>)
          tpu.yield
        }) : () -> ()
        %add3A_94 = arith.constant 2 : i32
        %add3A_95 = arith.addi %mul3A_79, %add3A_94 : i32
        %dma_start3A_96 = arith.constant 0 : i32
        %dma_start3A_97 = tpu.memref_slice %arg6[%add3A_95, %dma_start3A_96] : memref<16x128xi32, #tpu.memory_space<vmem>> -> memref<1x128xi32, #tpu.memory_space<vmem>>
        %dma_start3A_98 = tpu.memref_squeeze %dma_start3A_97 : memref<1x128xi32, #tpu.memory_space<vmem>> -> memref<128xi32, #tpu.memory_space<vmem>>
        %dma_start3A_99 = arith.constant 0 : i32
        %dma_start3A_100 = arith.constant 0 : i32
        %dma_start3A_101 = tpu.memref_slice %arg2[%dma_start3A_99, %dma_start3A_100] : memref<10240x16xf32, #tpu.memory_space<hbm>> -> memref<10240x16xf32, #tpu.memory_space<hbm>>
        tpu.enqueue_indirect_dma source(%dma_start3A_101 : memref<10240x16xf32, #tpu.memory_space<hbm>>) target(%arg8 : memref<128x16xf32, #tpu.memory_space<vmem>>) offsets(%dma_start3A_98 : memref<128xi32, #tpu.memory_space<vmem>>) semaphore(%arg11 : memref<!tpu.dma_semaphore, #tpu.memory_space<semaphore_mem>>)
        %dma_wait3A_102 = arith.constant 0 : i32
        %dma_wait3A_103 = arith.constant 0 : i32
        %dma_wait3A_104 = tpu.memref_slice %arg2[%dma_wait3A_102, %dma_wait3A_103] : memref<10240x16xf32, #tpu.memory_space<hbm>> -> memref<128x16xf32, #tpu.memory_space<hbm>>
        %dma_wait3A_105 = arith.constant 0 : i32
        %dma_wait3A_106 = arith.constant 0 : i32
        %dma_wait3A_107 = tpu.memref_slice %arg2[%dma_wait3A_105, %dma_wait3A_106] : memref<10240x16xf32, #tpu.memory_space<hbm>> -> memref<128x16xf32, #tpu.memory_space<hbm>>
        tpu.wait_dma2 semaphore(%arg12 : memref<!tpu.dma_semaphore, #tpu.memory_space<semaphore_mem>>) src(%dma_wait3A_107 : memref<128x16xf32, #tpu.memory_space<hbm>>) dst(%arg9 : memref<128x16xf32, #tpu.memory_space<vmem>>)
        %add3A_108 = arith.constant 1 : i32
        %add3A_109 = arith.addi %mul3A_79, %add3A_108 : i32
        "tpu.region"() ({
          %run_scoped3A_111 = tpu.sem_alloc : memref<!tpu.dma_semaphore, #tpu.memory_space<semaphore_mem>>
          %dma_start3A_112 = arith.constant 0 : i32
          %dma_start3A_113 = tpu.memref_slice %arg7[%add3A_109, %dma_start3A_112] : memref<16x128xi32, #tpu.memory_space<vmem>> -> memref<1x128xi32, #tpu.memory_space<vmem>>
          %dma_start3A_114 = tpu.memref_squeeze %dma_start3A_113 : memref<1x128xi32, #tpu.memory_space<vmem>> -> memref<128xi32, #tpu.memory_space<vmem>>
          %dma_start3A_115 = arith.constant 0 : i32
          %dma_start3A_116 = arith.constant 0 : i32
          %dma_start3A_117 = tpu.memref_slice %arg10[%dma_start3A_115, %dma_start3A_116] : memref<10240x16xf32, #tpu.memory_space<vmem_shared>> -> memref<10240x16xf32, #tpu.memory_space<vmem_shared>>
          tpu.enqueue_indirect_dma source(%arg9 : memref<128x16xf32, #tpu.memory_space<vmem>>) target(%dma_start3A_117 : memref<10240x16xf32, #tpu.memory_space<vmem_shared>>) offsets(%dma_start3A_114 : memref<128xi32, #tpu.memory_space<vmem>>) semaphore(%run_scoped3A_111 : memref<!tpu.dma_semaphore, #tpu.memory_space<semaphore_mem>>) {add = true}
          %dma_wait3A_118 = arith.constant 0 : i32
          %dma_wait3A_119 = tpu.memref_slice %arg7[%add3A_109, %dma_wait3A_118] : memref<16x128xi32, #tpu.memory_space<vmem>> -> memref<1x128xi32, #tpu.memory_space<vmem>>
          %dma_wait3A_120 = tpu.memref_squeeze %dma_wait3A_119 : memref<1x128xi32, #tpu.memory_space<vmem>> -> memref<128xi32, #tpu.memory_space<vmem>>
          %dma_wait3A_121 = arith.constant 0 : i32
          %dma_wait3A_122 = arith.constant 0 : i32
          %dma_wait3A_123 = tpu.memref_slice %arg10[%dma_wait3A_121, %dma_wait3A_122] : memref<10240x16xf32, #tpu.memory_space<vmem_shared>> -> memref<10240x16xf32, #tpu.memory_space<vmem_shared>>
          tpu.wait_indirect_dma semaphore(%run_scoped3A_111 : memref<!tpu.dma_semaphore, #tpu.memory_space<semaphore_mem>>) src(%arg9 : memref<128x16xf32, #tpu.memory_space<vmem>>) dst(%dma_wait3A_123 : memref<10240x16xf32, #tpu.memory_space<vmem_shared>>)
          tpu.yield
        }) : () -> ()
        %scan3A_110 = arith.constant 0 : i32
        scf.yield %scan3A_110 : i32
      }
      %scan3A_55 = arith.constant 7 : i32
      %dma_start3A_56 = arith.constant 15 : i32
      %dma_start3A_57 = arith.constant 0 : i32
      %dma_start3A_58 = tpu.memref_slice %arg6[%dma_start3A_56, %dma_start3A_57] : memref<16x128xi32, #tpu.memory_space<vmem>> -> memref<1x128xi32, #tpu.memory_space<vmem>>
      %dma_start3A_59 = tpu.memref_squeeze %dma_start3A_58 : memref<1x128xi32, #tpu.memory_space<vmem>> -> memref<128xi32, #tpu.memory_space<vmem>>
      %dma_start3A_60 = arith.constant 0 : i32
      %dma_start3A_61 = arith.constant 0 : i32
      %dma_start3A_62 = tpu.memref_slice %arg2[%dma_start3A_60, %dma_start3A_61] : memref<10240x16xf32, #tpu.memory_space<hbm>> -> memref<10240x16xf32, #tpu.memory_space<hbm>>
      tpu.enqueue_indirect_dma source(%dma_start3A_62 : memref<10240x16xf32, #tpu.memory_space<hbm>>) target(%arg9 : memref<128x16xf32, #tpu.memory_space<vmem>>) offsets(%dma_start3A_59 : memref<128xi32, #tpu.memory_space<vmem>>) semaphore(%arg12 : memref<!tpu.dma_semaphore, #tpu.memory_space<semaphore_mem>>)
      %dma_wait3A = arith.constant 0 : i32
      %dma_wait3A_63 = arith.constant 0 : i32
      %dma_wait3A_64 = tpu.memref_slice %arg2[%dma_wait3A, %dma_wait3A_63] : memref<10240x16xf32, #tpu.memory_space<hbm>> -> memref<128x16xf32, #tpu.memory_space<hbm>>
      %dma_wait3A_65 = arith.constant 0 : i32
      %dma_wait3A_66 = arith.constant 0 : i32
      %dma_wait3A_67 = tpu.memref_slice %arg2[%dma_wait3A_65, %dma_wait3A_66] : memref<10240x16xf32, #tpu.memory_space<hbm>> -> memref<128x16xf32, #tpu.memory_space<hbm>>
      tpu.wait_dma2 semaphore(%arg11 : memref<!tpu.dma_semaphore, #tpu.memory_space<semaphore_mem>>) src(%dma_wait3A_67 : memref<128x16xf32, #tpu.memory_space<hbm>>) dst(%arg8 : memref<128x16xf32, #tpu.memory_space<vmem>>)
      %run_scoped3A = arith.constant 14 : i32
      "tpu.region"() ({
        %run_scoped3A_76 = tpu.sem_alloc : memref<!tpu.dma_semaphore, #tpu.memory_space<semaphore_mem>>
        %dma_start3A_77 = arith.constant 0 : i32
        %dma_start3A_78 = tpu.memref_slice %arg7[%run_scoped3A, %dma_start3A_77] : memref<16x128xi32, #tpu.memory_space<vmem>> -> memref<1x128xi32, #tpu.memory_space<vmem>>
        %dma_start3A_79 = tpu.memref_squeeze %dma_start3A_78 : memref<1x128xi32, #tpu.memory_space<vmem>> -> memref<128xi32, #tpu.memory_space<vmem>>
        %dma_start3A_80 = arith.constant 0 : i32
        %dma_start3A_81 = arith.constant 0 : i32
        %dma_start3A_82 = tpu.memref_slice %arg10[%dma_start3A_80, %dma_start3A_81] : memref<10240x16xf32, #tpu.memory_space<vmem_shared>> -> memref<10240x16xf32, #tpu.memory_space<vmem_shared>>
        tpu.enqueue_indirect_dma source(%arg8 : memref<128x16xf32, #tpu.memory_space<vmem>>) target(%dma_start3A_82 : memref<10240x16xf32, #tpu.memory_space<vmem_shared>>) offsets(%dma_start3A_79 : memref<128xi32, #tpu.memory_space<vmem>>) semaphore(%run_scoped3A_76 : memref<!tpu.dma_semaphore, #tpu.memory_space<semaphore_mem>>) {add = true}
        %dma_wait3A_83 = arith.constant 0 : i32
        %dma_wait3A_84 = tpu.memref_slice %arg7[%run_scoped3A, %dma_wait3A_83] : memref<16x128xi32, #tpu.memory_space<vmem>> -> memref<1x128xi32, #tpu.memory_space<vmem>>
        %dma_wait3A_85 = tpu.memref_squeeze %dma_wait3A_84 : memref<1x128xi32, #tpu.memory_space<vmem>> -> memref<128xi32, #tpu.memory_space<vmem>>
        %dma_wait3A_86 = arith.constant 0 : i32
        %dma_wait3A_87 = arith.constant 0 : i32
        %dma_wait3A_88 = tpu.memref_slice %arg10[%dma_wait3A_86, %dma_wait3A_87] : memref<10240x16xf32, #tpu.memory_space<vmem_shared>> -> memref<10240x16xf32, #tpu.memory_space<vmem_shared>>
        tpu.wait_indirect_dma semaphore(%run_scoped3A_76 : memref<!tpu.dma_semaphore, #tpu.memory_space<semaphore_mem>>) src(%arg8 : memref<128x16xf32, #tpu.memory_space<vmem>>) dst(%dma_wait3A_88 : memref<10240x16xf32, #tpu.memory_space<vmem_shared>>)
        tpu.yield
      }) : () -> ()
      %dma_wait3A_68 = arith.constant 0 : i32
      %dma_wait3A_69 = arith.constant 0 : i32
      %dma_wait3A_70 = tpu.memref_slice %arg2[%dma_wait3A_68, %dma_wait3A_69] : memref<10240x16xf32, #tpu.memory_space<hbm>> -> memref<128x16xf32, #tpu.memory_space<hbm>>
      %dma_wait3A_71 = arith.constant 0 : i32
      %dma_wait3A_72 = arith.constant 0 : i32
      %dma_wait3A_73 = tpu.memref_slice %arg2[%dma_wait3A_71, %dma_wait3A_72] : memref<10240x16xf32, #tpu.memory_space<hbm>> -> memref<128x16xf32, #tpu.memory_space<hbm>>
      tpu.wait_dma2 semaphore(%arg12 : memref<!tpu.dma_semaphore, #tpu.memory_space<semaphore_mem>>) src(%dma_wait3A_73 : memref<128x16xf32, #tpu.memory_space<hbm>>) dst(%arg9 : memref<128x16xf32, #tpu.memory_space<vmem>>)
      %run_scoped3A_74 = arith.constant 15 : i32
      "tpu.region"() ({
        %run_scoped3A_76 = tpu.sem_alloc : memref<!tpu.dma_semaphore, #tpu.memory_space<semaphore_mem>>
        %dma_start3A_77 = arith.constant 0 : i32
        %dma_start3A_78 = tpu.memref_slice %arg7[%run_scoped3A_74, %dma_start3A_77] : memref<16x128xi32, #tpu.memory_space<vmem>> -> memref<1x128xi32, #tpu.memory_space<vmem>>
        %dma_start3A_79 = tpu.memref_squeeze %dma_start3A_78 : memref<1x128xi32, #tpu.memory_space<vmem>> -> memref<128xi32, #tpu.memory_space<vmem>>
        %dma_start3A_80 = arith.constant 0 : i32
        %dma_start3A_81 = arith.constant 0 : i32
        %dma_start3A_82 = tpu.memref_slice %arg10[%dma_start3A_80, %dma_start3A_81] : memref<10240x16xf32, #tpu.memory_space<vmem_shared>> -> memref<10240x16xf32, #tpu.memory_space<vmem_shared>>
        tpu.enqueue_indirect_dma source(%arg9 : memref<128x16xf32, #tpu.memory_space<vmem>>) target(%dma_start3A_82 : memref<10240x16xf32, #tpu.memory_space<vmem_shared>>) offsets(%dma_start3A_79 : memref<128xi32, #tpu.memory_space<vmem>>) semaphore(%run_scoped3A_76 : memref<!tpu.dma_semaphore, #tpu.memory_space<semaphore_mem>>) {add = true}
        %dma_wait3A_83 = arith.constant 0 : i32
        %dma_wait3A_84 = tpu.memref_slice %arg7[%run_scoped3A_74, %dma_wait3A_83] : memref<16x128xi32, #tpu.memory_space<vmem>> -> memref<1x128xi32, #tpu.memory_space<vmem>>
        %dma_wait3A_85 = tpu.memref_squeeze %dma_wait3A_84 : memref<1x128xi32, #tpu.memory_space<vmem>> -> memref<128xi32, #tpu.memory_space<vmem>>
        %dma_wait3A_86 = arith.constant 0 : i32
        %dma_wait3A_87 = arith.constant 0 : i32
        %dma_wait3A_88 = tpu.memref_slice %arg10[%dma_wait3A_86, %dma_wait3A_87] : memref<10240x16xf32, #tpu.memory_space<vmem_shared>> -> memref<10240x16xf32, #tpu.memory_space<vmem_shared>>
        tpu.wait_indirect_dma semaphore(%run_scoped3A_76 : memref<!tpu.dma_semaphore, #tpu.memory_space<semaphore_mem>>) src(%arg9 : memref<128x16xf32, #tpu.memory_space<vmem>>) dst(%dma_wait3A_88 : memref<10240x16xf32, #tpu.memory_space<vmem_shared>>)
        tpu.yield
      }) : () -> ()
      %while3A_75 = arith.constant 0 : i32
      scf.yield %while3A_75 : i32
    }
    %while3A_31 = arith.constant 1 : i32
    %while3A_32 = scf.for %while3A_38 = %while3A_28 to %while3A_24 step %while3A_31 iter_args(%while3A_39 = %while3A_30) -> (i32)  : i32 {
      %mul3A_40 = arith.constant 16 : i32
      %mul3A_41 = arith.muli %while3A_38, %mul3A_40 : i32
      %add3A_42 = arith.addi %select_n3A, %mul3A_41 : i32
      "tpu.region"() ({
        %run_scoped3A_76 = tpu.sem_alloc : memref<!tpu.dma_semaphore, #tpu.memory_space<semaphore_mem>>
        %dma_start3A_77 = arith.constant 0 : i32
        %dma_start3A_78 = tpu.memref_slice %arg3[%add3A_42, %dma_start3A_77] : memref<2560x128xi32, #tpu.memory_space<hbm>> -> memref<16x128xi32, #tpu.memory_space<hbm>>
        %dma_start3A_79 = arith.constant 0 : i32
        %dma_start3A_80 = tpu.memref_slice %arg3[%add3A_42, %dma_start3A_79] : memref<2560x128xi32, #tpu.memory_space<hbm>> -> memref<16x128xi32, #tpu.memory_space<hbm>>
        tpu.enqueue_dma source(%dma_start3A_80 : memref<16x128xi32, #tpu.memory_space<hbm>>) target(%arg6 : memref<16x128xi32, #tpu.memory_space<vmem>>) target_semaphore(%run_scoped3A_76 : memref<!tpu.dma_semaphore, #tpu.memory_space<semaphore_mem>>)
        %dma_wait3A_81 = arith.constant 0 : i32
        %dma_wait3A_82 = tpu.memref_slice %arg3[%add3A_42, %dma_wait3A_81] : memref<2560x128xi32, #tpu.memory_space<hbm>> -> memref<16x128xi32, #tpu.memory_space<hbm>>
        %dma_wait3A_83 = arith.constant 0 : i32
        %dma_wait3A_84 = tpu.memref_slice %arg3[%add3A_42, %dma_wait3A_83] : memref<2560x128xi32, #tpu.memory_space<hbm>> -> memref<16x128xi32, #tpu.memory_space<hbm>>
        tpu.wait_dma2 semaphore(%run_scoped3A_76 : memref<!tpu.dma_semaphore, #tpu.memory_space<semaphore_mem>>) src(%dma_wait3A_84 : memref<16x128xi32, #tpu.memory_space<hbm>>) dst(%arg6 : memref<16x128xi32, #tpu.memory_space<vmem>>)
        tpu.yield
      }) : () -> ()
      "tpu.region"() ({
        %run_scoped3A_76 = tpu.sem_alloc : memref<!tpu.dma_semaphore, #tpu.memory_space<semaphore_mem>>
        %dma_start3A_77 = arith.constant 0 : i32
        %dma_start3A_78 = tpu.memref_slice %arg4[%add3A_42, %dma_start3A_77] : memref<2560x128xi32, #tpu.memory_space<hbm>> -> memref<16x128xi32, #tpu.memory_space<hbm>>
        %dma_start3A_79 = arith.constant 0 : i32
        %dma_start3A_80 = tpu.memref_slice %arg4[%add3A_42, %dma_start3A_79] : memref<2560x128xi32, #tpu.memory_space<hbm>> -> memref<16x128xi32, #tpu.memory_space<hbm>>
        tpu.enqueue_dma source(%dma_start3A_80 : memref<16x128xi32, #tpu.memory_space<hbm>>) target(%arg7 : memref<16x128xi32, #tpu.memory_space<vmem>>) target_semaphore(%run_scoped3A_76 : memref<!tpu.dma_semaphore, #tpu.memory_space<semaphore_mem>>)
        %dma_wait3A_81 = arith.constant 0 : i32
        %dma_wait3A_82 = tpu.memref_slice %arg4[%add3A_42, %dma_wait3A_81] : memref<2560x128xi32, #tpu.memory_space<hbm>> -> memref<16x128xi32, #tpu.memory_space<hbm>>
        %dma_wait3A_83 = arith.constant 0 : i32
        %dma_wait3A_84 = tpu.memref_slice %arg4[%add3A_42, %dma_wait3A_83] : memref<2560x128xi32, #tpu.memory_space<hbm>> -> memref<16x128xi32, #tpu.memory_space<hbm>>
        tpu.wait_dma2 semaphore(%run_scoped3A_76 : memref<!tpu.dma_semaphore, #tpu.memory_space<semaphore_mem>>) src(%dma_wait3A_84 : memref<16x128xi32, #tpu.memory_space<hbm>>) dst(%arg7 : memref<16x128xi32, #tpu.memory_space<vmem>>)
        tpu.yield
      }) : () -> ()
      %dma_start3A = arith.constant 0 : i32
      %dma_start3A_43 = arith.constant 0 : i32
      %dma_start3A_44 = tpu.memref_slice %arg6[%dma_start3A, %dma_start3A_43] : memref<16x128xi32, #tpu.memory_space<vmem>> -> memref<1x128xi32, #tpu.memory_space<vmem>>
      %dma_start3A_45 = tpu.memref_squeeze %dma_start3A_44 : memref<1x128xi32, #tpu.memory_space<vmem>> -> memref<128xi32, #tpu.memory_space<vmem>>
      %dma_start3A_46 = arith.constant 0 : i32
      %dma_start3A_47 = arith.constant 0 : i32
      %dma_start3A_48 = tpu.memref_slice %arg2[%dma_start3A_46, %dma_start3A_47] : memref<10240x16xf32, #tpu.memory_space<hbm>> -> memref<10240x16xf32, #tpu.memory_space<hbm>>
      tpu.enqueue_indirect_dma source(%dma_start3A_48 : memref<10240x16xf32, #tpu.memory_space<hbm>>) target(%arg8 : memref<128x16xf32, #tpu.memory_space<vmem>>) offsets(%dma_start3A_45 : memref<128xi32, #tpu.memory_space<vmem>>) semaphore(%arg11 : memref<!tpu.dma_semaphore, #tpu.memory_space<semaphore_mem>>)
      %scan3A_49 = arith.constant 0 : i32
      %scan3A_50 = arith.constant 0 : i32
      %scan3A_51 = arith.constant 7 : i32
      %scan3A_52 = arith.addi %scan3A_50, %scan3A_51 : i32
      %scan3A_53 = arith.constant 1 : i32
      %scan3A_54 = scf.for %scan3A_76 = %scan3A_50 to %scan3A_52 step %scan3A_53 iter_args(%scan3A_77 = %scan3A_49) -> (i32)  : i32 {
        %mul3A_78 = arith.constant 2 : i32
        %mul3A_79 = arith.muli %mul3A_78, %scan3A_76 : i32
        %add3A_80 = arith.constant 1 : i32
        %add3A_81 = arith.addi %mul3A_79, %add3A_80 : i32
        %dma_start3A_82 = arith.constant 0 : i32
        %dma_start3A_83 = tpu.memref_slice %arg6[%add3A_81, %dma_start3A_82] : memref<16x128xi32, #tpu.memory_space<vmem>> -> memref<1x128xi32, #tpu.memory_space<vmem>>
        %dma_start3A_84 = tpu.memref_squeeze %dma_start3A_83 : memref<1x128xi32, #tpu.memory_space<vmem>> -> memref<128xi32, #tpu.memory_space<vmem>>
        %dma_start3A_85 = arith.constant 0 : i32
        %dma_start3A_86 = arith.constant 0 : i32
        %dma_start3A_87 = tpu.memref_slice %arg2[%dma_start3A_85, %dma_start3A_86] : memref<10240x16xf32, #tpu.memory_space<hbm>> -> memref<10240x16xf32, #tpu.memory_space<hbm>>
        tpu.enqueue_indirect_dma source(%dma_start3A_87 : memref<10240x16xf32, #tpu.memory_space<hbm>>) target(%arg9 : memref<128x16xf32, #tpu.memory_space<vmem>>) offsets(%dma_start3A_84 : memref<128xi32, #tpu.memory_space<vmem>>) semaphore(%arg12 : memref<!tpu.dma_semaphore, #tpu.memory_space<semaphore_mem>>)
        %dma_wait3A_88 = arith.constant 0 : i32
        %dma_wait3A_89 = arith.constant 0 : i32
        %dma_wait3A_90 = tpu.memref_slice %arg2[%dma_wait3A_88, %dma_wait3A_89] : memref<10240x16xf32, #tpu.memory_space<hbm>> -> memref<128x16xf32, #tpu.memory_space<hbm>>
        %dma_wait3A_91 = arith.constant 0 : i32
        %dma_wait3A_92 = arith.constant 0 : i32
        %dma_wait3A_93 = tpu.memref_slice %arg2[%dma_wait3A_91, %dma_wait3A_92] : memref<10240x16xf32, #tpu.memory_space<hbm>> -> memref<128x16xf32, #tpu.memory_space<hbm>>
        tpu.wait_dma2 semaphore(%arg11 : memref<!tpu.dma_semaphore, #tpu.memory_space<semaphore_mem>>) src(%dma_wait3A_93 : memref<128x16xf32, #tpu.memory_space<hbm>>) dst(%arg8 : memref<128x16xf32, #tpu.memory_space<vmem>>)
        "tpu.region"() ({
          %run_scoped3A_111 = tpu.sem_alloc : memref<!tpu.dma_semaphore, #tpu.memory_space<semaphore_mem>>
          %dma_start3A_112 = arith.constant 0 : i32
          %dma_start3A_113 = tpu.memref_slice %arg7[%mul3A_79, %dma_start3A_112] : memref<16x128xi32, #tpu.memory_space<vmem>> -> memref<1x128xi32, #tpu.memory_space<vmem>>
          %dma_start3A_114 = tpu.memref_squeeze %dma_start3A_113 : memref<1x128xi32, #tpu.memory_space<vmem>> -> memref<128xi32, #tpu.memory_space<vmem>>
          %dma_start3A_115 = arith.constant 0 : i32
          %dma_start3A_116 = arith.constant 0 : i32
          %dma_start3A_117 = tpu.memref_slice %arg10[%dma_start3A_115, %dma_start3A_116] : memref<10240x16xf32, #tpu.memory_space<vmem_shared>> -> memref<10240x16xf32, #tpu.memory_space<vmem_shared>>
          tpu.enqueue_indirect_dma source(%arg8 : memref<128x16xf32, #tpu.memory_space<vmem>>) target(%dma_start3A_117 : memref<10240x16xf32, #tpu.memory_space<vmem_shared>>) offsets(%dma_start3A_114 : memref<128xi32, #tpu.memory_space<vmem>>) semaphore(%run_scoped3A_111 : memref<!tpu.dma_semaphore, #tpu.memory_space<semaphore_mem>>) {add = true}
          %dma_wait3A_118 = arith.constant 0 : i32
          %dma_wait3A_119 = tpu.memref_slice %arg7[%mul3A_79, %dma_wait3A_118] : memref<16x128xi32, #tpu.memory_space<vmem>> -> memref<1x128xi32, #tpu.memory_space<vmem>>
          %dma_wait3A_120 = tpu.memref_squeeze %dma_wait3A_119 : memref<1x128xi32, #tpu.memory_space<vmem>> -> memref<128xi32, #tpu.memory_space<vmem>>
          %dma_wait3A_121 = arith.constant 0 : i32
          %dma_wait3A_122 = arith.constant 0 : i32
          %dma_wait3A_123 = tpu.memref_slice %arg10[%dma_wait3A_121, %dma_wait3A_122] : memref<10240x16xf32, #tpu.memory_space<vmem_shared>> -> memref<10240x16xf32, #tpu.memory_space<vmem_shared>>
          tpu.wait_indirect_dma semaphore(%run_scoped3A_111 : memref<!tpu.dma_semaphore, #tpu.memory_space<semaphore_mem>>) src(%arg8 : memref<128x16xf32, #tpu.memory_space<vmem>>) dst(%dma_wait3A_123 : memref<10240x16xf32, #tpu.memory_space<vmem_shared>>)
          tpu.yield
        }) : () -> ()
        %add3A_94 = arith.constant 2 : i32
        %add3A_95 = arith.addi %mul3A_79, %add3A_94 : i32
        %dma_start3A_96 = arith.constant 0 : i32
        %dma_start3A_97 = tpu.memref_slice %arg6[%add3A_95, %dma_start3A_96] : memref<16x128xi32, #tpu.memory_space<vmem>> -> memref<1x128xi32, #tpu.memory_space<vmem>>
        %dma_start3A_98 = tpu.memref_squeeze %dma_start3A_97 : memref<1x128xi32, #tpu.memory_space<vmem>> -> memref<128xi32, #tpu.memory_space<vmem>>
        %dma_start3A_99 = arith.constant 0 : i32
        %dma_start3A_100 = arith.constant 0 : i32
        %dma_start3A_101 = tpu.memref_slice %arg2[%dma_start3A_99, %dma_start3A_100] : memref<10240x16xf32, #tpu.memory_space<hbm>> -> memref<10240x16xf32, #tpu.memory_space<hbm>>
        tpu.enqueue_indirect_dma source(%dma_start3A_101 : memref<10240x16xf32, #tpu.memory_space<hbm>>) target(%arg8 : memref<128x16xf32, #tpu.memory_space<vmem>>) offsets(%dma_start3A_98 : memref<128xi32, #tpu.memory_space<vmem>>) semaphore(%arg11 : memref<!tpu.dma_semaphore, #tpu.memory_space<semaphore_mem>>)
        %dma_wait3A_102 = arith.constant 0 : i32
        %dma_wait3A_103 = arith.constant 0 : i32
        %dma_wait3A_104 = tpu.memref_slice %arg2[%dma_wait3A_102, %dma_wait3A_103] : memref<10240x16xf32, #tpu.memory_space<hbm>> -> memref<128x16xf32, #tpu.memory_space<hbm>>
        %dma_wait3A_105 = arith.constant 0 : i32
        %dma_wait3A_106 = arith.constant 0 : i32
        %dma_wait3A_107 = tpu.memref_slice %arg2[%dma_wait3A_105, %dma_wait3A_106] : memref<10240x16xf32, #tpu.memory_space<hbm>> -> memref<128x16xf32, #tpu.memory_space<hbm>>
        tpu.wait_dma2 semaphore(%arg12 : memref<!tpu.dma_semaphore, #tpu.memory_space<semaphore_mem>>) src(%dma_wait3A_107 : memref<128x16xf32, #tpu.memory_space<hbm>>) dst(%arg9 : memref<128x16xf32, #tpu.memory_space<vmem>>)
        %add3A_108 = arith.constant 1 : i32
        %add3A_109 = arith.addi %mul3A_79, %add3A_108 : i32
        "tpu.region"() ({
          %run_scoped3A_111 = tpu.sem_alloc : memref<!tpu.dma_semaphore, #tpu.memory_space<semaphore_mem>>
          %dma_start3A_112 = arith.constant 0 : i32
          %dma_start3A_113 = tpu.memref_slice %arg7[%add3A_109, %dma_start3A_112] : memref<16x128xi32, #tpu.memory_space<vmem>> -> memref<1x128xi32, #tpu.memory_space<vmem>>
          %dma_start3A_114 = tpu.memref_squeeze %dma_start3A_113 : memref<1x128xi32, #tpu.memory_space<vmem>> -> memref<128xi32, #tpu.memory_space<vmem>>
          %dma_start3A_115 = arith.constant 0 : i32
          %dma_start3A_116 = arith.constant 0 : i32
          %dma_start3A_117 = tpu.memref_slice %arg10[%dma_start3A_115, %dma_start3A_116] : memref<10240x16xf32, #tpu.memory_space<vmem_shared>> -> memref<10240x16xf32, #tpu.memory_space<vmem_shared>>
          tpu.enqueue_indirect_dma source(%arg9 : memref<128x16xf32, #tpu.memory_space<vmem>>) target(%dma_start3A_117 : memref<10240x16xf32, #tpu.memory_space<vmem_shared>>) offsets(%dma_start3A_114 : memref<128xi32, #tpu.memory_space<vmem>>) semaphore(%run_scoped3A_111 : memref<!tpu.dma_semaphore, #tpu.memory_space<semaphore_mem>>) {add = true}
          %dma_wait3A_118 = arith.constant 0 : i32
          %dma_wait3A_119 = tpu.memref_slice %arg7[%add3A_109, %dma_wait3A_118] : memref<16x128xi32, #tpu.memory_space<vmem>> -> memref<1x128xi32, #tpu.memory_space<vmem>>
          %dma_wait3A_120 = tpu.memref_squeeze %dma_wait3A_119 : memref<1x128xi32, #tpu.memory_space<vmem>> -> memref<128xi32, #tpu.memory_space<vmem>>
          %dma_wait3A_121 = arith.constant 0 : i32
          %dma_wait3A_122 = arith.constant 0 : i32
          %dma_wait3A_123 = tpu.memref_slice %arg10[%dma_wait3A_121, %dma_wait3A_122] : memref<10240x16xf32, #tpu.memory_space<vmem_shared>> -> memref<10240x16xf32, #tpu.memory_space<vmem_shared>>
          tpu.wait_indirect_dma semaphore(%run_scoped3A_111 : memref<!tpu.dma_semaphore, #tpu.memory_space<semaphore_mem>>) src(%arg9 : memref<128x16xf32, #tpu.memory_space<vmem>>) dst(%dma_wait3A_123 : memref<10240x16xf32, #tpu.memory_space<vmem_shared>>)
          tpu.yield
        }) : () -> ()
        %scan3A_110 = arith.constant 0 : i32
        scf.yield %scan3A_110 : i32
      }
      %scan3A_55 = arith.constant 7 : i32
      %dma_start3A_56 = arith.constant 15 : i32
      %dma_start3A_57 = arith.constant 0 : i32
      %dma_start3A_58 = tpu.memref_slice %arg6[%dma_start3A_56, %dma_start3A_57] : memref<16x128xi32, #tpu.memory_space<vmem>> -> memref<1x128xi32, #tpu.memory_space<vmem>>
      %dma_start3A_59 = tpu.memref_squeeze %dma_start3A_58 : memref<1x128xi32, #tpu.memory_space<vmem>> -> memref<128xi32, #tpu.memory_space<vmem>>
      %dma_start3A_60 = arith.constant 0 : i32
      %dma_start3A_61 = arith.constant 0 : i32
      %dma_start3A_62 = tpu.memref_slice %arg2[%dma_start3A_60, %dma_start3A_61] : memref<10240x16xf32, #tpu.memory_space<hbm>> -> memref<10240x16xf32, #tpu.memory_space<hbm>>
      tpu.enqueue_indirect_dma source(%dma_start3A_62 : memref<10240x16xf32, #tpu.memory_space<hbm>>) target(%arg9 : memref<128x16xf32, #tpu.memory_space<vmem>>) offsets(%dma_start3A_59 : memref<128xi32, #tpu.memory_space<vmem>>) semaphore(%arg12 : memref<!tpu.dma_semaphore, #tpu.memory_space<semaphore_mem>>)
      %dma_wait3A = arith.constant 0 : i32
      %dma_wait3A_63 = arith.constant 0 : i32
      %dma_wait3A_64 = tpu.memref_slice %arg2[%dma_wait3A, %dma_wait3A_63] : memref<10240x16xf32, #tpu.memory_space<hbm>> -> memref<128x16xf32, #tpu.memory_space<hbm>>
      %dma_wait3A_65 = arith.constant 0 : i32
      %dma_wait3A_66 = arith.constant 0 : i32
      %dma_wait3A_67 = tpu.memref_slice %arg2[%dma_wait3A_65, %dma_wait3A_66] : memref<10240x16xf32, #tpu.memory_space<hbm>> -> memref<128x16xf32, #tpu.memory_space<hbm>>
      tpu.wait_dma2 semaphore(%arg11 : memref<!tpu.dma_semaphore, #tpu.memory_space<semaphore_mem>>) src(%dma_wait3A_67 : memref<128x16xf32, #tpu.memory_space<hbm>>) dst(%arg8 : memref<128x16xf32, #tpu.memory_space<vmem>>)
      %run_scoped3A = arith.constant 14 : i32
      "tpu.region"() ({
        %run_scoped3A_76 = tpu.sem_alloc : memref<!tpu.dma_semaphore, #tpu.memory_space<semaphore_mem>>
        %dma_start3A_77 = arith.constant 0 : i32
        %dma_start3A_78 = tpu.memref_slice %arg7[%run_scoped3A, %dma_start3A_77] : memref<16x128xi32, #tpu.memory_space<vmem>> -> memref<1x128xi32, #tpu.memory_space<vmem>>
        %dma_start3A_79 = tpu.memref_squeeze %dma_start3A_78 : memref<1x128xi32, #tpu.memory_space<vmem>> -> memref<128xi32, #tpu.memory_space<vmem>>
        %dma_start3A_80 = arith.constant 0 : i32
        %dma_start3A_81 = arith.constant 0 : i32
        %dma_start3A_82 = tpu.memref_slice %arg10[%dma_start3A_80, %dma_start3A_81] : memref<10240x16xf32, #tpu.memory_space<vmem_shared>> -> memref<10240x16xf32, #tpu.memory_space<vmem_shared>>
        tpu.enqueue_indirect_dma source(%arg8 : memref<128x16xf32, #tpu.memory_space<vmem>>) target(%dma_start3A_82 : memref<10240x16xf32, #tpu.memory_space<vmem_shared>>) offsets(%dma_start3A_79 : memref<128xi32, #tpu.memory_space<vmem>>) semaphore(%run_scoped3A_76 : memref<!tpu.dma_semaphore, #tpu.memory_space<semaphore_mem>>) {add = true}
        %dma_wait3A_83 = arith.constant 0 : i32
        %dma_wait3A_84 = tpu.memref_slice %arg7[%run_scoped3A, %dma_wait3A_83] : memref<16x128xi32, #tpu.memory_space<vmem>> -> memref<1x128xi32, #tpu.memory_space<vmem>>
        %dma_wait3A_85 = tpu.memref_squeeze %dma_wait3A_84 : memref<1x128xi32, #tpu.memory_space<vmem>> -> memref<128xi32, #tpu.memory_space<vmem>>
        %dma_wait3A_86 = arith.constant 0 : i32
        %dma_wait3A_87 = arith.constant 0 : i32
        %dma_wait3A_88 = tpu.memref_slice %arg10[%dma_wait3A_86, %dma_wait3A_87] : memref<10240x16xf32, #tpu.memory_space<vmem_shared>> -> memref<10240x16xf32, #tpu.memory_space<vmem_shared>>
        tpu.wait_indirect_dma semaphore(%run_scoped3A_76 : memref<!tpu.dma_semaphore, #tpu.memory_space<semaphore_mem>>) src(%arg8 : memref<128x16xf32, #tpu.memory_space<vmem>>) dst(%dma_wait3A_88 : memref<10240x16xf32, #tpu.memory_space<vmem_shared>>)
        tpu.yield
      }) : () -> ()
      %dma_wait3A_68 = arith.constant 0 : i32
      %dma_wait3A_69 = arith.constant 0 : i32
      %dma_wait3A_70 = tpu.memref_slice %arg2[%dma_wait3A_68, %dma_wait3A_69] : memref<10240x16xf32, #tpu.memory_space<hbm>> -> memref<128x16xf32, #tpu.memory_space<hbm>>
      %dma_wait3A_71 = arith.constant 0 : i32
      %dma_wait3A_72 = arith.constant 0 : i32
      %dma_wait3A_73 = tpu.memref_slice %arg2[%dma_wait3A_71, %dma_wait3A_72] : memref<10240x16xf32, #tpu.memory_space<hbm>> -> memref<128x16xf32, #tpu.memory_space<hbm>>
      tpu.wait_dma2 semaphore(%arg12 : memref<!tpu.dma_semaphore, #tpu.memory_space<semaphore_mem>>) src(%dma_wait3A_73 : memref<128x16xf32, #tpu.memory_space<hbm>>) dst(%arg9 : memref<128x16xf32, #tpu.memory_space<vmem>>)
      %run_scoped3A_74 = arith.constant 15 : i32
      "tpu.region"() ({
        %run_scoped3A_76 = tpu.sem_alloc : memref<!tpu.dma_semaphore, #tpu.memory_space<semaphore_mem>>
        %dma_start3A_77 = arith.constant 0 : i32
        %dma_start3A_78 = tpu.memref_slice %arg7[%run_scoped3A_74, %dma_start3A_77] : memref<16x128xi32, #tpu.memory_space<vmem>> -> memref<1x128xi32, #tpu.memory_space<vmem>>
        %dma_start3A_79 = tpu.memref_squeeze %dma_start3A_78 : memref<1x128xi32, #tpu.memory_space<vmem>> -> memref<128xi32, #tpu.memory_space<vmem>>
        %dma_start3A_80 = arith.constant 0 : i32
        %dma_start3A_81 = arith.constant 0 : i32
        %dma_start3A_82 = tpu.memref_slice %arg10[%dma_start3A_80, %dma_start3A_81] : memref<10240x16xf32, #tpu.memory_space<vmem_shared>> -> memref<10240x16xf32, #tpu.memory_space<vmem_shared>>
        tpu.enqueue_indirect_dma source(%arg9 : memref<128x16xf32, #tpu.memory_space<vmem>>) target(%dma_start3A_82 : memref<10240x16xf32, #tpu.memory_space<vmem_shared>>) offsets(%dma_start3A_79 : memref<128xi32, #tpu.memory_space<vmem>>) semaphore(%run_scoped3A_76 : memref<!tpu.dma_semaphore, #tpu.memory_space<semaphore_mem>>) {add = true}
        %dma_wait3A_83 = arith.constant 0 : i32
        %dma_wait3A_84 = tpu.memref_slice %arg7[%run_scoped3A_74, %dma_wait3A_83] : memref<16x128xi32, #tpu.memory_space<vmem>> -> memref<1x128xi32, #tpu.memory_space<vmem>>
        %dma_wait3A_85 = tpu.memref_squeeze %dma_wait3A_84 : memref<1x128xi32, #tpu.memory_space<vmem>> -> memref<128xi32, #tpu.memory_space<vmem>>
        %dma_wait3A_86 = arith.constant 0 : i32
        %dma_wait3A_87 = arith.constant 0 : i32
        %dma_wait3A_88 = tpu.memref_slice %arg10[%dma_wait3A_86, %dma_wait3A_87] : memref<10240x16xf32, #tpu.memory_space<vmem_shared>> -> memref<10240x16xf32, #tpu.memory_space<vmem_shared>>
        tpu.wait_indirect_dma semaphore(%run_scoped3A_76 : memref<!tpu.dma_semaphore, #tpu.memory_space<semaphore_mem>>) src(%arg9 : memref<128x16xf32, #tpu.memory_space<vmem>>) dst(%dma_wait3A_88 : memref<10240x16xf32, #tpu.memory_space<vmem_shared>>)
        tpu.yield
      }) : () -> ()
      %while3A_75 = arith.constant 0 : i32
      scf.yield %while3A_75 : i32
    }
    %barrier3A_33 = arith.constant 0 : index
    tpu.barrier barrier_id(%barrier3A_33)
    %mul3A_34 = arith.constant 640 : i32
    %mul3A_35 = arith.muli %arg1, %mul3A_34 : i32
    %mul3A_36 = arith.constant 640 : i32
    %mul3A_37 = arith.muli %arg1, %mul3A_36 : i32
    "tpu.region"() ({
      %run_scoped3A = tpu.sem_alloc : memref<!tpu.dma_semaphore, #tpu.memory_space<semaphore_mem>>
      %dma_start3A = arith.constant 0 : i32
      %dma_start3A_38 = tpu.memref_slice %arg5[%arg0, %mul3A_37, %dma_start3A] : memref<2x10240x16xf32, #tpu.memory_space<hbm>> -> memref<1x640x16xf32, #tpu.memory_space<hbm>>
      %dma_start3A_39 = tpu.memref_squeeze %dma_start3A_38 : memref<1x640x16xf32, #tpu.memory_space<hbm>> -> memref<640x16xf32, #tpu.memory_space<hbm>>
      %dma_start3A_40 = arith.constant 0 : i32
      %dma_start3A_41 = tpu.memref_slice %arg10[%mul3A_35, %dma_start3A_40] : memref<10240x16xf32, #tpu.memory_space<vmem_shared>> -> memref<640x16xf32, #tpu.memory_space<vmem_shared>>
      tpu.enqueue_dma source(%dma_start3A_41 : memref<640x16xf32, #tpu.memory_space<vmem_shared>>) target(%dma_start3A_39 : memref<640x16xf32, #tpu.memory_space<hbm>>) target_semaphore(%run_scoped3A : memref<!tpu.dma_semaphore, #tpu.memory_space<semaphore_mem>>)
      %dma_wait3A = arith.constant 0 : i32
      %dma_wait3A_42 = tpu.memref_slice %arg5[%arg0, %mul3A_37, %dma_wait3A] : memref<2x10240x16xf32, #tpu.memory_space<hbm>> -> memref<1x640x16xf32, #tpu.memory_space<hbm>>
      %dma_wait3A_43 = tpu.memref_squeeze %dma_wait3A_42 : memref<1x640x16xf32, #tpu.memory_space<hbm>> -> memref<640x16xf32, #tpu.memory_space<hbm>>
      %dma_wait3A_44 = arith.constant 0 : i32
      %dma_wait3A_45 = tpu.memref_slice %arg10[%mul3A_35, %dma_wait3A_44] : memref<10240x16xf32, #tpu.memory_space<vmem_shared>> -> memref<640x16xf32, #tpu.memory_space<vmem_shared>>
      tpu.wait_dma2 semaphore(%run_scoped3A : memref<!tpu.dma_semaphore, #tpu.memory_space<semaphore_mem>>) src(%dma_wait3A_45 : memref<640x16xf32, #tpu.memory_space<vmem_shared>>) dst(%dma_wait3A_43 : memref<640x16xf32, #tpu.memory_space<hbm>>)
      tpu.yield
    }) : () -> ()
    return
  }
}

#map = affine_map<(d0, d1) -> (0, 0)>
#map1 = affine_map<(d0, d1) -> (0, 0, 0)>
module attributes {stable_mosaic.version = 14 : i64} {
  func.func @deg(%arg0: i32, %arg1: i32, %arg2: memref<2560x128xi32, #tpu.memory_space<hbm>>, %arg3: memref<2x10240x16xf32, #tpu.memory_space<hbm>>, %arg4: memref<80x128xi32, #tpu.memory_space<vmem>>, %arg5: memref<128x16xf32, #tpu.memory_space<vmem>>, %arg6: memref<128x16xf32, #tpu.memory_space<vmem>>, %arg7: memref<10240x16xf32, #tpu.memory_space<vmem_shared>>, %arg8: memref<!tpu.dma_semaphore, #tpu.memory_space<semaphore_mem>>) attributes {dimension_semantics = [#tpu.dimension_semantics<core_parallel>, #tpu.dimension_semantics<subcore_parallel>], iteration_bounds = array<i64: 2, 16>, scalar_prefetch = 0 : i64, scratch_operands = 5 : i64, tpu.core_type = #tpu.core_type<sc_vector_subcore>, window_params = [{transform_indices = #map}, {transform_indices = #map1}]} {
    %mul3A = arith.constant 2 : i32
    %mul3A_0 = arith.muli %arg1, %mul3A : i32
    %add3A = arith.addi %mul3A_0, %arg0 : i32
    %mul3A_1 = arith.constant 80 : i32
    %mul3A_2 = arith.muli %add3A, %mul3A_1 : i32
    "tpu.region"() ({
      %run_scoped3A = tpu.sem_alloc : memref<!tpu.dma_semaphore, #tpu.memory_space<semaphore_mem>>
      %dma_start3A = arith.constant 0 : i32
      %dma_start3A_28 = tpu.memref_slice %arg2[%mul3A_2, %dma_start3A] : memref<2560x128xi32, #tpu.memory_space<hbm>> -> memref<80x128xi32, #tpu.memory_space<hbm>>
      %dma_start3A_29 = arith.constant 0 : i32
      %dma_start3A_30 = tpu.memref_slice %arg2[%mul3A_2, %dma_start3A_29] : memref<2560x128xi32, #tpu.memory_space<hbm>> -> memref<80x128xi32, #tpu.memory_space<hbm>>
      tpu.enqueue_dma source(%dma_start3A_30 : memref<80x128xi32, #tpu.memory_space<hbm>>) target(%arg4 : memref<80x128xi32, #tpu.memory_space<vmem>>) target_semaphore(%run_scoped3A : memref<!tpu.dma_semaphore, #tpu.memory_space<semaphore_mem>>)
      %dma_wait3A = arith.constant 0 : i32
      %dma_wait3A_31 = tpu.memref_slice %arg2[%mul3A_2, %dma_wait3A] : memref<2560x128xi32, #tpu.memory_space<hbm>> -> memref<80x128xi32, #tpu.memory_space<hbm>>
      %dma_wait3A_32 = arith.constant 0 : i32
      %dma_wait3A_33 = tpu.memref_slice %arg2[%mul3A_2, %dma_wait3A_32] : memref<2560x128xi32, #tpu.memory_space<hbm>> -> memref<80x128xi32, #tpu.memory_space<hbm>>
      tpu.wait_dma2 semaphore(%run_scoped3A : memref<!tpu.dma_semaphore, #tpu.memory_space<semaphore_mem>>) src(%dma_wait3A_33 : memref<80x128xi32, #tpu.memory_space<hbm>>) dst(%arg4 : memref<80x128xi32, #tpu.memory_space<vmem>>)
      tpu.yield
    }) : () -> ()
    %scan3A = arith.constant 0 : i32
    %scan3A_3 = arith.constant 0 : i32
    %scan3A_4 = arith.constant 128 : i32
    %scan3A_5 = arith.addi %scan3A_3, %scan3A_4 : i32
    %scan3A_6 = arith.constant 1 : i32
    %scan3A_7 = scf.for %scan3A_28 = %scan3A_3 to %scan3A_5 step %scan3A_6 iter_args(%scan3A_29 = %scan3A) -> (i32)  : i32 {
      %broadcast_in_dim3A = arith.constant 1.000000e+00 : f32
      %broadcast_in_dim3A_30 = vector.broadcast %broadcast_in_dim3A : f32 to vector<16xf32>
      %swap3A = arith.index_cast %scan3A_28 : i32 to index
      %swap3A_31 = arith.constant 0 : index
      %swap3A_32 = tpu.vector_load %arg5[%swap3A, %swap3A_31] {strides = array<i32>} : memref<128x16xf32, #tpu.memory_space<vmem>>, vector<1x16xf32>,
      %swap3A_33 = vector.shape_cast %swap3A_32 : vector<1x16xf32> to vector<16xf32>
      %swap3A_34 = vector.shape_cast %broadcast_in_dim3A_30 : vector<16xf32> to vector<1x16xf32>
      tpu.vector_store %arg5[%swap3A, %swap3A_31], %swap3A_34 {strides = array<i32>} : memref<128x16xf32, #tpu.memory_space<vmem>>, vector<1x16xf32>,
      %broadcast_in_dim3A_35 = arith.constant 0.000000e+00 : f32
      %broadcast_in_dim3A_36 = vector.broadcast %broadcast_in_dim3A_35 : f32 to vector<16xf32>
      %swap3A_37 = arith.index_cast %scan3A_28 : i32 to index
      %swap3A_38 = arith.constant 0 : index
      %swap3A_39 = tpu.vector_load %arg6[%swap3A_37, %swap3A_38] {strides = array<i32>} : memref<128x16xf32, #tpu.memory_space<vmem>>, vector<1x16xf32>,
      %swap3A_40 = vector.shape_cast %swap3A_39 : vector<1x16xf32> to vector<16xf32>
      %swap3A_41 = vector.shape_cast %broadcast_in_dim3A_36 : vector<16xf32> to vector<1x16xf32>
      tpu.vector_store %arg6[%swap3A_37, %swap3A_38], %swap3A_41 {strides = array<i32>} : memref<128x16xf32, #tpu.memory_space<vmem>>, vector<1x16xf32>,
      %scan3A_42 = arith.constant 0 : i32
      scf.yield %scan3A_42 : i32
    }
    %scan3A_8 = arith.constant 128 : i32
    %scan3A_9 = arith.constant 0 : i32
    %scan3A_10 = arith.constant 0 : i32
    %scan3A_11 = arith.constant 5 : i32
    %scan3A_12 = arith.addi %scan3A_10, %scan3A_11 : i32
    %scan3A_13 = arith.constant 1 : i32
    %scan3A_14 = scf.for %scan3A_28 = %scan3A_10 to %scan3A_12 step %scan3A_13 iter_args(%scan3A_29 = %scan3A_9) -> (i32)  : i32 {
      %mul3A_30 = arith.constant 640 : i32
      %mul3A_31 = arith.muli %arg1, %mul3A_30 : i32
      %mul3A_32 = arith.constant 128 : i32
      %mul3A_33 = arith.muli %scan3A_28, %mul3A_32 : i32
      %add3A_34 = arith.addi %mul3A_31, %mul3A_33 : i32
      "tpu.region"() ({
        %run_scoped3A = tpu.sem_alloc : memref<!tpu.dma_semaphore, #tpu.memory_space<semaphore_mem>>
        %dma_start3A = arith.constant 0 : i32
        %dma_start3A_36 = tpu.memref_slice %arg7[%add3A_34, %dma_start3A] : memref<10240x16xf32, #tpu.memory_space<vmem_shared>> -> memref<128x16xf32, #tpu.memory_space<vmem_shared>>
        %dma_start3A_37 = arith.constant 0 : i32
        %dma_start3A_38 = tpu.memref_slice %arg7[%add3A_34, %dma_start3A_37] : memref<10240x16xf32, #tpu.memory_space<vmem_shared>> -> memref<128x16xf32, #tpu.memory_space<vmem_shared>>
        tpu.enqueue_dma source(%arg6 : memref<128x16xf32, #tpu.memory_space<vmem>>) target(%dma_start3A_38 : memref<128x16xf32, #tpu.memory_space<vmem_shared>>) target_semaphore(%run_scoped3A : memref<!tpu.dma_semaphore, #tpu.memory_space<semaphore_mem>>)
        %dma_wait3A = arith.constant 0 : i32
        %dma_wait3A_39 = tpu.memref_slice %arg7[%add3A_34, %dma_wait3A] : memref<10240x16xf32, #tpu.memory_space<vmem_shared>> -> memref<128x16xf32, #tpu.memory_space<vmem_shared>>
        %dma_wait3A_40 = arith.constant 0 : i32
        %dma_wait3A_41 = tpu.memref_slice %arg7[%add3A_34, %dma_wait3A_40] : memref<10240x16xf32, #tpu.memory_space<vmem_shared>> -> memref<128x16xf32, #tpu.memory_space<vmem_shared>>
        tpu.wait_dma2 semaphore(%run_scoped3A : memref<!tpu.dma_semaphore, #tpu.memory_space<semaphore_mem>>) src(%arg6 : memref<128x16xf32, #tpu.memory_space<vmem>>) dst(%dma_wait3A_41 : memref<128x16xf32, #tpu.memory_space<vmem_shared>>)
        tpu.yield
      }) : () -> ()
      %scan3A_35 = arith.constant 0 : i32
      scf.yield %scan3A_35 : i32
    }
    %scan3A_15 = arith.constant 5 : i32
    %barrier3A = arith.constant 0 : index
    tpu.barrier barrier_id(%barrier3A)
    %scan3A_16 = arith.constant 0 : i32
    %scan3A_17 = arith.constant 0 : i32
    %scan3A_18 = arith.constant 80 : i32
    %scan3A_19 = arith.addi %scan3A_17, %scan3A_18 : i32
    %scan3A_20 = arith.constant 1 : i32
    %scan3A_21 = scf.for %scan3A_28 = %scan3A_17 to %scan3A_19 step %scan3A_20 iter_args(%scan3A_29 = %scan3A_16) -> (i32)  : i32 {
      "tpu.region"() ({
        %run_scoped3A = tpu.sem_alloc : memref<!tpu.dma_semaphore, #tpu.memory_space<semaphore_mem>>
        %dma_start3A = arith.constant 0 : i32
        %dma_start3A_31 = tpu.memref_slice %arg4[%scan3A_28, %dma_start3A] : memref<80x128xi32, #tpu.memory_space<vmem>> -> memref<1x128xi32, #tpu.memory_space<vmem>>
        %dma_start3A_32 = tpu.memref_squeeze %dma_start3A_31 : memref<1x128xi32, #tpu.memory_space<vmem>> -> memref<128xi32, #tpu.memory_space<vmem>>
        %dma_start3A_33 = arith.constant 0 : i32
        %dma_start3A_34 = arith.constant 0 : i32
        %dma_start3A_35 = tpu.memref_slice %arg7[%dma_start3A_33, %dma_start3A_34] : memref<10240x16xf32, #tpu.memory_space<vmem_shared>> -> memref<10240x16xf32, #tpu.memory_space<vmem_shared>>
        tpu.enqueue_indirect_dma source(%arg5 : memref<128x16xf32, #tpu.memory_space<vmem>>) target(%dma_start3A_35 : memref<10240x16xf32, #tpu.memory_space<vmem_shared>>) offsets(%dma_start3A_32 : memref<128xi32, #tpu.memory_space<vmem>>) semaphore(%run_scoped3A : memref<!tpu.dma_semaphore, #tpu.memory_space<semaphore_mem>>) {add = true}
        %dma_wait3A = arith.constant 0 : i32
        %dma_wait3A_36 = tpu.memref_slice %arg4[%scan3A_28, %dma_wait3A] : memref<80x128xi32, #tpu.memory_space<vmem>> -> memref<1x128xi32, #tpu.memory_space<vmem>>
        %dma_wait3A_37 = tpu.memref_squeeze %dma_wait3A_36 : memref<1x128xi32, #tpu.memory_space<vmem>> -> memref<128xi32, #tpu.memory_space<vmem>>
        %dma_wait3A_38 = arith.constant 0 : i32
        %dma_wait3A_39 = arith.constant 0 : i32
        %dma_wait3A_40 = tpu.memref_slice %arg7[%dma_wait3A_38, %dma_wait3A_39] : memref<10240x16xf32, #tpu.memory_space<vmem_shared>> -> memref<10240x16xf32, #tpu.memory_space<vmem_shared>>
        tpu.wait_indirect_dma semaphore(%run_scoped3A : memref<!tpu.dma_semaphore, #tpu.memory_space<semaphore_mem>>) src(%arg5 : memref<128x16xf32, #tpu.memory_space<vmem>>) dst(%dma_wait3A_40 : memref<10240x16xf32, #tpu.memory_space<vmem_shared>>)
        tpu.yield
      }) : () -> ()
      %scan3A_30 = arith.constant 0 : i32
      scf.yield %scan3A_30 : i32
    }
    %scan3A_22 = arith.constant 80 : i32
    %barrier3A_23 = arith.constant 0 : index
    tpu.barrier barrier_id(%barrier3A_23)
    %mul3A_24 = arith.constant 640 : i32
    %mul3A_25 = arith.muli %arg1, %mul3A_24 : i32
    %mul3A_26 = arith.constant 640 : i32
    %mul3A_27 = arith.muli %arg1, %mul3A_26 : i32
    "tpu.region"() ({
      %run_scoped3A = tpu.sem_alloc : memref<!tpu.dma_semaphore, #tpu.memory_space<semaphore_mem>>
      %dma_start3A = arith.constant 0 : i32
      %dma_start3A_28 = tpu.memref_slice %arg3[%arg0, %mul3A_27, %dma_start3A] : memref<2x10240x16xf32, #tpu.memory_space<hbm>> -> memref<1x640x16xf32, #tpu.memory_space<hbm>>
      %dma_start3A_29 = tpu.memref_squeeze %dma_start3A_28 : memref<1x640x16xf32, #tpu.memory_space<hbm>> -> memref<640x16xf32, #tpu.memory_space<hbm>>
      %dma_start3A_30 = arith.constant 0 : i32
      %dma_start3A_31 = tpu.memref_slice %arg7[%mul3A_25, %dma_start3A_30] : memref<10240x16xf32, #tpu.memory_space<vmem_shared>> -> memref<640x16xf32, #tpu.memory_space<vmem_shared>>
      tpu.enqueue_dma source(%dma_start3A_31 : memref<640x16xf32, #tpu.memory_space<vmem_shared>>) target(%dma_start3A_29 : memref<640x16xf32, #tpu.memory_space<hbm>>) target_semaphore(%run_scoped3A : memref<!tpu.dma_semaphore, #tpu.memory_space<semaphore_mem>>)
      %dma_wait3A = arith.constant 0 : i32
      %dma_wait3A_32 = tpu.memref_slice %arg3[%arg0, %mul3A_27, %dma_wait3A] : memref<2x10240x16xf32, #tpu.memory_space<hbm>> -> memref<1x640x16xf32, #tpu.memory_space<hbm>>
      %dma_wait3A_33 = tpu.memref_squeeze %dma_wait3A_32 : memref<1x640x16xf32, #tpu.memory_space<hbm>> -> memref<640x16xf32, #tpu.memory_space<hbm>>
      %dma_wait3A_34 = arith.constant 0 : i32
      %dma_wait3A_35 = tpu.memref_slice %arg7[%mul3A_25, %dma_wait3A_34] : memref<10240x16xf32, #tpu.memory_space<vmem_shared>> -> memref<640x16xf32, #tpu.memory_space<vmem_shared>>
      tpu.wait_dma2 semaphore(%run_scoped3A : memref<!tpu.dma_semaphore, #tpu.memory_space<semaphore_mem>>) src(%dma_wait3A_35 : memref<640x16xf32, #tpu.memory_space<vmem_shared>>) dst(%dma_wait3A_33 : memref<640x16xf32, #tpu.memory_space<hbm>>)
      tpu.yield
    }) : () -> ()
    return
  }
}

#map = affine_map<(d0, d1) -> (0, 0)>
#map1 = affine_map<(d0, d1) -> (0, 0, 0)>
module attributes {stable_mosaic.version = 14 : i64} {
  func.func @agg(%arg0: i32, %arg1: i32, %arg2: memref<10240x128xf32, #tpu.memory_space<hbm>>, %arg3: memref<2560x128xi32, #tpu.memory_space<hbm>>, %arg4: memref<2560x128xi32, #tpu.memory_space<hbm>>, %arg5: memref<2x10240x128xf32, #tpu.memory_space<hbm>>, %arg6: memref<8x128xi32, #tpu.memory_space<vmem>>, %arg7: memref<8x128xi32, #tpu.memory_space<vmem>>, %arg8: memref<128x128xf32, #tpu.memory_space<vmem>>, %arg9: memref<128x128xf32, #tpu.memory_space<vmem>>, %arg10: memref<10240x128xf32, #tpu.memory_space<vmem_shared>>, %arg11: memref<!tpu.dma_semaphore, #tpu.memory_space<semaphore_mem>>, %arg12: memref<!tpu.dma_semaphore, #tpu.memory_space<semaphore_mem>>) attributes {dimension_semantics = [#tpu.dimension_semantics<core_parallel>, #tpu.dimension_semantics<subcore_parallel>], iteration_bounds = array<i64: 2, 16>, scalar_prefetch = 0 : i64, scratch_operands = 7 : i64, tpu.core_type = #tpu.core_type<sc_vector_subcore>, window_params = [{transform_indices = #map}, {transform_indices = #map}, {transform_indices = #map}, {transform_indices = #map1}]} {
    %eq3A = arith.constant 0 : i32
    %eq3A_0 = arith.cmpi eq, %arg0, %eq3A : i32
    %mul3A = arith.constant 120 : i32
    %mul3A_1 = arith.muli %arg1, %mul3A : i32
    %mul3A_2 = arith.constant 40 : i32
    %mul3A_3 = arith.muli %arg1, %mul3A_2 : i32
    %add3A = arith.constant 1920 : i32
    %add3A_4 = arith.addi %add3A, %mul3A_3 : i32
    %select_n3A = arith.select %eq3A_0, %mul3A_1, %add3A_4 : i32
    %eq3A_5 = arith.constant 0 : i32
    %eq3A_6 = arith.cmpi eq, %arg0, %eq3A_5 : i32
    %jit3A = arith.constant 15 : i32
    %jit3A_7 = arith.constant 5 : i32
    %select_n3A_8 = arith.select %eq3A_6, %jit3A, %jit3A_7 : i32
    %scan3A = arith.constant 0 : i32
    %scan3A_9 = arith.constant 0 : i32
    %scan3A_10 = arith.constant 128 : i32
    %scan3A_11 = arith.addi %scan3A_9, %scan3A_10 : i32
    %scan3A_12 = arith.constant 1 : i32
    %scan3A_13 = scf.for %scan3A_38 = %scan3A_9 to %scan3A_11 step %scan3A_12 iter_args(%scan3A_39 = %scan3A) -> (i32)  : i32 {
      %scan3A_40 = arith.constant 0 : i32
      %scan3A_41 = arith.constant 0 : i32
      %scan3A_42 = arith.constant 8 : i32
      %scan3A_43 = arith.addi %scan3A_41, %scan3A_42 : i32
      %scan3A_44 = arith.constant 1 : i32
      %scan3A_45 = scf.for %scan3A_47 = %scan3A_41 to %scan3A_43 step %scan3A_44 iter_args(%scan3A_48 = %scan3A_40) -> (i32)  : i32 {
        %broadcast_in_dim3A = arith.constant 0.000000e+00 : f32
        %broadcast_in_dim3A_49 = vector.broadcast %broadcast_in_dim3A : f32 to vector<16xf32>
        %mul3A_50 = arith.constant 16 : i32
        %mul3A_51 = arith.muli %scan3A_47, %mul3A_50 : i32
        %swap3A = arith.index_cast %scan3A_38 : i32 to index
        %swap3A_52 = arith.index_cast %mul3A_51 : i32 to index
        %swap3A_53 = tpu.vector_load %arg8[%swap3A, %swap3A_52] {strides = array<i32>} : memref<128x128xf32, #tpu.memory_space<vmem>>, vector<1x16xf32>,
        %swap3A_54 = vector.shape_cast %swap3A_53 : vector<1x16xf32> to vector<16xf32>
        %swap3A_55 = vector.shape_cast %broadcast_in_dim3A_49 : vector<16xf32> to vector<1x16xf32>
        tpu.vector_store %arg8[%swap3A, %swap3A_52], %swap3A_55 {strides = array<i32>} : memref<128x128xf32, #tpu.memory_space<vmem>>, vector<1x16xf32>,
        %scan3A_56 = arith.constant 0 : i32
        scf.yield %scan3A_56 : i32
      }
      %scan3A_46 = arith.constant 8 : i32
      scf.yield %scan3A_45 : i32
    }
    %scan3A_14 = arith.constant 128 : i32
    %scan3A_15 = arith.constant 0 : i32
    %scan3A_16 = arith.constant 0 : i32
    %scan3A_17 = arith.constant 5 : i32
    %scan3A_18 = arith.addi %scan3A_16, %scan3A_17 : i32
    %scan3A_19 = arith.constant 1 : i32
    %scan3A_20 = scf.for %scan3A_38 = %scan3A_16 to %scan3A_18 step %scan3A_19 iter_args(%scan3A_39 = %scan3A_15) -> (i32)  : i32 {
      %mul3A_40 = arith.constant 640 : i32
      %mul3A_41 = arith.muli %arg1, %mul3A_40 : i32
      %mul3A_42 = arith.constant 128 : i32
      %mul3A_43 = arith.muli %scan3A_38, %mul3A_42 : i32
      %add3A_44 = arith.addi %mul3A_41, %mul3A_43 : i32
      "tpu.region"() ({
        %run_scoped3A = tpu.sem_alloc : memref<!tpu.dma_semaphore, #tpu.memory_space<semaphore_mem>>
        %dma_start3A = arith.constant 0 : i32
        %dma_start3A_46 = tpu.memref_slice %arg10[%add3A_44, %dma_start3A] : memref<10240x128xf32, #tpu.memory_space<vmem_shared>> -> memref<128x128xf32, #tpu.memory_space<vmem_shared>>
        %dma_start3A_47 = arith.constant 0 : i32
        %dma_start3A_48 = tpu.memref_slice %arg10[%add3A_44, %dma_start3A_47] : memref<10240x128xf32, #tpu.memory_space<vmem_shared>> -> memref<128x128xf32, #tpu.memory_space<vmem_shared>>
        tpu.enqueue_dma source(%arg8 : memref<128x128xf32, #tpu.memory_space<vmem>>) target(%dma_start3A_48 : memref<128x128xf32, #tpu.memory_space<vmem_shared>>) target_semaphore(%run_scoped3A : memref<!tpu.dma_semaphore, #tpu.memory_space<semaphore_mem>>)
        %dma_wait3A = arith.constant 0 : i32
        %dma_wait3A_49 = tpu.memref_slice %arg10[%add3A_44, %dma_wait3A] : memref<10240x128xf32, #tpu.memory_space<vmem_shared>> -> memref<128x128xf32, #tpu.memory_space<vmem_shared>>
        %dma_wait3A_50 = arith.constant 0 : i32
        %dma_wait3A_51 = tpu.memref_slice %arg10[%add3A_44, %dma_wait3A_50] : memref<10240x128xf32, #tpu.memory_space<vmem_shared>> -> memref<128x128xf32, #tpu.memory_space<vmem_shared>>
        tpu.wait_dma2 semaphore(%run_scoped3A : memref<!tpu.dma_semaphore, #tpu.memory_space<semaphore_mem>>) src(%arg8 : memref<128x128xf32, #tpu.memory_space<vmem>>) dst(%dma_wait3A_51 : memref<128x128xf32, #tpu.memory_space<vmem_shared>>)
        tpu.yield
      }) : () -> ()
      %scan3A_45 = arith.constant 0 : i32
      scf.yield %scan3A_45 : i32
    }
    %scan3A_21 = arith.constant 5 : i32
    %barrier3A = arith.constant 0 : index
    tpu.barrier barrier_id(%barrier3A)
    %while3A = arith.constant 0 : i32
    %while3A_22 = arith.constant 0 : i32
    %while3A_23 = arith.subi %select_n3A_8, %while3A : i32
    %while3A_24 = arith.addi %while3A, %while3A_23 : i32
    %while3A_25 = arith.constant 1 : i32
    %while3A_26 = arith.divsi %while3A_23, %while3A_25 : i32
    %while3A_27 = arith.muli %while3A_26, %while3A_25 : i32
    %while3A_28 = arith.addi %while3A, %while3A_27 : i32
    %while3A_29 = arith.constant 1 : i32
    %while3A_30 = scf.for %while3A_38 = %while3A to %while3A_28 step %while3A_29 iter_args(%while3A_39 = %while3A_22) -> (i32)  : i32 {
      %mul3A_40 = arith.constant 8 : i32
      %mul3A_41 = arith.muli %while3A_38, %mul3A_40 : i32
      %add3A_42 = arith.addi %select_n3A, %mul3A_41 : i32
      "tpu.region"() ({
        %run_scoped3A_76 = tpu.sem_alloc : memref<!tpu.dma_semaphore, #tpu.memory_space<semaphore_mem>>
        %dma_start3A_77 = arith.constant 0 : i32
        %dma_start3A_78 = tpu.memref_slice %arg3[%add3A_42, %dma_start3A_77] : memref<2560x128xi32, #tpu.memory_space<hbm>> -> memref<8x128xi32, #tpu.memory_space<hbm>>
        %dma_start3A_79 = arith.constant 0 : i32
        %dma_start3A_80 = tpu.memref_slice %arg3[%add3A_42, %dma_start3A_79] : memref<2560x128xi32, #tpu.memory_space<hbm>> -> memref<8x128xi32, #tpu.memory_space<hbm>>
        tpu.enqueue_dma source(%dma_start3A_80 : memref<8x128xi32, #tpu.memory_space<hbm>>) target(%arg6 : memref<8x128xi32, #tpu.memory_space<vmem>>) target_semaphore(%run_scoped3A_76 : memref<!tpu.dma_semaphore, #tpu.memory_space<semaphore_mem>>)
        %dma_wait3A_81 = arith.constant 0 : i32
        %dma_wait3A_82 = tpu.memref_slice %arg3[%add3A_42, %dma_wait3A_81] : memref<2560x128xi32, #tpu.memory_space<hbm>> -> memref<8x128xi32, #tpu.memory_space<hbm>>
        %dma_wait3A_83 = arith.constant 0 : i32
        %dma_wait3A_84 = tpu.memref_slice %arg3[%add3A_42, %dma_wait3A_83] : memref<2560x128xi32, #tpu.memory_space<hbm>> -> memref<8x128xi32, #tpu.memory_space<hbm>>
        tpu.wait_dma2 semaphore(%run_scoped3A_76 : memref<!tpu.dma_semaphore, #tpu.memory_space<semaphore_mem>>) src(%dma_wait3A_84 : memref<8x128xi32, #tpu.memory_space<hbm>>) dst(%arg6 : memref<8x128xi32, #tpu.memory_space<vmem>>)
        tpu.yield
      }) : () -> ()
      "tpu.region"() ({
        %run_scoped3A_76 = tpu.sem_alloc : memref<!tpu.dma_semaphore, #tpu.memory_space<semaphore_mem>>
        %dma_start3A_77 = arith.constant 0 : i32
        %dma_start3A_78 = tpu.memref_slice %arg4[%add3A_42, %dma_start3A_77] : memref<2560x128xi32, #tpu.memory_space<hbm>> -> memref<8x128xi32, #tpu.memory_space<hbm>>
        %dma_start3A_79 = arith.constant 0 : i32
        %dma_start3A_80 = tpu.memref_slice %arg4[%add3A_42, %dma_start3A_79] : memref<2560x128xi32, #tpu.memory_space<hbm>> -> memref<8x128xi32, #tpu.memory_space<hbm>>
        tpu.enqueue_dma source(%dma_start3A_80 : memref<8x128xi32, #tpu.memory_space<hbm>>) target(%arg7 : memref<8x128xi32, #tpu.memory_space<vmem>>) target_semaphore(%run_scoped3A_76 : memref<!tpu.dma_semaphore, #tpu.memory_space<semaphore_mem>>)
        %dma_wait3A_81 = arith.constant 0 : i32
        %dma_wait3A_82 = tpu.memref_slice %arg4[%add3A_42, %dma_wait3A_81] : memref<2560x128xi32, #tpu.memory_space<hbm>> -> memref<8x128xi32, #tpu.memory_space<hbm>>
        %dma_wait3A_83 = arith.constant 0 : i32
        %dma_wait3A_84 = tpu.memref_slice %arg4[%add3A_42, %dma_wait3A_83] : memref<2560x128xi32, #tpu.memory_space<hbm>> -> memref<8x128xi32, #tpu.memory_space<hbm>>
        tpu.wait_dma2 semaphore(%run_scoped3A_76 : memref<!tpu.dma_semaphore, #tpu.memory_space<semaphore_mem>>) src(%dma_wait3A_84 : memref<8x128xi32, #tpu.memory_space<hbm>>) dst(%arg7 : memref<8x128xi32, #tpu.memory_space<vmem>>)
        tpu.yield
      }) : () -> ()
      %dma_start3A = arith.constant 0 : i32
      %dma_start3A_43 = arith.constant 0 : i32
      %dma_start3A_44 = tpu.memref_slice %arg6[%dma_start3A, %dma_start3A_43] : memref<8x128xi32, #tpu.memory_space<vmem>> -> memref<1x128xi32, #tpu.memory_space<vmem>>
      %dma_start3A_45 = tpu.memref_squeeze %dma_start3A_44 : memref<1x128xi32, #tpu.memory_space<vmem>> -> memref<128xi32, #tpu.memory_space<vmem>>
      %dma_start3A_46 = arith.constant 0 : i32
      %dma_start3A_47 = arith.constant 0 : i32
      %dma_start3A_48 = tpu.memref_slice %arg2[%dma_start3A_46, %dma_start3A_47] : memref<10240x128xf32, #tpu.memory_space<hbm>> -> memref<10240x128xf32, #tpu.memory_space<hbm>>
      tpu.enqueue_indirect_dma source(%dma_start3A_48 : memref<10240x128xf32, #tpu.memory_space<hbm>>) target(%arg8 : memref<128x128xf32, #tpu.memory_space<vmem>>) offsets(%dma_start3A_45 : memref<128xi32, #tpu.memory_space<vmem>>) semaphore(%arg11 : memref<!tpu.dma_semaphore, #tpu.memory_space<semaphore_mem>>)
      %scan3A_49 = arith.constant 0 : i32
      %scan3A_50 = arith.constant 0 : i32
      %scan3A_51 = arith.constant 3 : i32
      %scan3A_52 = arith.addi %scan3A_50, %scan3A_51 : i32
      %scan3A_53 = arith.constant 1 : i32
      %scan3A_54 = scf.for %scan3A_76 = %scan3A_50 to %scan3A_52 step %scan3A_53 iter_args(%scan3A_77 = %scan3A_49) -> (i32)  : i32 {
        %mul3A_78 = arith.constant 2 : i32
        %mul3A_79 = arith.muli %mul3A_78, %scan3A_76 : i32
        %add3A_80 = arith.constant 1 : i32
        %add3A_81 = arith.addi %mul3A_79, %add3A_80 : i32
        %dma_start3A_82 = arith.constant 0 : i32
        %dma_start3A_83 = tpu.memref_slice %arg6[%add3A_81, %dma_start3A_82] : memref<8x128xi32, #tpu.memory_space<vmem>> -> memref<1x128xi32, #tpu.memory_space<vmem>>
        %dma_start3A_84 = tpu.memref_squeeze %dma_start3A_83 : memref<1x128xi32, #tpu.memory_space<vmem>> -> memref<128xi32, #tpu.memory_space<vmem>>
        %dma_start3A_85 = arith.constant 0 : i32
        %dma_start3A_86 = arith.constant 0 : i32
        %dma_start3A_87 = tpu.memref_slice %arg2[%dma_start3A_85, %dma_start3A_86] : memref<10240x128xf32, #tpu.memory_space<hbm>> -> memref<10240x128xf32, #tpu.memory_space<hbm>>
        tpu.enqueue_indirect_dma source(%dma_start3A_87 : memref<10240x128xf32, #tpu.memory_space<hbm>>) target(%arg9 : memref<128x128xf32, #tpu.memory_space<vmem>>) offsets(%dma_start3A_84 : memref<128xi32, #tpu.memory_space<vmem>>) semaphore(%arg12 : memref<!tpu.dma_semaphore, #tpu.memory_space<semaphore_mem>>)
        %dma_wait3A_88 = arith.constant 0 : i32
        %dma_wait3A_89 = arith.constant 0 : i32
        %dma_wait3A_90 = tpu.memref_slice %arg2[%dma_wait3A_88, %dma_wait3A_89] : memref<10240x128xf32, #tpu.memory_space<hbm>> -> memref<128x128xf32, #tpu.memory_space<hbm>>
        %dma_wait3A_91 = arith.constant 0 : i32
        %dma_wait3A_92 = arith.constant 0 : i32
        %dma_wait3A_93 = tpu.memref_slice %arg2[%dma_wait3A_91, %dma_wait3A_92] : memref<10240x128xf32, #tpu.memory_space<hbm>> -> memref<128x128xf32, #tpu.memory_space<hbm>>
        tpu.wait_dma2 semaphore(%arg11 : memref<!tpu.dma_semaphore, #tpu.memory_space<semaphore_mem>>) src(%dma_wait3A_93 : memref<128x128xf32, #tpu.memory_space<hbm>>) dst(%arg8 : memref<128x128xf32, #tpu.memory_space<vmem>>)
        "tpu.region"() ({
          %run_scoped3A_111 = tpu.sem_alloc : memref<!tpu.dma_semaphore, #tpu.memory_space<semaphore_mem>>
          %dma_start3A_112 = arith.constant 0 : i32
          %dma_start3A_113 = tpu.memref_slice %arg7[%mul3A_79, %dma_start3A_112] : memref<8x128xi32, #tpu.memory_space<vmem>> -> memref<1x128xi32, #tpu.memory_space<vmem>>
          %dma_start3A_114 = tpu.memref_squeeze %dma_start3A_113 : memref<1x128xi32, #tpu.memory_space<vmem>> -> memref<128xi32, #tpu.memory_space<vmem>>
          %dma_start3A_115 = arith.constant 0 : i32
          %dma_start3A_116 = arith.constant 0 : i32
          %dma_start3A_117 = tpu.memref_slice %arg10[%dma_start3A_115, %dma_start3A_116] : memref<10240x128xf32, #tpu.memory_space<vmem_shared>> -> memref<10240x128xf32, #tpu.memory_space<vmem_shared>>
          tpu.enqueue_indirect_dma source(%arg8 : memref<128x128xf32, #tpu.memory_space<vmem>>) target(%dma_start3A_117 : memref<10240x128xf32, #tpu.memory_space<vmem_shared>>) offsets(%dma_start3A_114 : memref<128xi32, #tpu.memory_space<vmem>>) semaphore(%run_scoped3A_111 : memref<!tpu.dma_semaphore, #tpu.memory_space<semaphore_mem>>) {add = true}
          %dma_wait3A_118 = arith.constant 0 : i32
          %dma_wait3A_119 = tpu.memref_slice %arg7[%mul3A_79, %dma_wait3A_118] : memref<8x128xi32, #tpu.memory_space<vmem>> -> memref<1x128xi32, #tpu.memory_space<vmem>>
          %dma_wait3A_120 = tpu.memref_squeeze %dma_wait3A_119 : memref<1x128xi32, #tpu.memory_space<vmem>> -> memref<128xi32, #tpu.memory_space<vmem>>
          %dma_wait3A_121 = arith.constant 0 : i32
          %dma_wait3A_122 = arith.constant 0 : i32
          %dma_wait3A_123 = tpu.memref_slice %arg10[%dma_wait3A_121, %dma_wait3A_122] : memref<10240x128xf32, #tpu.memory_space<vmem_shared>> -> memref<10240x128xf32, #tpu.memory_space<vmem_shared>>
          tpu.wait_indirect_dma semaphore(%run_scoped3A_111 : memref<!tpu.dma_semaphore, #tpu.memory_space<semaphore_mem>>) src(%arg8 : memref<128x128xf32, #tpu.memory_space<vmem>>) dst(%dma_wait3A_123 : memref<10240x128xf32, #tpu.memory_space<vmem_shared>>)
          tpu.yield
        }) : () -> ()
        %add3A_94 = arith.constant 2 : i32
        %add3A_95 = arith.addi %mul3A_79, %add3A_94 : i32
        %dma_start3A_96 = arith.constant 0 : i32
        %dma_start3A_97 = tpu.memref_slice %arg6[%add3A_95, %dma_start3A_96] : memref<8x128xi32, #tpu.memory_space<vmem>> -> memref<1x128xi32, #tpu.memory_space<vmem>>
        %dma_start3A_98 = tpu.memref_squeeze %dma_start3A_97 : memref<1x128xi32, #tpu.memory_space<vmem>> -> memref<128xi32, #tpu.memory_space<vmem>>
        %dma_start3A_99 = arith.constant 0 : i32
        %dma_start3A_100 = arith.constant 0 : i32
        %dma_start3A_101 = tpu.memref_slice %arg2[%dma_start3A_99, %dma_start3A_100] : memref<10240x128xf32, #tpu.memory_space<hbm>> -> memref<10240x128xf32, #tpu.memory_space<hbm>>
        tpu.enqueue_indirect_dma source(%dma_start3A_101 : memref<10240x128xf32, #tpu.memory_space<hbm>>) target(%arg8 : memref<128x128xf32, #tpu.memory_space<vmem>>) offsets(%dma_start3A_98 : memref<128xi32, #tpu.memory_space<vmem>>) semaphore(%arg11 : memref<!tpu.dma_semaphore, #tpu.memory_space<semaphore_mem>>)
        %dma_wait3A_102 = arith.constant 0 : i32
        %dma_wait3A_103 = arith.constant 0 : i32
        %dma_wait3A_104 = tpu.memref_slice %arg2[%dma_wait3A_102, %dma_wait3A_103] : memref<10240x128xf32, #tpu.memory_space<hbm>> -> memref<128x128xf32, #tpu.memory_space<hbm>>
        %dma_wait3A_105 = arith.constant 0 : i32
        %dma_wait3A_106 = arith.constant 0 : i32
        %dma_wait3A_107 = tpu.memref_slice %arg2[%dma_wait3A_105, %dma_wait3A_106] : memref<10240x128xf32, #tpu.memory_space<hbm>> -> memref<128x128xf32, #tpu.memory_space<hbm>>
        tpu.wait_dma2 semaphore(%arg12 : memref<!tpu.dma_semaphore, #tpu.memory_space<semaphore_mem>>) src(%dma_wait3A_107 : memref<128x128xf32, #tpu.memory_space<hbm>>) dst(%arg9 : memref<128x128xf32, #tpu.memory_space<vmem>>)
        %add3A_108 = arith.constant 1 : i32
        %add3A_109 = arith.addi %mul3A_79, %add3A_108 : i32
        "tpu.region"() ({
          %run_scoped3A_111 = tpu.sem_alloc : memref<!tpu.dma_semaphore, #tpu.memory_space<semaphore_mem>>
          %dma_start3A_112 = arith.constant 0 : i32
          %dma_start3A_113 = tpu.memref_slice %arg7[%add3A_109, %dma_start3A_112] : memref<8x128xi32, #tpu.memory_space<vmem>> -> memref<1x128xi32, #tpu.memory_space<vmem>>
          %dma_start3A_114 = tpu.memref_squeeze %dma_start3A_113 : memref<1x128xi32, #tpu.memory_space<vmem>> -> memref<128xi32, #tpu.memory_space<vmem>>
          %dma_start3A_115 = arith.constant 0 : i32
          %dma_start3A_116 = arith.constant 0 : i32
          %dma_start3A_117 = tpu.memref_slice %arg10[%dma_start3A_115, %dma_start3A_116] : memref<10240x128xf32, #tpu.memory_space<vmem_shared>> -> memref<10240x128xf32, #tpu.memory_space<vmem_shared>>
          tpu.enqueue_indirect_dma source(%arg9 : memref<128x128xf32, #tpu.memory_space<vmem>>) target(%dma_start3A_117 : memref<10240x128xf32, #tpu.memory_space<vmem_shared>>) offsets(%dma_start3A_114 : memref<128xi32, #tpu.memory_space<vmem>>) semaphore(%run_scoped3A_111 : memref<!tpu.dma_semaphore, #tpu.memory_space<semaphore_mem>>) {add = true}
          %dma_wait3A_118 = arith.constant 0 : i32
          %dma_wait3A_119 = tpu.memref_slice %arg7[%add3A_109, %dma_wait3A_118] : memref<8x128xi32, #tpu.memory_space<vmem>> -> memref<1x128xi32, #tpu.memory_space<vmem>>
          %dma_wait3A_120 = tpu.memref_squeeze %dma_wait3A_119 : memref<1x128xi32, #tpu.memory_space<vmem>> -> memref<128xi32, #tpu.memory_space<vmem>>
          %dma_wait3A_121 = arith.constant 0 : i32
          %dma_wait3A_122 = arith.constant 0 : i32
          %dma_wait3A_123 = tpu.memref_slice %arg10[%dma_wait3A_121, %dma_wait3A_122] : memref<10240x128xf32, #tpu.memory_space<vmem_shared>> -> memref<10240x128xf32, #tpu.memory_space<vmem_shared>>
          tpu.wait_indirect_dma semaphore(%run_scoped3A_111 : memref<!tpu.dma_semaphore, #tpu.memory_space<semaphore_mem>>) src(%arg9 : memref<128x128xf32, #tpu.memory_space<vmem>>) dst(%dma_wait3A_123 : memref<10240x128xf32, #tpu.memory_space<vmem_shared>>)
          tpu.yield
        }) : () -> ()
        %scan3A_110 = arith.constant 0 : i32
        scf.yield %scan3A_110 : i32
      }
      %scan3A_55 = arith.constant 3 : i32
      %dma_start3A_56 = arith.constant 7 : i32
      %dma_start3A_57 = arith.constant 0 : i32
      %dma_start3A_58 = tpu.memref_slice %arg6[%dma_start3A_56, %dma_start3A_57] : memref<8x128xi32, #tpu.memory_space<vmem>> -> memref<1x128xi32, #tpu.memory_space<vmem>>
      %dma_start3A_59 = tpu.memref_squeeze %dma_start3A_58 : memref<1x128xi32, #tpu.memory_space<vmem>> -> memref<128xi32, #tpu.memory_space<vmem>>
      %dma_start3A_60 = arith.constant 0 : i32
      %dma_start3A_61 = arith.constant 0 : i32
      %dma_start3A_62 = tpu.memref_slice %arg2[%dma_start3A_60, %dma_start3A_61] : memref<10240x128xf32, #tpu.memory_space<hbm>> -> memref<10240x128xf32, #tpu.memory_space<hbm>>
      tpu.enqueue_indirect_dma source(%dma_start3A_62 : memref<10240x128xf32, #tpu.memory_space<hbm>>) target(%arg9 : memref<128x128xf32, #tpu.memory_space<vmem>>) offsets(%dma_start3A_59 : memref<128xi32, #tpu.memory_space<vmem>>) semaphore(%arg12 : memref<!tpu.dma_semaphore, #tpu.memory_space<semaphore_mem>>)
      %dma_wait3A = arith.constant 0 : i32
      %dma_wait3A_63 = arith.constant 0 : i32
      %dma_wait3A_64 = tpu.memref_slice %arg2[%dma_wait3A, %dma_wait3A_63] : memref<10240x128xf32, #tpu.memory_space<hbm>> -> memref<128x128xf32, #tpu.memory_space<hbm>>
      %dma_wait3A_65 = arith.constant 0 : i32
      %dma_wait3A_66 = arith.constant 0 : i32
      %dma_wait3A_67 = tpu.memref_slice %arg2[%dma_wait3A_65, %dma_wait3A_66] : memref<10240x128xf32, #tpu.memory_space<hbm>> -> memref<128x128xf32, #tpu.memory_space<hbm>>
      tpu.wait_dma2 semaphore(%arg11 : memref<!tpu.dma_semaphore, #tpu.memory_space<semaphore_mem>>) src(%dma_wait3A_67 : memref<128x128xf32, #tpu.memory_space<hbm>>) dst(%arg8 : memref<128x128xf32, #tpu.memory_space<vmem>>)
      %run_scoped3A = arith.constant 6 : i32
      "tpu.region"() ({
        %run_scoped3A_76 = tpu.sem_alloc : memref<!tpu.dma_semaphore, #tpu.memory_space<semaphore_mem>>
        %dma_start3A_77 = arith.constant 0 : i32
        %dma_start3A_78 = tpu.memref_slice %arg7[%run_scoped3A, %dma_start3A_77] : memref<8x128xi32, #tpu.memory_space<vmem>> -> memref<1x128xi32, #tpu.memory_space<vmem>>
        %dma_start3A_79 = tpu.memref_squeeze %dma_start3A_78 : memref<1x128xi32, #tpu.memory_space<vmem>> -> memref<128xi32, #tpu.memory_space<vmem>>
        %dma_start3A_80 = arith.constant 0 : i32
        %dma_start3A_81 = arith.constant 0 : i32
        %dma_start3A_82 = tpu.memref_slice %arg10[%dma_start3A_80, %dma_start3A_81] : memref<10240x128xf32, #tpu.memory_space<vmem_shared>> -> memref<10240x128xf32, #tpu.memory_space<vmem_shared>>
        tpu.enqueue_indirect_dma source(%arg8 : memref<128x128xf32, #tpu.memory_space<vmem>>) target(%dma_start3A_82 : memref<10240x128xf32, #tpu.memory_space<vmem_shared>>) offsets(%dma_start3A_79 : memref<128xi32, #tpu.memory_space<vmem>>) semaphore(%run_scoped3A_76 : memref<!tpu.dma_semaphore, #tpu.memory_space<semaphore_mem>>) {add = true}
        %dma_wait3A_83 = arith.constant 0 : i32
        %dma_wait3A_84 = tpu.memref_slice %arg7[%run_scoped3A, %dma_wait3A_83] : memref<8x128xi32, #tpu.memory_space<vmem>> -> memref<1x128xi32, #tpu.memory_space<vmem>>
        %dma_wait3A_85 = tpu.memref_squeeze %dma_wait3A_84 : memref<1x128xi32, #tpu.memory_space<vmem>> -> memref<128xi32, #tpu.memory_space<vmem>>
        %dma_wait3A_86 = arith.constant 0 : i32
        %dma_wait3A_87 = arith.constant 0 : i32
        %dma_wait3A_88 = tpu.memref_slice %arg10[%dma_wait3A_86, %dma_wait3A_87] : memref<10240x128xf32, #tpu.memory_space<vmem_shared>> -> memref<10240x128xf32, #tpu.memory_space<vmem_shared>>
        tpu.wait_indirect_dma semaphore(%run_scoped3A_76 : memref<!tpu.dma_semaphore, #tpu.memory_space<semaphore_mem>>) src(%arg8 : memref<128x128xf32, #tpu.memory_space<vmem>>) dst(%dma_wait3A_88 : memref<10240x128xf32, #tpu.memory_space<vmem_shared>>)
        tpu.yield
      }) : () -> ()
      %dma_wait3A_68 = arith.constant 0 : i32
      %dma_wait3A_69 = arith.constant 0 : i32
      %dma_wait3A_70 = tpu.memref_slice %arg2[%dma_wait3A_68, %dma_wait3A_69] : memref<10240x128xf32, #tpu.memory_space<hbm>> -> memref<128x128xf32, #tpu.memory_space<hbm>>
      %dma_wait3A_71 = arith.constant 0 : i32
      %dma_wait3A_72 = arith.constant 0 : i32
      %dma_wait3A_73 = tpu.memref_slice %arg2[%dma_wait3A_71, %dma_wait3A_72] : memref<10240x128xf32, #tpu.memory_space<hbm>> -> memref<128x128xf32, #tpu.memory_space<hbm>>
      tpu.wait_dma2 semaphore(%arg12 : memref<!tpu.dma_semaphore, #tpu.memory_space<semaphore_mem>>) src(%dma_wait3A_73 : memref<128x128xf32, #tpu.memory_space<hbm>>) dst(%arg9 : memref<128x128xf32, #tpu.memory_space<vmem>>)
      %run_scoped3A_74 = arith.constant 7 : i32
      "tpu.region"() ({
        %run_scoped3A_76 = tpu.sem_alloc : memref<!tpu.dma_semaphore, #tpu.memory_space<semaphore_mem>>
        %dma_start3A_77 = arith.constant 0 : i32
        %dma_start3A_78 = tpu.memref_slice %arg7[%run_scoped3A_74, %dma_start3A_77] : memref<8x128xi32, #tpu.memory_space<vmem>> -> memref<1x128xi32, #tpu.memory_space<vmem>>
        %dma_start3A_79 = tpu.memref_squeeze %dma_start3A_78 : memref<1x128xi32, #tpu.memory_space<vmem>> -> memref<128xi32, #tpu.memory_space<vmem>>
        %dma_start3A_80 = arith.constant 0 : i32
        %dma_start3A_81 = arith.constant 0 : i32
        %dma_start3A_82 = tpu.memref_slice %arg10[%dma_start3A_80, %dma_start3A_81] : memref<10240x128xf32, #tpu.memory_space<vmem_shared>> -> memref<10240x128xf32, #tpu.memory_space<vmem_shared>>
        tpu.enqueue_indirect_dma source(%arg9 : memref<128x128xf32, #tpu.memory_space<vmem>>) target(%dma_start3A_82 : memref<10240x128xf32, #tpu.memory_space<vmem_shared>>) offsets(%dma_start3A_79 : memref<128xi32, #tpu.memory_space<vmem>>) semaphore(%run_scoped3A_76 : memref<!tpu.dma_semaphore, #tpu.memory_space<semaphore_mem>>) {add = true}
        %dma_wait3A_83 = arith.constant 0 : i32
        %dma_wait3A_84 = tpu.memref_slice %arg7[%run_scoped3A_74, %dma_wait3A_83] : memref<8x128xi32, #tpu.memory_space<vmem>> -> memref<1x128xi32, #tpu.memory_space<vmem>>
        %dma_wait3A_85 = tpu.memref_squeeze %dma_wait3A_84 : memref<1x128xi32, #tpu.memory_space<vmem>> -> memref<128xi32, #tpu.memory_space<vmem>>
        %dma_wait3A_86 = arith.constant 0 : i32
        %dma_wait3A_87 = arith.constant 0 : i32
        %dma_wait3A_88 = tpu.memref_slice %arg10[%dma_wait3A_86, %dma_wait3A_87] : memref<10240x128xf32, #tpu.memory_space<vmem_shared>> -> memref<10240x128xf32, #tpu.memory_space<vmem_shared>>
        tpu.wait_indirect_dma semaphore(%run_scoped3A_76 : memref<!tpu.dma_semaphore, #tpu.memory_space<semaphore_mem>>) src(%arg9 : memref<128x128xf32, #tpu.memory_space<vmem>>) dst(%dma_wait3A_88 : memref<10240x128xf32, #tpu.memory_space<vmem_shared>>)
        tpu.yield
      }) : () -> ()
      %while3A_75 = arith.constant 0 : i32
      scf.yield %while3A_75 : i32
    }
    %while3A_31 = arith.constant 1 : i32
    %while3A_32 = scf.for %while3A_38 = %while3A_28 to %while3A_24 step %while3A_31 iter_args(%while3A_39 = %while3A_30) -> (i32)  : i32 {
      %mul3A_40 = arith.constant 8 : i32
      %mul3A_41 = arith.muli %while3A_38, %mul3A_40 : i32
      %add3A_42 = arith.addi %select_n3A, %mul3A_41 : i32
      "tpu.region"() ({
        %run_scoped3A_76 = tpu.sem_alloc : memref<!tpu.dma_semaphore, #tpu.memory_space<semaphore_mem>>
        %dma_start3A_77 = arith.constant 0 : i32
        %dma_start3A_78 = tpu.memref_slice %arg3[%add3A_42, %dma_start3A_77] : memref<2560x128xi32, #tpu.memory_space<hbm>> -> memref<8x128xi32, #tpu.memory_space<hbm>>
        %dma_start3A_79 = arith.constant 0 : i32
        %dma_start3A_80 = tpu.memref_slice %arg3[%add3A_42, %dma_start3A_79] : memref<2560x128xi32, #tpu.memory_space<hbm>> -> memref<8x128xi32, #tpu.memory_space<hbm>>
        tpu.enqueue_dma source(%dma_start3A_80 : memref<8x128xi32, #tpu.memory_space<hbm>>) target(%arg6 : memref<8x128xi32, #tpu.memory_space<vmem>>) target_semaphore(%run_scoped3A_76 : memref<!tpu.dma_semaphore, #tpu.memory_space<semaphore_mem>>)
        %dma_wait3A_81 = arith.constant 0 : i32
        %dma_wait3A_82 = tpu.memref_slice %arg3[%add3A_42, %dma_wait3A_81] : memref<2560x128xi32, #tpu.memory_space<hbm>> -> memref<8x128xi32, #tpu.memory_space<hbm>>
        %dma_wait3A_83 = arith.constant 0 : i32
        %dma_wait3A_84 = tpu.memref_slice %arg3[%add3A_42, %dma_wait3A_83] : memref<2560x128xi32, #tpu.memory_space<hbm>> -> memref<8x128xi32, #tpu.memory_space<hbm>>
        tpu.wait_dma2 semaphore(%run_scoped3A_76 : memref<!tpu.dma_semaphore, #tpu.memory_space<semaphore_mem>>) src(%dma_wait3A_84 : memref<8x128xi32, #tpu.memory_space<hbm>>) dst(%arg6 : memref<8x128xi32, #tpu.memory_space<vmem>>)
        tpu.yield
      }) : () -> ()
      "tpu.region"() ({
        %run_scoped3A_76 = tpu.sem_alloc : memref<!tpu.dma_semaphore, #tpu.memory_space<semaphore_mem>>
        %dma_start3A_77 = arith.constant 0 : i32
        %dma_start3A_78 = tpu.memref_slice %arg4[%add3A_42, %dma_start3A_77] : memref<2560x128xi32, #tpu.memory_space<hbm>> -> memref<8x128xi32, #tpu.memory_space<hbm>>
        %dma_start3A_79 = arith.constant 0 : i32
        %dma_start3A_80 = tpu.memref_slice %arg4[%add3A_42, %dma_start3A_79] : memref<2560x128xi32, #tpu.memory_space<hbm>> -> memref<8x128xi32, #tpu.memory_space<hbm>>
        tpu.enqueue_dma source(%dma_start3A_80 : memref<8x128xi32, #tpu.memory_space<hbm>>) target(%arg7 : memref<8x128xi32, #tpu.memory_space<vmem>>) target_semaphore(%run_scoped3A_76 : memref<!tpu.dma_semaphore, #tpu.memory_space<semaphore_mem>>)
        %dma_wait3A_81 = arith.constant 0 : i32
        %dma_wait3A_82 = tpu.memref_slice %arg4[%add3A_42, %dma_wait3A_81] : memref<2560x128xi32, #tpu.memory_space<hbm>> -> memref<8x128xi32, #tpu.memory_space<hbm>>
        %dma_wait3A_83 = arith.constant 0 : i32
        %dma_wait3A_84 = tpu.memref_slice %arg4[%add3A_42, %dma_wait3A_83] : memref<2560x128xi32, #tpu.memory_space<hbm>> -> memref<8x128xi32, #tpu.memory_space<hbm>>
        tpu.wait_dma2 semaphore(%run_scoped3A_76 : memref<!tpu.dma_semaphore, #tpu.memory_space<semaphore_mem>>) src(%dma_wait3A_84 : memref<8x128xi32, #tpu.memory_space<hbm>>) dst(%arg7 : memref<8x128xi32, #tpu.memory_space<vmem>>)
        tpu.yield
      }) : () -> ()
      %dma_start3A = arith.constant 0 : i32
      %dma_start3A_43 = arith.constant 0 : i32
      %dma_start3A_44 = tpu.memref_slice %arg6[%dma_start3A, %dma_start3A_43] : memref<8x128xi32, #tpu.memory_space<vmem>> -> memref<1x128xi32, #tpu.memory_space<vmem>>
      %dma_start3A_45 = tpu.memref_squeeze %dma_start3A_44 : memref<1x128xi32, #tpu.memory_space<vmem>> -> memref<128xi32, #tpu.memory_space<vmem>>
      %dma_start3A_46 = arith.constant 0 : i32
      %dma_start3A_47 = arith.constant 0 : i32
      %dma_start3A_48 = tpu.memref_slice %arg2[%dma_start3A_46, %dma_start3A_47] : memref<10240x128xf32, #tpu.memory_space<hbm>> -> memref<10240x128xf32, #tpu.memory_space<hbm>>
      tpu.enqueue_indirect_dma source(%dma_start3A_48 : memref<10240x128xf32, #tpu.memory_space<hbm>>) target(%arg8 : memref<128x128xf32, #tpu.memory_space<vmem>>) offsets(%dma_start3A_45 : memref<128xi32, #tpu.memory_space<vmem>>) semaphore(%arg11 : memref<!tpu.dma_semaphore, #tpu.memory_space<semaphore_mem>>)
      %scan3A_49 = arith.constant 0 : i32
      %scan3A_50 = arith.constant 0 : i32
      %scan3A_51 = arith.constant 3 : i32
      %scan3A_52 = arith.addi %scan3A_50, %scan3A_51 : i32
      %scan3A_53 = arith.constant 1 : i32
      %scan3A_54 = scf.for %scan3A_76 = %scan3A_50 to %scan3A_52 step %scan3A_53 iter_args(%scan3A_77 = %scan3A_49) -> (i32)  : i32 {
        %mul3A_78 = arith.constant 2 : i32
        %mul3A_79 = arith.muli %mul3A_78, %scan3A_76 : i32
        %add3A_80 = arith.constant 1 : i32
        %add3A_81 = arith.addi %mul3A_79, %add3A_80 : i32
        %dma_start3A_82 = arith.constant 0 : i32
        %dma_start3A_83 = tpu.memref_slice %arg6[%add3A_81, %dma_start3A_82] : memref<8x128xi32, #tpu.memory_space<vmem>> -> memref<1x128xi32, #tpu.memory_space<vmem>>
        %dma_start3A_84 = tpu.memref_squeeze %dma_start3A_83 : memref<1x128xi32, #tpu.memory_space<vmem>> -> memref<128xi32, #tpu.memory_space<vmem>>
        %dma_start3A_85 = arith.constant 0 : i32
        %dma_start3A_86 = arith.constant 0 : i32
        %dma_start3A_87 = tpu.memref_slice %arg2[%dma_start3A_85, %dma_start3A_86] : memref<10240x128xf32, #tpu.memory_space<hbm>> -> memref<10240x128xf32, #tpu.memory_space<hbm>>
        tpu.enqueue_indirect_dma source(%dma_start3A_87 : memref<10240x128xf32, #tpu.memory_space<hbm>>) target(%arg9 : memref<128x128xf32, #tpu.memory_space<vmem>>) offsets(%dma_start3A_84 : memref<128xi32, #tpu.memory_space<vmem>>) semaphore(%arg12 : memref<!tpu.dma_semaphore, #tpu.memory_space<semaphore_mem>>)
        %dma_wait3A_88 = arith.constant 0 : i32
        %dma_wait3A_89 = arith.constant 0 : i32
        %dma_wait3A_90 = tpu.memref_slice %arg2[%dma_wait3A_88, %dma_wait3A_89] : memref<10240x128xf32, #tpu.memory_space<hbm>> -> memref<128x128xf32, #tpu.memory_space<hbm>>
        %dma_wait3A_91 = arith.constant 0 : i32
        %dma_wait3A_92 = arith.constant 0 : i32
        %dma_wait3A_93 = tpu.memref_slice %arg2[%dma_wait3A_91, %dma_wait3A_92] : memref<10240x128xf32, #tpu.memory_space<hbm>> -> memref<128x128xf32, #tpu.memory_space<hbm>>
        tpu.wait_dma2 semaphore(%arg11 : memref<!tpu.dma_semaphore, #tpu.memory_space<semaphore_mem>>) src(%dma_wait3A_93 : memref<128x128xf32, #tpu.memory_space<hbm>>) dst(%arg8 : memref<128x128xf32, #tpu.memory_space<vmem>>)
        "tpu.region"() ({
          %run_scoped3A_111 = tpu.sem_alloc : memref<!tpu.dma_semaphore, #tpu.memory_space<semaphore_mem>>
          %dma_start3A_112 = arith.constant 0 : i32
          %dma_start3A_113 = tpu.memref_slice %arg7[%mul3A_79, %dma_start3A_112] : memref<8x128xi32, #tpu.memory_space<vmem>> -> memref<1x128xi32, #tpu.memory_space<vmem>>
          %dma_start3A_114 = tpu.memref_squeeze %dma_start3A_113 : memref<1x128xi32, #tpu.memory_space<vmem>> -> memref<128xi32, #tpu.memory_space<vmem>>
          %dma_start3A_115 = arith.constant 0 : i32
          %dma_start3A_116 = arith.constant 0 : i32
          %dma_start3A_117 = tpu.memref_slice %arg10[%dma_start3A_115, %dma_start3A_116] : memref<10240x128xf32, #tpu.memory_space<vmem_shared>> -> memref<10240x128xf32, #tpu.memory_space<vmem_shared>>
          tpu.enqueue_indirect_dma source(%arg8 : memref<128x128xf32, #tpu.memory_space<vmem>>) target(%dma_start3A_117 : memref<10240x128xf32, #tpu.memory_space<vmem_shared>>) offsets(%dma_start3A_114 : memref<128xi32, #tpu.memory_space<vmem>>) semaphore(%run_scoped3A_111 : memref<!tpu.dma_semaphore, #tpu.memory_space<semaphore_mem>>) {add = true}
          %dma_wait3A_118 = arith.constant 0 : i32
          %dma_wait3A_119 = tpu.memref_slice %arg7[%mul3A_79, %dma_wait3A_118] : memref<8x128xi32, #tpu.memory_space<vmem>> -> memref<1x128xi32, #tpu.memory_space<vmem>>
          %dma_wait3A_120 = tpu.memref_squeeze %dma_wait3A_119 : memref<1x128xi32, #tpu.memory_space<vmem>> -> memref<128xi32, #tpu.memory_space<vmem>>
          %dma_wait3A_121 = arith.constant 0 : i32
          %dma_wait3A_122 = arith.constant 0 : i32
          %dma_wait3A_123 = tpu.memref_slice %arg10[%dma_wait3A_121, %dma_wait3A_122] : memref<10240x128xf32, #tpu.memory_space<vmem_shared>> -> memref<10240x128xf32, #tpu.memory_space<vmem_shared>>
          tpu.wait_indirect_dma semaphore(%run_scoped3A_111 : memref<!tpu.dma_semaphore, #tpu.memory_space<semaphore_mem>>) src(%arg8 : memref<128x128xf32, #tpu.memory_space<vmem>>) dst(%dma_wait3A_123 : memref<10240x128xf32, #tpu.memory_space<vmem_shared>>)
          tpu.yield
        }) : () -> ()
        %add3A_94 = arith.constant 2 : i32
        %add3A_95 = arith.addi %mul3A_79, %add3A_94 : i32
        %dma_start3A_96 = arith.constant 0 : i32
        %dma_start3A_97 = tpu.memref_slice %arg6[%add3A_95, %dma_start3A_96] : memref<8x128xi32, #tpu.memory_space<vmem>> -> memref<1x128xi32, #tpu.memory_space<vmem>>
        %dma_start3A_98 = tpu.memref_squeeze %dma_start3A_97 : memref<1x128xi32, #tpu.memory_space<vmem>> -> memref<128xi32, #tpu.memory_space<vmem>>
        %dma_start3A_99 = arith.constant 0 : i32
        %dma_start3A_100 = arith.constant 0 : i32
        %dma_start3A_101 = tpu.memref_slice %arg2[%dma_start3A_99, %dma_start3A_100] : memref<10240x128xf32, #tpu.memory_space<hbm>> -> memref<10240x128xf32, #tpu.memory_space<hbm>>
        tpu.enqueue_indirect_dma source(%dma_start3A_101 : memref<10240x128xf32, #tpu.memory_space<hbm>>) target(%arg8 : memref<128x128xf32, #tpu.memory_space<vmem>>) offsets(%dma_start3A_98 : memref<128xi32, #tpu.memory_space<vmem>>) semaphore(%arg11 : memref<!tpu.dma_semaphore, #tpu.memory_space<semaphore_mem>>)
        %dma_wait3A_102 = arith.constant 0 : i32
        %dma_wait3A_103 = arith.constant 0 : i32
        %dma_wait3A_104 = tpu.memref_slice %arg2[%dma_wait3A_102, %dma_wait3A_103] : memref<10240x128xf32, #tpu.memory_space<hbm>> -> memref<128x128xf32, #tpu.memory_space<hbm>>
        %dma_wait3A_105 = arith.constant 0 : i32
        %dma_wait3A_106 = arith.constant 0 : i32
        %dma_wait3A_107 = tpu.memref_slice %arg2[%dma_wait3A_105, %dma_wait3A_106] : memref<10240x128xf32, #tpu.memory_space<hbm>> -> memref<128x128xf32, #tpu.memory_space<hbm>>
        tpu.wait_dma2 semaphore(%arg12 : memref<!tpu.dma_semaphore, #tpu.memory_space<semaphore_mem>>) src(%dma_wait3A_107 : memref<128x128xf32, #tpu.memory_space<hbm>>) dst(%arg9 : memref<128x128xf32, #tpu.memory_space<vmem>>)
        %add3A_108 = arith.constant 1 : i32
        %add3A_109 = arith.addi %mul3A_79, %add3A_108 : i32
        "tpu.region"() ({
          %run_scoped3A_111 = tpu.sem_alloc : memref<!tpu.dma_semaphore, #tpu.memory_space<semaphore_mem>>
          %dma_start3A_112 = arith.constant 0 : i32
          %dma_start3A_113 = tpu.memref_slice %arg7[%add3A_109, %dma_start3A_112] : memref<8x128xi32, #tpu.memory_space<vmem>> -> memref<1x128xi32, #tpu.memory_space<vmem>>
          %dma_start3A_114 = tpu.memref_squeeze %dma_start3A_113 : memref<1x128xi32, #tpu.memory_space<vmem>> -> memref<128xi32, #tpu.memory_space<vmem>>
          %dma_start3A_115 = arith.constant 0 : i32
          %dma_start3A_116 = arith.constant 0 : i32
          %dma_start3A_117 = tpu.memref_slice %arg10[%dma_start3A_115, %dma_start3A_116] : memref<10240x128xf32, #tpu.memory_space<vmem_shared>> -> memref<10240x128xf32, #tpu.memory_space<vmem_shared>>
          tpu.enqueue_indirect_dma source(%arg9 : memref<128x128xf32, #tpu.memory_space<vmem>>) target(%dma_start3A_117 : memref<10240x128xf32, #tpu.memory_space<vmem_shared>>) offsets(%dma_start3A_114 : memref<128xi32, #tpu.memory_space<vmem>>) semaphore(%run_scoped3A_111 : memref<!tpu.dma_semaphore, #tpu.memory_space<semaphore_mem>>) {add = true}
          %dma_wait3A_118 = arith.constant 0 : i32
          %dma_wait3A_119 = tpu.memref_slice %arg7[%add3A_109, %dma_wait3A_118] : memref<8x128xi32, #tpu.memory_space<vmem>> -> memref<1x128xi32, #tpu.memory_space<vmem>>
          %dma_wait3A_120 = tpu.memref_squeeze %dma_wait3A_119 : memref<1x128xi32, #tpu.memory_space<vmem>> -> memref<128xi32, #tpu.memory_space<vmem>>
          %dma_wait3A_121 = arith.constant 0 : i32
          %dma_wait3A_122 = arith.constant 0 : i32
          %dma_wait3A_123 = tpu.memref_slice %arg10[%dma_wait3A_121, %dma_wait3A_122] : memref<10240x128xf32, #tpu.memory_space<vmem_shared>> -> memref<10240x128xf32, #tpu.memory_space<vmem_shared>>
          tpu.wait_indirect_dma semaphore(%run_scoped3A_111 : memref<!tpu.dma_semaphore, #tpu.memory_space<semaphore_mem>>) src(%arg9 : memref<128x128xf32, #tpu.memory_space<vmem>>) dst(%dma_wait3A_123 : memref<10240x128xf32, #tpu.memory_space<vmem_shared>>)
          tpu.yield
        }) : () -> ()
        %scan3A_110 = arith.constant 0 : i32
        scf.yield %scan3A_110 : i32
      }
      %scan3A_55 = arith.constant 3 : i32
      %dma_start3A_56 = arith.constant 7 : i32
      %dma_start3A_57 = arith.constant 0 : i32
      %dma_start3A_58 = tpu.memref_slice %arg6[%dma_start3A_56, %dma_start3A_57] : memref<8x128xi32, #tpu.memory_space<vmem>> -> memref<1x128xi32, #tpu.memory_space<vmem>>
      %dma_start3A_59 = tpu.memref_squeeze %dma_start3A_58 : memref<1x128xi32, #tpu.memory_space<vmem>> -> memref<128xi32, #tpu.memory_space<vmem>>
      %dma_start3A_60 = arith.constant 0 : i32
      %dma_start3A_61 = arith.constant 0 : i32
      %dma_start3A_62 = tpu.memref_slice %arg2[%dma_start3A_60, %dma_start3A_61] : memref<10240x128xf32, #tpu.memory_space<hbm>> -> memref<10240x128xf32, #tpu.memory_space<hbm>>
      tpu.enqueue_indirect_dma source(%dma_start3A_62 : memref<10240x128xf32, #tpu.memory_space<hbm>>) target(%arg9 : memref<128x128xf32, #tpu.memory_space<vmem>>) offsets(%dma_start3A_59 : memref<128xi32, #tpu.memory_space<vmem>>) semaphore(%arg12 : memref<!tpu.dma_semaphore, #tpu.memory_space<semaphore_mem>>)
      %dma_wait3A = arith.constant 0 : i32
      %dma_wait3A_63 = arith.constant 0 : i32
      %dma_wait3A_64 = tpu.memref_slice %arg2[%dma_wait3A, %dma_wait3A_63] : memref<10240x128xf32, #tpu.memory_space<hbm>> -> memref<128x128xf32, #tpu.memory_space<hbm>>
      %dma_wait3A_65 = arith.constant 0 : i32
      %dma_wait3A_66 = arith.constant 0 : i32
      %dma_wait3A_67 = tpu.memref_slice %arg2[%dma_wait3A_65, %dma_wait3A_66] : memref<10240x128xf32, #tpu.memory_space<hbm>> -> memref<128x128xf32, #tpu.memory_space<hbm>>
      tpu.wait_dma2 semaphore(%arg11 : memref<!tpu.dma_semaphore, #tpu.memory_space<semaphore_mem>>) src(%dma_wait3A_67 : memref<128x128xf32, #tpu.memory_space<hbm>>) dst(%arg8 : memref<128x128xf32, #tpu.memory_space<vmem>>)
      %run_scoped3A = arith.constant 6 : i32
      "tpu.region"() ({
        %run_scoped3A_76 = tpu.sem_alloc : memref<!tpu.dma_semaphore, #tpu.memory_space<semaphore_mem>>
        %dma_start3A_77 = arith.constant 0 : i32
        %dma_start3A_78 = tpu.memref_slice %arg7[%run_scoped3A, %dma_start3A_77] : memref<8x128xi32, #tpu.memory_space<vmem>> -> memref<1x128xi32, #tpu.memory_space<vmem>>
        %dma_start3A_79 = tpu.memref_squeeze %dma_start3A_78 : memref<1x128xi32, #tpu.memory_space<vmem>> -> memref<128xi32, #tpu.memory_space<vmem>>
        %dma_start3A_80 = arith.constant 0 : i32
        %dma_start3A_81 = arith.constant 0 : i32
        %dma_start3A_82 = tpu.memref_slice %arg10[%dma_start3A_80, %dma_start3A_81] : memref<10240x128xf32, #tpu.memory_space<vmem_shared>> -> memref<10240x128xf32, #tpu.memory_space<vmem_shared>>
        tpu.enqueue_indirect_dma source(%arg8 : memref<128x128xf32, #tpu.memory_space<vmem>>) target(%dma_start3A_82 : memref<10240x128xf32, #tpu.memory_space<vmem_shared>>) offsets(%dma_start3A_79 : memref<128xi32, #tpu.memory_space<vmem>>) semaphore(%run_scoped3A_76 : memref<!tpu.dma_semaphore, #tpu.memory_space<semaphore_mem>>) {add = true}
        %dma_wait3A_83 = arith.constant 0 : i32
        %dma_wait3A_84 = tpu.memref_slice %arg7[%run_scoped3A, %dma_wait3A_83] : memref<8x128xi32, #tpu.memory_space<vmem>> -> memref<1x128xi32, #tpu.memory_space<vmem>>
        %dma_wait3A_85 = tpu.memref_squeeze %dma_wait3A_84 : memref<1x128xi32, #tpu.memory_space<vmem>> -> memref<128xi32, #tpu.memory_space<vmem>>
        %dma_wait3A_86 = arith.constant 0 : i32
        %dma_wait3A_87 = arith.constant 0 : i32
        %dma_wait3A_88 = tpu.memref_slice %arg10[%dma_wait3A_86, %dma_wait3A_87] : memref<10240x128xf32, #tpu.memory_space<vmem_shared>> -> memref<10240x128xf32, #tpu.memory_space<vmem_shared>>
        tpu.wait_indirect_dma semaphore(%run_scoped3A_76 : memref<!tpu.dma_semaphore, #tpu.memory_space<semaphore_mem>>) src(%arg8 : memref<128x128xf32, #tpu.memory_space<vmem>>) dst(%dma_wait3A_88 : memref<10240x128xf32, #tpu.memory_space<vmem_shared>>)
        tpu.yield
      }) : () -> ()
      %dma_wait3A_68 = arith.constant 0 : i32
      %dma_wait3A_69 = arith.constant 0 : i32
      %dma_wait3A_70 = tpu.memref_slice %arg2[%dma_wait3A_68, %dma_wait3A_69] : memref<10240x128xf32, #tpu.memory_space<hbm>> -> memref<128x128xf32, #tpu.memory_space<hbm>>
      %dma_wait3A_71 = arith.constant 0 : i32
      %dma_wait3A_72 = arith.constant 0 : i32
      %dma_wait3A_73 = tpu.memref_slice %arg2[%dma_wait3A_71, %dma_wait3A_72] : memref<10240x128xf32, #tpu.memory_space<hbm>> -> memref<128x128xf32, #tpu.memory_space<hbm>>
      tpu.wait_dma2 semaphore(%arg12 : memref<!tpu.dma_semaphore, #tpu.memory_space<semaphore_mem>>) src(%dma_wait3A_73 : memref<128x128xf32, #tpu.memory_space<hbm>>) dst(%arg9 : memref<128x128xf32, #tpu.memory_space<vmem>>)
      %run_scoped3A_74 = arith.constant 7 : i32
      "tpu.region"() ({
        %run_scoped3A_76 = tpu.sem_alloc : memref<!tpu.dma_semaphore, #tpu.memory_space<semaphore_mem>>
        %dma_start3A_77 = arith.constant 0 : i32
        %dma_start3A_78 = tpu.memref_slice %arg7[%run_scoped3A_74, %dma_start3A_77] : memref<8x128xi32, #tpu.memory_space<vmem>> -> memref<1x128xi32, #tpu.memory_space<vmem>>
        %dma_start3A_79 = tpu.memref_squeeze %dma_start3A_78 : memref<1x128xi32, #tpu.memory_space<vmem>> -> memref<128xi32, #tpu.memory_space<vmem>>
        %dma_start3A_80 = arith.constant 0 : i32
        %dma_start3A_81 = arith.constant 0 : i32
        %dma_start3A_82 = tpu.memref_slice %arg10[%dma_start3A_80, %dma_start3A_81] : memref<10240x128xf32, #tpu.memory_space<vmem_shared>> -> memref<10240x128xf32, #tpu.memory_space<vmem_shared>>
        tpu.enqueue_indirect_dma source(%arg9 : memref<128x128xf32, #tpu.memory_space<vmem>>) target(%dma_start3A_82 : memref<10240x128xf32, #tpu.memory_space<vmem_shared>>) offsets(%dma_start3A_79 : memref<128xi32, #tpu.memory_space<vmem>>) semaphore(%run_scoped3A_76 : memref<!tpu.dma_semaphore, #tpu.memory_space<semaphore_mem>>) {add = true}
        %dma_wait3A_83 = arith.constant 0 : i32
        %dma_wait3A_84 = tpu.memref_slice %arg7[%run_scoped3A_74, %dma_wait3A_83] : memref<8x128xi32, #tpu.memory_space<vmem>> -> memref<1x128xi32, #tpu.memory_space<vmem>>
        %dma_wait3A_85 = tpu.memref_squeeze %dma_wait3A_84 : memref<1x128xi32, #tpu.memory_space<vmem>> -> memref<128xi32, #tpu.memory_space<vmem>>
        %dma_wait3A_86 = arith.constant 0 : i32
        %dma_wait3A_87 = arith.constant 0 : i32
        %dma_wait3A_88 = tpu.memref_slice %arg10[%dma_wait3A_86, %dma_wait3A_87] : memref<10240x128xf32, #tpu.memory_space<vmem_shared>> -> memref<10240x128xf32, #tpu.memory_space<vmem_shared>>
        tpu.wait_indirect_dma semaphore(%run_scoped3A_76 : memref<!tpu.dma_semaphore, #tpu.memory_space<semaphore_mem>>) src(%arg9 : memref<128x128xf32, #tpu.memory_space<vmem>>) dst(%dma_wait3A_88 : memref<10240x128xf32, #tpu.memory_space<vmem_shared>>)
        tpu.yield
      }) : () -> ()
      %while3A_75 = arith.constant 0 : i32
      scf.yield %while3A_75 : i32
    }
    %barrier3A_33 = arith.constant 0 : index
    tpu.barrier barrier_id(%barrier3A_33)
    %mul3A_34 = arith.constant 640 : i32
    %mul3A_35 = arith.muli %arg1, %mul3A_34 : i32
    %mul3A_36 = arith.constant 640 : i32
    %mul3A_37 = arith.muli %arg1, %mul3A_36 : i32
    "tpu.region"() ({
      %run_scoped3A = tpu.sem_alloc : memref<!tpu.dma_semaphore, #tpu.memory_space<semaphore_mem>>
      %dma_start3A = arith.constant 0 : i32
      %dma_start3A_38 = tpu.memref_slice %arg5[%arg0, %mul3A_37, %dma_start3A] : memref<2x10240x128xf32, #tpu.memory_space<hbm>> -> memref<1x640x128xf32, #tpu.memory_space<hbm>>
      %dma_start3A_39 = tpu.memref_squeeze %dma_start3A_38 : memref<1x640x128xf32, #tpu.memory_space<hbm>> -> memref<640x128xf32, #tpu.memory_space<hbm>>
      %dma_start3A_40 = arith.constant 0 : i32
      %dma_start3A_41 = tpu.memref_slice %arg10[%mul3A_35, %dma_start3A_40] : memref<10240x128xf32, #tpu.memory_space<vmem_shared>> -> memref<640x128xf32, #tpu.memory_space<vmem_shared>>
      tpu.enqueue_dma source(%dma_start3A_41 : memref<640x128xf32, #tpu.memory_space<vmem_shared>>) target(%dma_start3A_39 : memref<640x128xf32, #tpu.memory_space<hbm>>) target_semaphore(%run_scoped3A : memref<!tpu.dma_semaphore, #tpu.memory_space<semaphore_mem>>)
      %dma_wait3A = arith.constant 0 : i32
      %dma_wait3A_42 = tpu.memref_slice %arg5[%arg0, %mul3A_37, %dma_wait3A] : memref<2x10240x128xf32, #tpu.memory_space<hbm>> -> memref<1x640x128xf32, #tpu.memory_space<hbm>>
      %dma_wait3A_43 = tpu.memref_squeeze %dma_wait3A_42 : memref<1x640x128xf32, #tpu.memory_space<hbm>> -> memref<640x128xf32, #tpu.memory_space<hbm>>
      %dma_wait3A_44 = arith.constant 0 : i32
      %dma_wait3A_45 = tpu.memref_slice %arg10[%mul3A_35, %dma_wait3A_44] : memref<10240x128xf32, #tpu.memory_space<vmem_shared>> -> memref<640x128xf32, #tpu.memory_space<vmem_shared>>
      tpu.wait_dma2 semaphore(%run_scoped3A : memref<!tpu.dma_semaphore, #tpu.memory_space<semaphore_mem>>) src(%dma_wait3A_45 : memref<640x128xf32, #tpu.memory_space<vmem_shared>>) dst(%dma_wait3A_43 : memref<640x128xf32, #tpu.memory_space<hbm>>)
      tpu.yield
    }) : () -> ()
    return
  }
}

module attributes {stable_mosaic.version = 14 : i64} {
  func.func @_tcb_body(%arg0: i32, %arg1: memref<256x128xf32, #tpu.memory_space<vmem>>, %arg2: memref<128x128xf32, #tpu.memory_space<vmem>>, %arg3: memref<2x256x16xf32, #tpu.memory_space<vmem>>, %arg4: memref<256x128xf32, #tpu.memory_space<vmem>>) attributes {dimension_semantics = [#tpu.dimension_semantics<arbitrary>], iteration_bounds = array<i64: 40>, scalar_prefetch = 0 : i64, scratch_operands = 0 : i64, tpu.core_type = #tpu.core_type<tc>, window_params = [{transform_indices = @transform_0, window_bounds = array<i64: 256, 128>}, {pipeline_mode = #tpu.pipeline_mode<synchronous>, transform_indices = @transform_1, window_bounds = array<i64: 128, 128>}, {transform_indices = @transform_2, window_bounds = array<i64: 2, 256, 16>}, {transform_indices = @transform_3, window_bounds = array<i64: 256, 128>}]} {
    %get3A = arith.constant 0 : index
    %get3A_0 = arith.constant 0 : index
    %get3A_1 = arith.constant 0 : index
    %get3A_2 = vector.load %arg3[%get3A, %get3A_0, %get3A_1] : memref<2x256x16xf32, #tpu.memory_space<vmem>>, vector<1x256x16xf32>
    %get3A_3 = vector.shape_cast %get3A_2 : vector<1x256x16xf32> to vector<256x16xf32>
    %reduce_sum3A = arith.constant dense<0.000000e+00> : vector<256xf32>
    %reduce_sum3A_4 = vector.multi_reduction <add>, %get3A_3, %reduce_sum3A [1] : vector<256x16xf32> to vector<256xf32>
    %broadcast_in_dim3A = vector.shape_cast %reduce_sum3A_4 : vector<256xf32> to vector<256x1xf32>
    %get3A_5 = arith.constant 1 : index
    %get3A_6 = arith.constant 0 : index
    %get3A_7 = arith.constant 0 : index
    %get3A_8 = vector.load %arg3[%get3A_5, %get3A_6, %get3A_7] : memref<2x256x16xf32, #tpu.memory_space<vmem>>, vector<1x256x16xf32>
    %get3A_9 = vector.shape_cast %get3A_8 : vector<1x256x16xf32> to vector<256x16xf32>
    %reduce_sum3A_10 = arith.constant dense<0.000000e+00> : vector<256xf32>
    %reduce_sum3A_11 = vector.multi_reduction <add>, %get3A_9, %reduce_sum3A_10 [1] : vector<256x16xf32> to vector<256xf32>
    %broadcast_in_dim3A_12 = vector.shape_cast %reduce_sum3A_11 : vector<256xf32> to vector<256x1xf32>
    %add3A = arith.addf %broadcast_in_dim3A, %broadcast_in_dim3A_12 : vector<256x1xf32>
    %mul3A = arith.constant 6.250000e-02 : f32
    %mul3A_13 = vector.broadcast %mul3A : f32 to vector<256x1xf32>
    %mul3A_14 = arith.mulf %add3A, %mul3A_13 : vector<256x1xf32>
    %add3A_15 = arith.constant 1.000000e+00 : f32
    %add3A_16 = vector.broadcast %add3A_15 : f32 to vector<256x1xf32>
    %add3A_17 = arith.addf %mul3A_14, %add3A_16 : vector<256x1xf32>
    %rsqrt3A = math.rsqrt %add3A_17 : vector<256x1xf32>
    %get3A_18 = arith.constant 0 : index
    %get3A_19 = arith.constant 0 : index
    %get3A_20 = vector.load %arg1[%get3A_18, %get3A_19] : memref<256x128xf32, #tpu.memory_space<vmem>>, vector<256x128xf32>
    %get3A_21 = arith.constant 0 : index
    %get3A_22 = arith.constant 0 : index
    %get3A_23 = vector.load %arg2[%get3A_21, %get3A_22] : memref<128x128xf32, #tpu.memory_space<vmem>>, vector<128x128xf32>
    %dot_general3A = arith.constant dense<0.000000e+00> : vector<256x128xf32>
    %dot_general3A_24 = tpu.matmul %get3A_20, %get3A_23, %dot_general3A {dimension_numbers = #tpu.dot_dimension_numbers<[1], [0], [0], [1], [0, 0, 1, 1], [], []>, transpose_lhs_hint = false} : vector<256x128xf32>, vector<128x128xf32>, vector<256x128xf32> -> vector<256x128xf32>
    %mul3A_25 = vector.broadcast %rsqrt3A : vector<256x1xf32> to vector<256x128xf32>
    %mul3A_26 = arith.mulf %dot_general3A_24, %mul3A_25 : vector<256x128xf32>
    %swap3A = arith.constant 0 : index
    %swap3A_27 = arith.constant 0 : index
    %swap3A_28 = vector.load %arg4[%swap3A, %swap3A_27] : memref<256x128xf32, #tpu.memory_space<vmem>>, vector<256x128xf32>
    tpu.vector_store %arg4[%swap3A, %swap3A_27], %mul3A_26 {strides = array<i32>} : memref<256x128xf32, #tpu.memory_space<vmem>>, vector<256x128xf32>,
    return
  }
  func.func @transform_0(%arg0: i32) -> (i32, i32) {
    %c0_i32 = arith.constant 0 : i32
    %c0_i32_0 = arith.constant 0 : i32
    return %arg0, %c0_i32 : i32, i32
  }
  func.func @transform_1(%arg0: i32) -> (i32, i32) {
    %c0_i32 = arith.constant 0 : i32
    %c0_i32_0 = arith.constant 0 : i32
    %c0_i32_1 = arith.constant 0 : i32
    return %c0_i32, %c0_i32_0 : i32, i32
  }
  func.func @transform_2(%arg0: i32) -> (i32, i32, i32) {
    %c0_i32 = arith.constant 0 : i32
    %c0_i32_0 = arith.constant 0 : i32
    %c0_i32_1 = arith.constant 0 : i32
    return %c0_i32, %arg0, %c0_i32_0 : i32, i32, i32
  }
  func.func @transform_3(%arg0: i32) -> (i32, i32) {
    %c0_i32 = arith.constant 0 : i32
    %c0_i32_0 = arith.constant 0 : i32
    return %arg0, %c0_i32 : i32, i32
  }
}

module attributes {stable_mosaic.version = 14 : i64} {
  func.func @_tcd_body(%arg0: i32, %arg1: memref<2x256x128xf32, #tpu.memory_space<vmem>>, %arg2: memref<256x128xf32, #tpu.memory_space<vmem>>, %arg3: memref<2x256x16xf32, #tpu.memory_space<vmem>>, %arg4: memref<1x128xf32, #tpu.memory_space<vmem>>, %arg5: memref<128x16xf32, #tpu.memory_space<vmem>>, %arg6: memref<256x128xf32, #tpu.memory_space<vmem>>, %arg7: memref<128x16xf32, #tpu.memory_space<vmem>>, %arg8: memref<1x16xf32, #tpu.memory_space<vmem>>, %arg9: memref<256x16xf32, #tpu.memory_space<vmem>>, %arg10: memref<256x16xf32, #tpu.memory_space<vmem>>) attributes {dimension_semantics = [#tpu.dimension_semantics<arbitrary>], iteration_bounds = array<i64: 40>, scalar_prefetch = 0 : i64, scratch_operands = 0 : i64, tpu.core_type = #tpu.core_type<tc>, window_params = [{transform_indices = @transform_0, window_bounds = array<i64: 2, 256, 128>}, {transform_indices = @transform_1, window_bounds = array<i64: 256, 128>}, {transform_indices = @transform_2, window_bounds = array<i64: 2, 256, 16>}, {pipeline_mode = #tpu.pipeline_mode<synchronous>, transform_indices = @transform_3, window_bounds = array<i64: 1, 128>}, {pipeline_mode = #tpu.pipeline_mode<synchronous>, transform_indices = @transform_4, window_bounds = array<i64: 128, 16>}, {transform_indices = @transform_5, window_bounds = array<i64: 256, 128>}, {pipeline_mode = #tpu.pipeline_mode<synchronous>, transform_indices = @transform_6, window_bounds = array<i64: 128, 16>}, {pipeline_mode = #tpu.pipeline_mode<synchronous>, transform_indices = @transform_7, window_bounds = array<i64: 1, 16>}, {transform_indices = @transform_8, window_bounds = array<i64: 256, 16>}, {transform_indices = @transform_9, window_bounds = array<i64: 256, 16>}]} {
    %get3A = arith.constant 0 : index
    %get3A_0 = arith.constant 0 : index
    %get3A_1 = arith.constant 0 : index
    %get3A_2 = vector.load %arg3[%get3A, %get3A_0, %get3A_1] : memref<2x256x16xf32, #tpu.memory_space<vmem>>, vector<1x256x16xf32>
    %get3A_3 = vector.shape_cast %get3A_2 : vector<1x256x16xf32> to vector<256x16xf32>
    %reduce_sum3A = arith.constant dense<0.000000e+00> : vector<256xf32>
    %reduce_sum3A_4 = vector.multi_reduction <add>, %get3A_3, %reduce_sum3A [1] : vector<256x16xf32> to vector<256xf32>
    %broadcast_in_dim3A = vector.shape_cast %reduce_sum3A_4 : vector<256xf32> to vector<256x1xf32>
    %get3A_5 = arith.constant 1 : index
    %get3A_6 = arith.constant 0 : index
    %get3A_7 = arith.constant 0 : index
    %get3A_8 = vector.load %arg3[%get3A_5, %get3A_6, %get3A_7] : memref<2x256x16xf32, #tpu.memory_space<vmem>>, vector<1x256x16xf32>
    %get3A_9 = vector.shape_cast %get3A_8 : vector<1x256x16xf32> to vector<256x16xf32>
    %reduce_sum3A_10 = arith.constant dense<0.000000e+00> : vector<256xf32>
    %reduce_sum3A_11 = vector.multi_reduction <add>, %get3A_9, %reduce_sum3A_10 [1] : vector<256x16xf32> to vector<256xf32>
    %broadcast_in_dim3A_12 = vector.shape_cast %reduce_sum3A_11 : vector<256xf32> to vector<256x1xf32>
    %add3A = arith.addf %broadcast_in_dim3A, %broadcast_in_dim3A_12 : vector<256x1xf32>
    %mul3A = arith.constant 6.250000e-02 : f32
    %mul3A_13 = vector.broadcast %mul3A : f32 to vector<256x1xf32>
    %mul3A_14 = arith.mulf %add3A, %mul3A_13 : vector<256x1xf32>
    %add3A_15 = arith.constant 1.000000e+00 : f32
    %add3A_16 = vector.broadcast %add3A_15 : f32 to vector<256x1xf32>
    %add3A_17 = arith.addf %mul3A_14, %add3A_16 : vector<256x1xf32>
    %rsqrt3A = math.rsqrt %add3A_17 : vector<256x1xf32>
    %get3A_18 = arith.constant 0 : index
    %get3A_19 = arith.constant 0 : index
    %get3A_20 = arith.constant 0 : index
    %get3A_21 = vector.load %arg1[%get3A_18, %get3A_19, %get3A_20] : memref<2x256x128xf32, #tpu.memory_space<vmem>>, vector<1x256x128xf32>
    %get3A_22 = vector.shape_cast %get3A_21 : vector<1x256x128xf32> to vector<256x128xf32>
    %get3A_23 = arith.constant 1 : index
    %get3A_24 = arith.constant 0 : index
    %get3A_25 = arith.constant 0 : index
    %get3A_26 = vector.load %arg1[%get3A_23, %get3A_24, %get3A_25] : memref<2x256x128xf32, #tpu.memory_space<vmem>>, vector<1x256x128xf32>
    %get3A_27 = vector.shape_cast %get3A_26 : vector<1x256x128xf32> to vector<256x128xf32>
    %add3A_28 = arith.addf %get3A_22, %get3A_27 : vector<256x128xf32>
    %get3A_29 = arith.constant 0 : index
    %get3A_30 = arith.constant 0 : index
    %get3A_31 = vector.load %arg2[%get3A_29, %get3A_30] : memref<256x128xf32, #tpu.memory_space<vmem>>, vector<256x128xf32>
    %add3A_32 = arith.addf %add3A_28, %get3A_31 : vector<256x128xf32>
    %mul3A_33 = vector.broadcast %rsqrt3A : vector<256x1xf32> to vector<256x128xf32>
    %mul3A_34 = arith.mulf %add3A_32, %mul3A_33 : vector<256x128xf32>
    %get3A_35 = arith.constant 0 : index
    %get3A_36 = arith.constant 0 : index
    %get3A_37 = vector.load %arg4[%get3A_35, %get3A_36] : memref<1x128xf32, #tpu.memory_space<vmem>>, vector<1x128xf32>
    %add3A_38 = vector.broadcast %get3A_37 : vector<1x128xf32> to vector<256x128xf32>
    %add3A_39 = arith.addf %mul3A_34, %add3A_38 : vector<256x128xf32>
    %max3A = arith.constant 0.000000e+00 : f32
    %max3A_40 = vector.broadcast %max3A : f32 to vector<256x128xf32>
    %max3A_41 = arith.maximumf %add3A_39, %max3A_40 : vector<256x128xf32>
    %get3A_42 = arith.constant 0 : index
    %get3A_43 = arith.constant 0 : index
    %get3A_44 = vector.load %arg5[%get3A_42, %get3A_43] : memref<128x16xf32, #tpu.memory_space<vmem>>, vector<128x16xf32>
    %dot_general3A = arith.constant dense<0.000000e+00> : vector<256x16xf32>
    %dot_general3A_45 = tpu.matmul %max3A_41, %get3A_44, %dot_general3A {dimension_numbers = #tpu.dot_dimension_numbers<[1], [0], [0], [1], [0, 0, 1, 1], [], []>, transpose_lhs_hint = false} : vector<256x128xf32>, vector<128x16xf32>, vector<256x16xf32> -> vector<256x16xf32>
    %mul3A_46 = vector.broadcast %rsqrt3A : vector<256x1xf32> to vector<256x16xf32>
    %mul3A_47 = arith.mulf %dot_general3A_45, %mul3A_46 : vector<256x16xf32>
    %swap3A = arith.constant 0 : index
    %swap3A_48 = arith.constant 0 : index
    %swap3A_49 = vector.load %arg9[%swap3A, %swap3A_48] : memref<256x16xf32, #tpu.memory_space<vmem>>, vector<256x16xf32>
    tpu.vector_store %arg9[%swap3A, %swap3A_48], %mul3A_47 {strides = array<i32>} : memref<256x16xf32, #tpu.memory_space<vmem>>, vector<256x16xf32>,
    %get3A_50 = arith.constant 0 : index
    %get3A_51 = arith.constant 0 : index
    %get3A_52 = vector.load %arg6[%get3A_50, %get3A_51] : memref<256x128xf32, #tpu.memory_space<vmem>>, vector<256x128xf32>
    %get3A_53 = arith.constant 0 : index
    %get3A_54 = arith.constant 0 : index
    %get3A_55 = vector.load %arg7[%get3A_53, %get3A_54] : memref<128x16xf32, #tpu.memory_space<vmem>>, vector<128x16xf32>
    %dot_general3A_56 = arith.constant dense<0.000000e+00> : vector<256x16xf32>
    %dot_general3A_57 = tpu.matmul %get3A_52, %get3A_55, %dot_general3A_56 {dimension_numbers = #tpu.dot_dimension_numbers<[1], [0], [0], [1], [0, 0, 1, 1], [], []>, transpose_lhs_hint = false} : vector<256x128xf32>, vector<128x16xf32>, vector<256x16xf32> -> vector<256x16xf32>
    %get3A_58 = arith.constant 0 : index
    %get3A_59 = arith.constant 0 : index
    %get3A_60 = vector.load %arg8[%get3A_58, %get3A_59] : memref<1x16xf32, #tpu.memory_space<vmem>>, vector<1x16xf32>
    %add3A_61 = vector.broadcast %get3A_60 : vector<1x16xf32> to vector<256x16xf32>
    %add3A_62 = arith.addf %dot_general3A_57, %add3A_61 : vector<256x16xf32>
    %swap3A_63 = arith.constant 0 : index
    %swap3A_64 = arith.constant 0 : index
    %swap3A_65 = vector.load %arg10[%swap3A_63, %swap3A_64] : memref<256x16xf32, #tpu.memory_space<vmem>>, vector<256x16xf32>
    tpu.vector_store %arg10[%swap3A_63, %swap3A_64], %add3A_62 {strides = array<i32>} : memref<256x16xf32, #tpu.memory_space<vmem>>, vector<256x16xf32>,
    return
  }
  func.func @transform_0(%arg0: i32) -> (i32, i32, i32) {
    %c0_i32 = arith.constant 0 : i32
    %c0_i32_0 = arith.constant 0 : i32
    %c0_i32_1 = arith.constant 0 : i32
    return %c0_i32, %arg0, %c0_i32_0 : i32, i32, i32
  }
  func.func @transform_1(%arg0: i32) -> (i32, i32) {
    %c0_i32 = arith.constant 0 : i32
    %c0_i32_0 = arith.constant 0 : i32
    return %arg0, %c0_i32 : i32, i32
  }
  func.func @transform_2(%arg0: i32) -> (i32, i32, i32) {
    %c0_i32 = arith.constant 0 : i32
    %c0_i32_0 = arith.constant 0 : i32
    %c0_i32_1 = arith.constant 0 : i32
    return %c0_i32, %arg0, %c0_i32_0 : i32, i32, i32
  }
  func.func @transform_3(%arg0: i32) -> (i32, i32) {
    %c0_i32 = arith.constant 0 : i32
    %c0_i32_0 = arith.constant 0 : i32
    %c0_i32_1 = arith.constant 0 : i32
    return %c0_i32, %c0_i32_0 : i32, i32
  }
  func.func @transform_4(%arg0: i32) -> (i32, i32) {
    %c0_i32 = arith.constant 0 : i32
    %c0_i32_0 = arith.constant 0 : i32
    %c0_i32_1 = arith.constant 0 : i32
    return %c0_i32, %c0_i32_0 : i32, i32
  }
  func.func @transform_5(%arg0: i32) -> (i32, i32) {
    %c0_i32 = arith.constant 0 : i32
    %c0_i32_0 = arith.constant 0 : i32
    return %arg0, %c0_i32 : i32, i32
  }
  func.func @transform_6(%arg0: i32) -> (i32, i32) {
    %c0_i32 = arith.constant 0 : i32
    %c0_i32_0 = arith.constant 0 : i32
    %c0_i32_1 = arith.constant 0 : i32
    return %c0_i32, %c0_i32_0 : i32, i32
  }
  func.func @transform_7(%arg0: i32) -> (i32, i32) {
    %c0_i32 = arith.constant 0 : i32
    %c0_i32_0 = arith.constant 0 : i32
    %c0_i32_1 = arith.constant 0 : i32
    return %c0_i32, %c0_i32_0 : i32, i32
  }
  func.func @transform_8(%arg0: i32) -> (i32, i32) {
    %c0_i32 = arith.constant 0 : i32
    %c0_i32_0 = arith.constant 0 : i32
    return %arg0, %c0_i32 : i32, i32
  }
  func.func @transform_9(%arg0: i32) -> (i32, i32) {
    %c0_i32 = arith.constant 0 : i32
    %c0_i32_0 = arith.constant 0 : i32
    return %arg0, %c0_i32 : i32, i32
  }
}

module attributes {stable_mosaic.version = 14 : i64} {
  func.func @_tcf_body(%arg0: i32, %arg1: memref<2x256x16xf32, #tpu.memory_space<vmem>>, %arg2: memref<256x16xf32, #tpu.memory_space<vmem>>, %arg3: memref<256x16xf32, #tpu.memory_space<vmem>>, %arg4: memref<2x256x16xf32, #tpu.memory_space<vmem>>, %arg5: memref<256x16xf32, #tpu.memory_space<vmem>>) attributes {dimension_semantics = [#tpu.dimension_semantics<arbitrary>], iteration_bounds = array<i64: 40>, scalar_prefetch = 0 : i64, scratch_operands = 0 : i64, tpu.core_type = #tpu.core_type<tc>, window_params = [{transform_indices = @transform_0, window_bounds = array<i64: 2, 256, 16>}, {transform_indices = @transform_1, window_bounds = array<i64: 256, 16>}, {transform_indices = @transform_2, window_bounds = array<i64: 256, 16>}, {transform_indices = @transform_3, window_bounds = array<i64: 2, 256, 16>}, {transform_indices = @transform_4, window_bounds = array<i64: 256, 16>}]} {
    %get3A = arith.constant 0 : index
    %get3A_0 = arith.constant 0 : index
    %get3A_1 = arith.constant 0 : index
    %get3A_2 = vector.load %arg4[%get3A, %get3A_0, %get3A_1] : memref<2x256x16xf32, #tpu.memory_space<vmem>>, vector<1x256x16xf32>
    %get3A_3 = vector.shape_cast %get3A_2 : vector<1x256x16xf32> to vector<256x16xf32>
    %reduce_sum3A = arith.constant dense<0.000000e+00> : vector<256xf32>
    %reduce_sum3A_4 = vector.multi_reduction <add>, %get3A_3, %reduce_sum3A [1] : vector<256x16xf32> to vector<256xf32>
    %broadcast_in_dim3A = vector.shape_cast %reduce_sum3A_4 : vector<256xf32> to vector<256x1xf32>
    %get3A_5 = arith.constant 1 : index
    %get3A_6 = arith.constant 0 : index
    %get3A_7 = arith.constant 0 : index
    %get3A_8 = vector.load %arg4[%get3A_5, %get3A_6, %get3A_7] : memref<2x256x16xf32, #tpu.memory_space<vmem>>, vector<1x256x16xf32>
    %get3A_9 = vector.shape_cast %get3A_8 : vector<1x256x16xf32> to vector<256x16xf32>
    %reduce_sum3A_10 = arith.constant dense<0.000000e+00> : vector<256xf32>
    %reduce_sum3A_11 = vector.multi_reduction <add>, %get3A_9, %reduce_sum3A_10 [1] : vector<256x16xf32> to vector<256xf32>
    %broadcast_in_dim3A_12 = vector.shape_cast %reduce_sum3A_11 : vector<256xf32> to vector<256x1xf32>
    %add3A = arith.addf %broadcast_in_dim3A, %broadcast_in_dim3A_12 : vector<256x1xf32>
    %mul3A = arith.constant 6.250000e-02 : f32
    %mul3A_13 = vector.broadcast %mul3A : f32 to vector<256x1xf32>
    %mul3A_14 = arith.mulf %add3A, %mul3A_13 : vector<256x1xf32>
    %add3A_15 = arith.constant 1.000000e+00 : f32
    %add3A_16 = vector.broadcast %add3A_15 : f32 to vector<256x1xf32>
    %add3A_17 = arith.addf %mul3A_14, %add3A_16 : vector<256x1xf32>
    %rsqrt3A = math.rsqrt %add3A_17 : vector<256x1xf32>
    %get3A_18 = arith.constant 0 : index
    %get3A_19 = arith.constant 0 : index
    %get3A_20 = arith.constant 0 : index
    %get3A_21 = vector.load %arg1[%get3A_18, %get3A_19, %get3A_20] : memref<2x256x16xf32, #tpu.memory_space<vmem>>, vector<1x256x16xf32>
    %get3A_22 = vector.shape_cast %get3A_21 : vector<1x256x16xf32> to vector<256x16xf32>
    %get3A_23 = arith.constant 1 : index
    %get3A_24 = arith.constant 0 : index
    %get3A_25 = arith.constant 0 : index
    %get3A_26 = vector.load %arg1[%get3A_23, %get3A_24, %get3A_25] : memref<2x256x16xf32, #tpu.memory_space<vmem>>, vector<1x256x16xf32>
    %get3A_27 = vector.shape_cast %get3A_26 : vector<1x256x16xf32> to vector<256x16xf32>
    %add3A_28 = arith.addf %get3A_22, %get3A_27 : vector<256x16xf32>
    %get3A_29 = arith.constant 0 : index
    %get3A_30 = arith.constant 0 : index
    %get3A_31 = vector.load %arg2[%get3A_29, %get3A_30] : memref<256x16xf32, #tpu.memory_space<vmem>>, vector<256x16xf32>
    %add3A_32 = arith.addf %add3A_28, %get3A_31 : vector<256x16xf32>
    %mul3A_33 = vector.broadcast %rsqrt3A : vector<256x1xf32> to vector<256x16xf32>
    %mul3A_34 = arith.mulf %add3A_32, %mul3A_33 : vector<256x16xf32>
    %get3A_35 = arith.constant 0 : index
    %get3A_36 = arith.constant 0 : index
    %get3A_37 = vector.load %arg3[%get3A_35, %get3A_36] : memref<256x16xf32, #tpu.memory_space<vmem>>, vector<256x16xf32>
    %add3A_38 = arith.addf %mul3A_34, %get3A_37 : vector<256x16xf32>
    %swap3A = arith.constant 0 : index
    %swap3A_39 = arith.constant 0 : index
    %swap3A_40 = vector.load %arg5[%swap3A, %swap3A_39] : memref<256x16xf32, #tpu.memory_space<vmem>>, vector<256x16xf32>
    tpu.vector_store %arg5[%swap3A, %swap3A_39], %add3A_38 {strides = array<i32>} : memref<256x16xf32, #tpu.memory_space<vmem>>, vector<256x16xf32>,
    return
  }
  func.func @transform_0(%arg0: i32) -> (i32, i32, i32) {
    %c0_i32 = arith.constant 0 : i32
    %c0_i32_0 = arith.constant 0 : i32
    %c0_i32_1 = arith.constant 0 : i32
    return %c0_i32, %arg0, %c0_i32_0 : i32, i32, i32
  }
  func.func @transform_1(%arg0: i32) -> (i32, i32) {
    %c0_i32 = arith.constant 0 : i32
    %c0_i32_0 = arith.constant 0 : i32
    return %arg0, %c0_i32 : i32, i32
  }
  func.func @transform_2(%arg0: i32) -> (i32, i32) {
    %c0_i32 = arith.constant 0 : i32
    %c0_i32_0 = arith.constant 0 : i32
    return %arg0, %c0_i32 : i32, i32
  }
  func.func @transform_3(%arg0: i32) -> (i32, i32, i32) {
    %c0_i32 = arith.constant 0 : i32
    %c0_i32_0 = arith.constant 0 : i32
    %c0_i32_1 = arith.constant 0 : i32
    return %c0_i32, %arg0, %c0_i32_0 : i32, i32, i32
  }
  func.func @transform_4(%arg0: i32) -> (i32, i32) {
    %c0_i32 = arith.constant 0 : i32
    %c0_i32_0 = arith.constant 0 : i32
    return %arg0, %c0_i32 : i32, i32
  }
}

</mosaic_0001>

<sc_bundles>
// kernel: kernel.11.cloned.1.call-start
scs
__scs_entry_jumppad:
0x0: {  	(pc) =	sbr.rel $0x88, $3  }
0x1: {  	(tag) =	ssettag $0x0;
	lr =	simm.s32 $0x1  }
0x2: {  	[smem:$0x3F99] =	sst lr;
	_ =	strace $0xD0000000  }
0x3: {  	_ = 	snop  }
0x4: {  	_ = 	snop  }
0x5: {  	_ = 	snop  }
0x6: {  	_ = 	snop  }
0x7: {  	_ = 	snop  }
__scs_overlays_trampoline_lowered:
0x8: {  	[smem:$0x3FA8] =	sst s0  }
0x9: {  	[smem:$0x3FA9] =	sst s1  }
0xa: {  	[smem:$0x3FAA] =	sst s2  }
0xb: {  	[smem:$0x3FAB] =	sst s3  }
0xc: {  	[smem:$0x3FAC] =	sst s4  }
0xd: {  	[smem:$0x3FAD] =	sst s5  }
0xe: {  	[smem:$0x3FAE] =	sst s6  }
0xf: {  	[smem:$0x3FAF] =	sst s7  }
0x10: {  	[smem:$0x3FB0] =	sst s8  }
0x11: {  	[smem:$0x3FB1] =	sst s9;
	s0 =	simm.s32 @!p0 $0x0  }
0x12: {  	s1 =	sld [smem:$0x3F97];
	s0 =	simm.s32 @p0 $0x1  }
0x13: {  	[smem:$0x3FB2] =	sst s0;
	s0 =	simm.s32 @!p1 $0x0  }
0x14: {  	s2 =	sld [smem:$0x3F96];
	s0 =	simm.s32 @p1 $0x1  }
0x15: {  	[smem:$0x3FB3] =	sst s0;
	s0 =	simm.s32 @!p2 $0x0  }
0x16: {  	s3 =	sld [smem:$0x3FDB];
	s0 =	simm.s32 @p2 $0x1  }
0x17: {  	s4 =	simm.s32 $0x1BF5;
	[smem:$0x3FB5] =	sst s0  }
0x18: {  	s0 =	sld [smem:$0x3F98];
	_ =	swait.ge [sflag:s4], $0x0  }
0x19: {  	s7 =	sld [smem:$0x3F99]  }
0x1a: {  	s8 =	sadd.s32 $0xFFFFE003, lr  }
0x1b: {  	s9 =	sadd.s32 $0xFFFFFEF7, lr;
	s5 =	simm.s32 $0xFFFFFFFF;
	p2 =	slt.u32 s8, $0xFFFFF086  }
0x1c: {  	p1 =	slt.u32 s9, $0xF7A;
	s5 =	simm.s32 @!p2 $0x0  }
0x1d: {  	s5 =	simm.s32 @p1 $0x1;
	p0 =	seq.s32 s7, s2  }
0x1e: {  	s7 =	smul.u32 @!p0 $0xF7A, s2;
	p2 =	seq.s32 @!p0 s5, $0x0  }
0x1f: {  	s9 =	smul.u32 $0xF7A, s1;
	s8 =	simm.s32 @!p0 $0x1BF5;
	p2 =	por !p2, p0  }
0x20: {  	[sflag:s8] =	ssyncset.s32 @!p0 $0xFFFFF086;
	s6 =	sadd.s32 @!p0 s3, s7;
	s7 =	simm.s32 @!p0 $0x108  }
0x21: {  	s3 =	sadd.s32 s3, s9;
	s6 =	sadd.s32 @!p0 $0x88, s6;
	s7 =	simm.s32 @p2 $0x1082  }
0x22: {  	[simem:s7], [sflag:s8] =	dma.local @!p0 [hbm:s6], $0xF7A  }
0x23: {  	s9 =	sor.u32 $0xD0000000, s2;
	s6 =	simm.s32 $0x108;
	_ =	swait.ge @!p0 [sflag:s8], $0x0  }
0x24: {  	s3 =	sadd.s32 $0x88, s3;
	s6 =	simm.s32 @!p1 $0x1082;
	[sflag:s4] =	ssyncset.s32 $0xFFFFF086  }
0x25: {  	[simem:s6], [sflag:s4] =	dma.local [hbm:s3], $0xF7A  }
0x26: {  	[smem:$0x3F99] =	sst s1;
	(tag) =	ssettag s2;
	_ =	strace s9  }
0x27: {  	s1 =	sld [smem:$0x3FA9]  }
0x28: {  	s2 =	sld [smem:$0x3FAA]  }
0x29: {  	s4 =	sld [smem:$0x3FAC]  }
0x2a: {  	p0 =	seq.s32 s5, $0x0;
	s5 =	sld [smem:$0x3FAD]  }
0x2b: {  	s6 =	sld [smem:$0x3FAE]  }
0x2c: {  	s7 =	sld [smem:$0x3FAF]  }
0x2d: {  	s3 =	simm.s32 $0x108;
	s8 =	sld [smem:$0x3FB0]  }
0x2e: {  	s3 =	simm.s32 @!p0 $0x1082;
	s9 =	sld [smem:$0x3FB1]  }
0x2f: {  	lr =	sadd.s32 s0, s3;
	s0 =	sld [smem:$0x3FA8]  }
0x30: {  	s3 =	sld [smem:$0x3FAB]  }
0x31: {  	[smem:$0x3FB4] =	sst s10  }
0x32: {  	s10 =	sld [smem:$0x3FB2];
	_ =	sdelay $0x3  }
0x33: {  	p0 =	seq.s32 s10, $0x1;
	s10 =	sld [smem:$0x3FB4];
	_ =	sdelay $0x3  }
0x34: {  	[smem:$0x3FB4] =	sst s10  }
0x35: {  	s10 =	sld [smem:$0x3FB3];
	_ =	sdelay $0x3  }
0x36: {  	p1 =	seq.s32 s10, $0x1;
	s10 =	sld [smem:$0x3FB4];
	_ =	sdelay $0x3  }
0x37: {  	[smem:$0x3FB4] =	sst s10  }
0x38: {  	s10 =	sld [smem:$0x3FB5]  }
0x39: {  	_ = 	snop;
	(pc) =	sbr.ind lr, $3  }
0x3a: {  	_ = 	snop  }
0x3b: {  	_ = 	snop  }
0x3c: {  	p2 =	seq.s32 s10, $0x1;
	s10 =	sld [smem:$0x3FB4]  }
0x3d: {  	_ =	shalt  }
0x3e: {  	_ =	shalt  }
0x3f: {  	_ =	shalt  }
0x40: {  	_ =	shalt  }
0x41: {  	_ =	shalt  }
0x42: {  	_ =	shalt  }
0x43: {  	_ =	shalt  }
0x44: {  	_ =	shalt  }
0x45: {  	_ =	shalt  }
0x46: {  	_ =	shalt  }
0x47: {  	_ =	shalt  }
0x48: {  	_ =	shalt  }
0x49: {  	_ =	shalt  }
0x4a: {  	_ =	shalt  }
0x4b: {  	_ =	shalt  }
0x4c: {  	_ =	shalt  }
0x4d: {  	_ =	shalt  }
0x4e: {  	_ =	shalt  }
0x4f: {  	_ =	shalt  }
0x50: {  	_ =	shalt  }
0x51: {  	_ =	shalt  }
0x52: {  	_ =	shalt  }
0x53: {  	_ =	shalt  }
0x54: {  	_ =	shalt  }
0x55: {  	_ =	shalt  }
0x56: {  	_ =	shalt  }
0x57: {  	_ =	shalt  }
0x58: {  	_ =	shalt  }
0x59: {  	_ =	shalt  }
0x5a: {  	_ =	shalt  }
0x5b: {  	_ =	shalt  }
0x5c: {  	_ =	shalt  }
0x5d: {  	_ =	shalt  }
0x5e: {  	_ =	shalt  }
0x5f: {  	_ =	shalt  }
0x60: {  	_ =	shalt  }
0x61: {  	_ =	shalt  }
0x62: {  	_ =	shalt  }
0x63: {  	_ =	shalt  }
0x64: {  	_ =	shalt  }
0x65: {  	_ =	shalt  }
0x66: {  	_ =	shalt  }
0x67: {  	_ =	shalt  }
0x68: {  	_ =	shalt  }
0x69: {  	_ =	shalt  }
0x6a: {  	_ =	shalt  }
0x6b: {  	_ =	shalt  }
0x6c: {  	_ =	shalt  }
0x6d: {  	_ =	shalt  }
0x6e: {  	_ =	shalt  }
0x6f: {  	_ =	shalt  }
0x70: {  	_ =	shalt  }
0x71: {  	_ =	shalt  }
0x72: {  	_ =	shalt  }
0x73: {  	_ =	shalt  }
0x74: {  	_ =	shalt  }
0x75: {  	_ =	shalt  }
0x76: {  	_ =	shalt  }
0x77: {  	_ =	shalt  }
0x78: {  	_ =	shalt  }
0x79: {  	_ =	shalt  }
0x7a: {  	_ =	shalt  }
0x7b: {  	_ =	shalt  }
0x7c: {  	_ =	shalt  }
0x7d: {  	_ =	shalt  }
0x7e: {  	_ =	shalt  }
0x7f: {  	_ =	shalt  }
0x80: {  	_ =	shalt  }
0x81: {  	_ =	shalt  }
0x82: {  	_ =	shalt  }
0x83: {  	_ =	shalt  }
0x84: {  	_ =	shalt  }
0x85: {  	_ =	shalt  }
0x86: {  	_ =	shalt  }
0x87: {  	_ =	shalt  }
.Lfunc_end0:
.L_simem_size_0:
called_computation.1_lowered:
.L_overlay_start_0:
0x88: {  	s2 =	sld [smem:$0x3FD9]  }
0x89: {  	s3 =	sld [smem:$0x3FFE];
	_ =	sdelay $0x1  }
0x8a: {  	s1 =	srdreg.scid  }
0x8b: {  	s0 =	sand.u32 $0x1, s1  }
0x8c: {  	s16 =	sshll.u32 s0, $0xA;
	s2 =	sadd.s32 s3, s2  }
0x8d: {  	s2 =	sadd.s32 s2, s16  }
0x8e: {  	[smem:$0x3FC0] =	sst s2  }
0x8f: {  	_ = 	snop  }
0x90: {  	(tm) =	ssettm $0x1  }
0x91: {  	s17 =	sld [smem:$0x3FFB];
	_ =	sdelay $0x3  }
0x92: {  	_ =	strace s17  }
0x93: {  	s2 =	sld [smem:$0x3FFC];
	_ =	sdelay $0x3  }
0x94: {  	_ =	strace s2  }
0x95: {  	s2 =	sld [smem:$0x3FFD];
	_ =	sdelay $0x3  }
0x96: {  	_ =	strace s2  }
0x97: {  	_ =	strace $0x8FFFFFFF  }
0x98: {  	s18 =	sld [smem:$0x3FDB];
	_ =	sdelay $0x1  }
0x99: {  	s19 =	simm.s32 $_scs_section_size  }
0x9a: {  	s4 =	simm.s32 $_size__tile_overlayer_lowered;
	s5 =	simm.s32 $_tile_overlayer_lowered  }
0x9b: {  	s22 =	simm.s32 $0x1BFF;
	s21 =	sshll.u32 s5, $0x1;
	s2 =	sadd.s32 s19, s18  }
0x9c: {  	s6 =	simm.s32 $0x0;
	s20 =	sshll.u32 s4, $0x1;
	s4 =	sadd.s32 s21, s2  }
0x9d: {  	[timem:s6], [sflag:s22] =	dma.local [hbm:s4], s20  }
0x9e: {  	_ =	swait.ge [sflag:s22], s20  }
0x9f: {  	s3 =	ssub.s32 $0x0, s20;
	[sflag:s22] =	ssyncset.done $0x0  }
0xa0: {  	[sflag:s22] =	ssyncadd.s32 s3;
	_ =	sdelay $0x1  }
0xa1: {  	s23 =	simm.s32 $0x1B8B  }
0xa2: {  	_ =	swait.ge [sflag:s23], $0x1  }
0xa3: {  	[sflag:s23] =	ssyncset.done $0x0  }
0xa4: {  	s25 =	simm.s32 $0x1B8E;
	s24 =	sld [smem:$0x3FFE];
	[sflag:s23] =	ssyncadd.s32 $0xFFFFFFFF  }
0xa5: {  	s26 =	simm.s32 $execute0_lowered;
	[smem:$0x3FD2] =	sst s25  }
0xa6: {  	s4 =	sshll.u32 s26, $0x1;
	_ =	strace $0x80000049;
	[dreg:$0x1] =	wrdreg $0xFFFFFFFF  }
0xa7: {  	s28 =	simm.s32 $_size_execute0_lowered;
	s2 =	sadd.s32 s2, s4;
	[dreg:$0x0] =	wrdreg $0x0  }
0xa8: {  	s4 =	sshll.u32 s28, $0x1;
	[dreg:$0x2] =	wrdreg s2  }
0xa9: {  	[dreg:$0x3] =	wrdreg s4  }
0xaa: {  	[dreg:$0x4] =	wrdreg $0xC0  }
0xab: {  	_ =	task [dreg:s6], $0x5FFFF  }
0xac: {  	[dreg:$0x1] =	wrdreg $0xFFFFFFFF  }
0xad: {  	[dreg:$0x0] =	wrdreg $0x60  }
0xae: {  	[dreg:$0x2] =	wrdreg s24  }
0xaf: {  	[dreg:$0x3] =	wrdreg $0x88000  }
0xb0: {  	[dreg:$0x4] =	wrdreg $0x9  }
0xb1: {  	_ =	task.clear_ibuf [dreg:s6], $0x5FFFF;
	_ =	strace $0x90000049  }
0xb2: {  	s29 =	simm.s32 $0x9;
	_ =	strace $0x8000004B  }
0xb3: {  	_ =	swait.ge [sflag:s29], $0x1  }
0xb4: {  	[sflag:s29] =	ssyncadd.s32 $0xFFFFFFFF  }
0xb5: {  	_ =	strace $0x9000004B  }
0xb6: {  	_ =	sfence  }
0xb7: {  	s30 =	sld [smem:$0x0];
	_ =	sdelay $0x2  }
0xb8: {  	s31 =	sshll.u32 s1, $0xD;
	s1 =	sshrl.u32 s1, $0x2  }
0xb9: {  	s3 =	sand.u32 $0x4000, s31;
	s1 =	sadd.s32 s1, s30  }
0xba: {  	s0 =	sor.u32 s3, s0;
	s1 =	sshll.u32 s1, $0x11  }
0xbb: {  	s0 =	sor.u32 s1, s0  }
0xbc: {  	s0 =	sadd.s32 $0x8F2B, s0  }
0xbd: {  	[sflag:s0] =	ssyncadd.remote.s32 $0x1  }
0xbe: {  	_ =	sfence.sel $0xFFFF  }
0xbf: {  	[dreg:$0x0] =	wrdreg $0xFFFFFFFF;
	(pc) =	sbr.abs _section_cstart, $3  }
0xc0: {  	[dreg:$0x1] =	wrdreg $0xFFFFFFFF  }
0xc1: {  	_ =	task.clear_ibuf [dreg:s6], $0x2FFFF;
	_ =	strace $0x9FFFFFFF  }
0xc2: {  	(tm) =	ssettm $0x7FFFFFFF  }
0xc3: {  	_ =	shalt  }
tec
execute0_lowered:
.L_overlay_start_1:
0x0: {  	(tag) =	ssettag $0x1  }
0x1: {  	s0 =	rddreg [dreg:$0x0]  }
0x2: {  	s2 =	rddreg [dreg:$0x1]  }
0x3: {  	s8 =	stileid.u32;
	s1 =	srdreg.scid  }
0x4: {  	s3 =	simm.s32 $0x0;
	s15 =	simm.s32 $0x800;
	s16 =	simm.s32 $0x3  }
0x5: {  	s17 =	simm.s32 $0x400;
	s18 =	simm.s32 $0x80;
	s19 =	simm.s32 $0x4800  }
0x6: {  	s20 =	simm.s32 $0x1;
	s21 =	simm.s32 $0x100;
	s4 =	smul.u32 $0x78, s8  }
0x7: {  	s22 =	simm.s32 $0x2;
	s28 =	simm.s32 $0x200;
	s5 =	smul.u32 $0x28, s8  }
0x8: {  	s29 =	simm.s32 $0x580;
	s30 =	simm.s32 $0x280;
	s7 =	smul.u32 $0x14000, s8  }
0x9: {  	s31 =	simm.s32 $0x600;
	s1 =	sand.u32 $0x1, s1;
	s8 =	smul.u32 $0x50000, s8  }
0xa: {  	s10 =	simm.s32 $0x0;
	[smem:$0x7FF] =	sst s3;
	s6 =	smul.u32 $0x140000, s1  }
0xb: {  	p0 =	seq.s32 s1, $0x0;
	_ =	strace $0x8000004A;
	s1 =	ssub.s32 $0x2, s1  }
0xc: {  	s5 =	sadd.s32 $0x780, s5;
	s12 =	sshrl.u32 s1, $0x1;
	s13 =	sshrl.u32 s8, $0x2  }
0xd: {  	s14 =	sadd.s32 s7, s2;
	s8 =	simm.s32 $0x700;
	s5 =	smov.u32 @p0 s4  }
0xe: {  	s4 =	sadd.s32 $0x70600, s0;
	s6 =	sadd.s32 s7, s6;
	s1 =	ssub.s32 s1, s12  }
0xf: {  	s7 =	simm.s32 $0x380;
	s5 =	sshll.u32 s5, $0x4;
	s6 =	sshrl.u32 s6, $0x3  }
0x10: {  	s1 =	smax.u32 s1, $0x1;
	s9 =	sadd.s32 s5, s0;
	s0 =	sadd.s32 s6, s0  }
0x11: {  	s6 =	sadd.s32 s13, s2;
	[dreg:$0x4] =	wrdreg s1;
	s0 =	sadd.s32 $0x98600, s0  }
0x12: {  	s5 =	simm.s32 $0xF;
	s23 =	sadd.s32 $0x4000, s6;
	[dreg:$0x3] =	wrdreg s0  }
0x13: {  	s1 =	simm.s32 $0x680;
	s24 =	sadd.s32 $0x8000, s6;
	[dreg:$0x5] =	wrdreg s23  }
0x14: {  	s5 =	simm.s32 @!p0 $0x5;
	s25 =	sadd.s32 $0xC000, s6;
	[dreg:$0x6] =	wrdreg s24  }
0x15: {  	s26 =	sadd.s32 $0x10000, s6;
	s12 =	sadd.s32 $0x2600, s9;
	[dreg:$0x7] =	wrdreg s25  }
0x16: {  	[dreg:$0x8] =	wrdreg s26;
	s25 =	sadd.s32 $0x16600, s9;
	s23 =	simm.s32 $0x480  }
0x17: {  	s24 =	simm.s32 $0x180;
	s0 =	sshrl.u32 s14, $0x3;
	s26 =	simm.s32 $0x500  }
0x18: {  	v0 =	vimm.f32 $0.0e+00;
	s9 =	simm.s32 $0x780;
	[dreg:$0x9] =	wrdreg s0;
	s0 =	simm.s32 $0x300  }
.LBB2_1:
0x19: {  	s11 =	simm.s32 $0x0;
	s13 =	simm.s32 $0x200  }
.LBB2_2:
0x1a: {  	p0 =	sne.s32 s13, $0xFE00;
	[tilespmem:s11+$0x870] =	vst v0  }
0x1b: {  	[tilespmem:s11+$0x800] =	vst v0  }
0x1c: {  	[tilespmem:s11+$0x810] =	vst v0  }
.Ltmp0:
0x1d: {  	[tilespmem:s11+$0x820] =	vst v0;
	(pc) =	sbr.rel @p0 .LBB2_2-.Ltmp0, $4  }
0x1e: {  	[tilespmem:s11+$0x830] =	vst v0  }
0x1f: {  	[tilespmem:s11+$0x840] =	vst v0  }
0x20: {  	[tilespmem:s11+$0x850] =	vst v0  }
0x21: {  	[tilespmem:s11+$0x860] =	vst v0;
	s11 =	sshra.s32 s13, $0x2;
	s13 =	sadd.s32 $0x200, s13  }
0x22: {  	[tilespmem:s11+$0x870] =	vst v0  }
0x23: {  	[tilespmem:s11+$0x800] =	vst v0  }
0x24: {  	[tilespmem:s11+$0x810] =	vst v0  }
0x25: {  	[tilespmem:s11+$0x820] =	vst v0  }
0x26: {  	[tilespmem:s11+$0x830] =	vst v0  }
0x27: {  	[tilespmem:s11+$0x840] =	vst v0  }
0x28: {  	[tilespmem:s11+$0x850] =	vst v0  }
0x29: {  	[tilespmem:s11+$0x860] =	vst v0  }
0x2a: {  	[spmem:s6] =	stream.linear.scatter [tilespmem:s15], [sflag:$0x3], $0x4000, $0x38;
	[tilespmem:$0x1C800] =	vst v63  }
0x2b: {  	_ =	swait.ge [sflag:s16], $0x4000  }
0x2c: {  	[sflag:s16] =	ssyncset.done $0x0  }
0x2d: {  	s13 =	rddreg [dreg:$0x5];
	[sflag:s16] =	ssyncadd.s32 $0xFFFFC000  }
0x2e: {  	[spmem:s13] =	stream.linear.scatter [tilespmem:s15], [sflag:$0x3], $0x4000, $0x38;
	[tilespmem:$0x1C800] =	vst v63  }
0x2f: {  	_ =	swait.ge [sflag:s16], $0x4000  }
0x30: {  	[sflag:s16] =	ssyncset.done $0x0  }
0x31: {  	s14 =	rddreg [dreg:$0x6];
	[sflag:s16] =	ssyncadd.s32 $0xFFFFC000  }
0x32: {  	[spmem:s14] =	stream.linear.scatter [tilespmem:s15], [sflag:$0x3], $0x4000, $0x38;
	[tilespmem:$0x1C800] =	vst v63  }
0x33: {  	_ =	swait.ge [sflag:s16], $0x4000  }
0x34: {  	[sflag:s16] =	ssyncset.done $0x0  }
0x35: {  	s13 =	rddreg [dreg:$0x7];
	[sflag:s16] =	ssyncadd.s32 $0xFFFFC000  }
0x36: {  	[spmem:s13] =	stream.linear.scatter [tilespmem:s15], [sflag:$0x3], $0x4000, $0x38;
	[tilespmem:$0x1C800] =	vst v63  }
0x37: {  	_ =	swait.ge [sflag:s16], $0x4000  }
0x38: {  	[sflag:s16] =	ssyncset.done $0x0  }
0x39: {  	s14 =	rddreg [dreg:$0x8];
	[sflag:s16] =	ssyncadd.s32 $0xFFFFC000  }
0x3a: {  	[spmem:s14] =	stream.linear.scatter [tilespmem:s15], [sflag:$0x3], $0x4000, $0x38;
	[tilespmem:$0x1C800] =	vst v63  }
0x3b: {  	_ =	swait.ge [sflag:s16], $0x4000  }
0x3c: {  	[sflag:s16] =	ssyncset.done $0x0  }
0x3d: {  	[sflag:s16] =	ssyncadd.s32 $0xFFFFC000  }
0x3e: {  	[bflag:$0x0] =	sbarrier.arrive $0xFFFF  }
0x3f: {  	[tilespmem:s3], [sflag:$0x3] =	stream.linear.gather [hbm4b:s25+s3], $0x400, $0x38;
	[tilespmem:$0x1C800] =	vst v63  }
0x40: {  	_ =	swait.ge [sflag:s16], $0x400  }
0x41: {  	[sflag:s16] =	ssyncset.done $0x0  }
0x42: {  	[sflag:s16] =	ssyncadd.s32 $0xFFFFFC00  }
0x43: {  	[tilespmem:s17], [sflag:$0x3] =	stream.linear.gather [hbm4b:s12+s3], $0x400, $0x38;
	[tilespmem:$0x1C800] =	vst v63  }
0x44: {  	_ =	swait.ge [sflag:s16], $0x400  }
0x45: {  	[sflag:s16] =	ssyncset.done $0x0  }
0x46: {  	[sflag:s16] =	ssyncadd.s32 $0xFFFFFC00  }
0x47: {  	[tilespmem:s15], [sflag:$0x1] =	stream.indirect.gather [hbm4b:s4+s18], $0x80, s3, s18, $0xb8;
	[tilespmem:$0x1C800] =	vst v63  }
0x48: {  	_ = 	snop  }
0x49: {  	[tilespmem:s19], [sflag:$0x2] =	stream.indirect.gather [hbm4b:s4+s18], $0x80, s18, s18, $0xb8;
	[tilespmem:$0x1C800] =	vst v63  }
0x4a: {  	_ =	swait.ge [sflag:s20], $0x4000  }
0x4b: {  	[sflag:s20] =	ssyncset.done $0x0  }
0x4c: {  	[sflag:s20] =	ssyncadd.s32 $0xFFFFC000  }
0x4d: {  	[spmem:s2] =	stream.indirect.scatter.add.f32 [tilespmem:s15], [sflag:$0x3], $0x80, s17, s18, $0xb8;
	[tilespmem:$0x1C800] =	vst v63  }
0x4e: {  	_ =	swait.ge [sflag:s16], $0x4000  }
0x4f: {  	[sflag:s16] =	ssyncset.done $0x0  }
0x50: {  	[sflag:s16] =	ssyncadd.s32 $0xFFFFC000  }
0x51: {  	[tilespmem:s15], [sflag:$0x1] =	stream.indirect.gather [hbm4b:s4+s18], $0x80, s21, s18, $0xb8;
	[tilespmem:$0x1C800] =	vst v63  }
0x52: {  	_ =	swait.ge [sflag:s22], $0x4000  }
0x53: {  	[sflag:s22] =	ssyncset.done $0x0  }
0x54: {  	[sflag:s22] =	ssyncadd.s32 $0xFFFFC000  }
0x55: {  	[spmem:s2] =	stream.indirect.scatter.add.f32 [tilespmem:s19], [sflag:$0x3], $0x80, s23, s18, $0xb8;
	[tilespmem:$0x1C800] =	vst v63  }
0x56: {  	_ =	swait.ge [sflag:s16], $0x4000  }
0x57: {  	[sflag:s16] =	ssyncset.done $0x0  }
0x58: {  	[sflag:s16] =	ssyncadd.s32 $0xFFFFC000  }
0x59: {  	[tilespmem:s19], [sflag:$0x2] =	stream.indirect.gather [hbm4b:s4+s18], $0x80, s24, s18, $0xb8;
	[tilespmem:$0x1C800] =	vst v63  }
0x5a: {  	_ =	swait.ge [sflag:s20], $0x4000  }
0x5b: {  	[sflag:s20] =	ssyncset.done $0x0  }
0x5c: {  	[sflag:s20] =	ssyncadd.s32 $0xFFFFC000  }
0x5d: {  	[spmem:s2] =	stream.indirect.scatter.add.f32 [tilespmem:s15], [sflag:$0x3], $0x80, s26, s18, $0xb8;
	[tilespmem:$0x1C800] =	vst v63  }
0x5e: {  	_ =	swait.ge [sflag:s16], $0x4000  }
0x5f: {  	[sflag:s16] =	ssyncset.done $0x0  }
0x60: {  	[sflag:s16] =	ssyncadd.s32 $0xFFFFC000  }
0x61: {  	[tilespmem:s15], [sflag:$0x1] =	stream.indirect.gather [hbm4b:s4+s18], $0x80, s28, s18, $0xb8;
	[tilespmem:$0x1C800] =	vst v63  }
0x62: {  	_ =	swait.ge [sflag:s22], $0x4000  }
0x63: {  	[sflag:s22] =	ssyncset.done $0x0  }
0x64: {  	[sflag:s22] =	ssyncadd.s32 $0xFFFFC000  }
0x65: {  	[spmem:s2] =	stream.indirect.scatter.add.f32 [tilespmem:s19], [sflag:$0x3], $0x80, s29, s18, $0xb8;
	[tilespmem:$0x1C800] =	vst v63  }
0x66: {  	_ =	swait.ge [sflag:s16], $0x4000  }
0x67: {  	[sflag:s16] =	ssyncset.done $0x0  }
0x68: {  	[sflag:s16] =	ssyncadd.s32 $0xFFFFC000  }
0x69: {  	[tilespmem:s19], [sflag:$0x2] =	stream.indirect.gather [hbm4b:s4+s18], $0x80, s30, s18, $0xb8;
	[tilespmem:$0x1C800] =	vst v63  }
0x6a: {  	_ =	swait.ge [sflag:s20], $0x4000  }
0x6b: {  	[sflag:s20] =	ssyncset.done $0x0  }
0x6c: {  	[sflag:s20] =	ssyncadd.s32 $0xFFFFC000  }
0x6d: {  	[spmem:s2] =	stream.indirect.scatter.add.f32 [tilespmem:s15], [sflag:$0x3], $0x80, s31, s18, $0xb8;
	[tilespmem:$0x1C800] =	vst v63  }
0x6e: {  	_ =	swait.ge [sflag:s16], $0x4000  }
0x6f: {  	[sflag:s16] =	ssyncset.done $0x0  }
0x70: {  	[sflag:s16] =	ssyncadd.s32 $0xFFFFC000  }
0x71: {  	[tilespmem:s15], [sflag:$0x1] =	stream.indirect.gather [hbm4b:s4+s18], $0x80, s0, s18, $0xb8;
	[tilespmem:$0x1C800] =	vst v63  }
0x72: {  	_ =	swait.ge [sflag:s22], $0x4000  }
0x73: {  	[sflag:s22] =	ssyncset.done $0x0  }
0x74: {  	[sflag:s22] =	ssyncadd.s32 $0xFFFFC000  }
0x75: {  	[spmem:s2] =	stream.indirect.scatter.add.f32 [tilespmem:s19], [sflag:$0x3], $0x80, s1, s18, $0xb8;
	[tilespmem:$0x1C800] =	vst v63  }
0x76: {  	_ =	swait.ge [sflag:s16], $0x4000  }
0x77: {  	[sflag:s16] =	ssyncset.done $0x0  }
0x78: {  	[sflag:s16] =	ssyncadd.s32 $0xFFFFC000  }
0x79: {  	[tilespmem:s19], [sflag:$0x2] =	stream.indirect.gather [hbm4b:s4+s18], $0x80, s7, s18, $0xb8;
	[tilespmem:$0x1C800] =	vst v63  }
0x7a: {  	_ =	swait.ge [sflag:s20], $0x4000  }
0x7b: {  	[sflag:s20] =	ssyncset.done $0x0  }
0x7c: {  	[sflag:s20] =	ssyncadd.s32 $0xFFFFC000  }
0x7d: {  	[spmem:s2] =	stream.indirect.scatter.add.f32 [tilespmem:s15], [sflag:$0x3], $0x80, s8, s18, $0xb8;
	[tilespmem:$0x1C800] =	vst v63  }
0x7e: {  	_ =	swait.ge [sflag:s16], $0x4000  }
0x7f: {  	[sflag:s16] =	ssyncset.done $0x0  }
0x80: {  	[sflag:s16] =	ssyncadd.s32 $0xFFFFC000  }
0x81: {  	p0 =	sne.s32 s5, $0x1;
	_ =	swait.ge [sflag:s22], $0x4000  }
.Ltmp1:
0x82: {  	[sflag:s22] =	ssyncset.done $0x0;
	(pc) =	sbr.rel @!p0 .LBB2_5-.Ltmp1, $4  }
0x83: {  	[sflag:s22] =	ssyncadd.s32 $0xFFFFC000  }
0x84: {  	[spmem:s2] =	stream.indirect.scatter.add.f32 [tilespmem:s19], [sflag:$0x3], $0x80, s9, s18, $0xb8;
	[tilespmem:$0x1C800] =	vst v63  }
0x85: {  	s11 =	sadd.s32 $0xFFFFFFFF, s5;
	_ =	swait.ge [sflag:s16], $0x4000  }
0x86: {  	s13 =	smov.u32 s12;
	s14 =	smov.u32 s25;
	[sflag:s16] =	ssyncset.done $0x0  }
.LBB2_4:
0x87: {  	[sflag:s16] =	ssyncadd.s32 $0xFFFFC000;
	s13 =	sadd.s32 $0x80, s13;
	s14 =	sadd.s32 $0x80, s14  }
0x88: {  	[tilespmem:s3], [sflag:$0x3] =	stream.linear.gather [hbm4b:s14+s3], $0x400, $0x38;
	[tilespmem:$0x1C800] =	vst v63  }
0x89: {  	p0 =	sne.s32 s11, $0x1;
	s11 =	sadd.s32 $0xFFFFFFFF, s11;
	_ =	swait.ge [sflag:s16], $0x400  }
0x8a: {  	[sflag:s16] =	ssyncset.done $0x0  }
0x8b: {  	[sflag:s16] =	ssyncadd.s32 $0xFFFFFC00  }
0x8c: {  	[tilespmem:s17], [sflag:$0x3] =	stream.linear.gather [hbm4b:s13+s3], $0x400, $0x38;
	[tilespmem:$0x1C800] =	vst v63  }
0x8d: {  	_ =	swait.ge [sflag:s16], $0x400  }
0x8e: {  	[sflag:s16] =	ssyncset.done $0x0  }
0x8f: {  	[sflag:s16] =	ssyncadd.s32 $0xFFFFFC00  }
0x90: {  	[tilespmem:s15], [sflag:$0x1] =	stream.indirect.gather [hbm4b:s4+s18], $0x80, s3, s18, $0xb8;
	[tilespmem:$0x1C800] =	vst v63  }
0x91: {  	_ = 	snop  }
0x92: {  	[tilespmem:s19], [sflag:$0x2] =	stream.indirect.gather [hbm4b:s4+s18], $0x80, s18, s18, $0xb8;
	[tilespmem:$0x1C800] =	vst v63  }
0x93: {  	_ =	swait.ge [sflag:s20], $0x4000  }
0x94: {  	[sflag:s20] =	ssyncset.done $0x0  }
0x95: {  	[sflag:s20] =	ssyncadd.s32 $0xFFFFC000  }
0x96: {  	[spmem:s2] =	stream.indirect.scatter.add.f32 [tilespmem:s15], [sflag:$0x3], $0x80, s17, s18, $0xb8;
	[tilespmem:$0x1C800] =	vst v63  }
0x97: {  	_ =	swait.ge [sflag:s16], $0x4000  }
0x98: {  	[sflag:s16] =	ssyncset.done $0x0  }
0x99: {  	[sflag:s16] =	ssyncadd.s32 $0xFFFFC000  }
0x9a: {  	[tilespmem:s15], [sflag:$0x1] =	stream.indirect.gather [hbm4b:s4+s18], $0x80, s21, s18, $0xb8;
	[tilespmem:$0x1C800] =	vst v63  }
0x9b: {  	_ =	swait.ge [sflag:s22], $0x4000  }
0x9c: {  	[sflag:s22] =	ssyncset.done $0x0  }
0x9d: {  	[sflag:s22] =	ssyncadd.s32 $0xFFFFC000  }
0x9e: {  	[spmem:s2] =	stream.indirect.scatter.add.f32 [tilespmem:s19], [sflag:$0x3], $0x80, s23, s18, $0xb8;
	[tilespmem:$0x1C800] =	vst v63  }
0x9f: {  	_ =	swait.ge [sflag:s16], $0x4000  }
0xa0: {  	[sflag:s16] =	ssyncset.done $0x0  }
0xa1: {  	[sflag:s16] =	ssyncadd.s32 $0xFFFFC000  }
0xa2: {  	[tilespmem:s19], [sflag:$0x2] =	stream.indirect.gather [hbm4b:s4+s18], $0x80, s24, s18, $0xb8;
	[tilespmem:$0x1C800] =	vst v63  }
0xa3: {  	_ =	swait.ge [sflag:s20], $0x4000  }
0xa4: {  	[sflag:s20] =	ssyncset.done $0x0  }
0xa5: {  	[sflag:s20] =	ssyncadd.s32 $0xFFFFC000  }
0xa6: {  	[spmem:s2] =	stream.indirect.scatter.add.f32 [tilespmem:s15], [sflag:$0x3], $0x80, s26, s18, $0xb8;
	[tilespmem:$0x1C800] =	vst v63  }
0xa7: {  	_ =	swait.ge [sflag:s16], $0x4000  }
0xa8: {  	[sflag:s16] =	ssyncset.done $0x0  }
0xa9: {  	[sflag:s16] =	ssyncadd.s32 $0xFFFFC000  }
0xaa: {  	[tilespmem:s15], [sflag:$0x1] =	stream.indirect.gather [hbm4b:s4+s18], $0x80, s28, s18, $0xb8;
	[tilespmem:$0x1C800] =	vst v63  }
0xab: {  	_ =	swait.ge [sflag:s22], $0x4000  }
0xac: {  	[sflag:s22] =	ssyncset.done $0x0  }
0xad: {  	[sflag:s22] =	ssyncadd.s32 $0xFFFFC000  }
0xae: {  	[spmem:s2] =	stream.indirect.scatter.add.f32 [tilespmem:s19], [sflag:$0x3], $0x80, s29, s18, $0xb8;
	[tilespmem:$0x1C800] =	vst v63  }
0xaf: {  	_ =	swait.ge [sflag:s16], $0x4000  }
0xb0: {  	[sflag:s16] =	ssyncset.done $0x0  }
0xb1: {  	[sflag:s16] =	ssyncadd.s32 $0xFFFFC000  }
0xb2: {  	[tilespmem:s19], [sflag:$0x2] =	stream.indirect.gather [hbm4b:s4+s18], $0x80, s30, s18, $0xb8;
	[tilespmem:$0x1C800] =	vst v63  }
0xb3: {  	_ =	swait.ge [sflag:s20], $0x4000  }
0xb4: {  	[sflag:s20] =	ssyncset.done $0x0  }
0xb5: {  	[sflag:s20] =	ssyncadd.s32 $0xFFFFC000  }
0xb6: {  	[spmem:s2] =	stream.indirect.scatter.add.f32 [tilespmem:s15], [sflag:$0x3], $0x80, s31, s18, $0xb8;
	[tilespmem:$0x1C800] =	vst v63  }
0xb7: {  	_ =	swait.ge [sflag:s16], $0x4000  }
0xb8: {  	[sflag:s16] =	ssyncset.done $0x0  }
0xb9: {  	[sflag:s16] =	ssyncadd.s32 $0xFFFFC000  }
0xba: {  	[tilespmem:s15], [sflag:$0x1] =	stream.indirect.gather [hbm4b:s4+s18], $0x80, s0, s18, $0xb8;
	[tilespmem:$0x1C800] =	vst v63  }
0xbb: {  	_ =	swait.ge [sflag:s22], $0x4000  }
0xbc: {  	[sflag:s22] =	ssyncset.done $0x0  }
0xbd: {  	[sflag:s22] =	ssyncadd.s32 $0xFFFFC000  }
0xbe: {  	[spmem:s2] =	stream.indirect.scatter.add.f32 [tilespmem:s19], [sflag:$0x3], $0x80, s1, s18, $0xb8;
	[tilespmem:$0x1C800] =	vst v63  }
0xbf: {  	_ =	swait.ge [sflag:s16], $0x4000  }
0xc0: {  	[sflag:s16] =	ssyncset.done $0x0  }
0xc1: {  	[sflag:s16] =	ssyncadd.s32 $0xFFFFC000  }
0xc2: {  	[tilespmem:s19], [sflag:$0x2] =	stream.indirect.gather [hbm4b:s4+s18], $0x80, s7, s18, $0xb8;
	[tilespmem:$0x1C800] =	vst v63  }
0xc3: {  	_ =	swait.ge [sflag:s20], $0x4000  }
0xc4: {  	[sflag:s20] =	ssyncset.done $0x0  }
0xc5: {  	[sflag:s20] =	ssyncadd.s32 $0xFFFFC000  }
0xc6: {  	[spmem:s2] =	stream.indirect.scatter.add.f32 [tilespmem:s15], [sflag:$0x3], $0x80, s8, s18, $0xb8;
	[tilespmem:$0x1C800] =	vst v63  }
0xc7: {  	_ =	swait.ge [sflag:s16], $0x4000  }
0xc8: {  	[sflag:s16] =	ssyncset.done $0x0  }
0xc9: {  	[sflag:s16] =	ssyncadd.s32 $0xFFFFC000  }
0xca: {  	_ =	swait.ge [sflag:s22], $0x4000  }
.Ltmp2:
0xcb: {  	[sflag:s22] =	ssyncset.done $0x0;
	(pc) =	sbr.rel @p0 .LBB2_4-.Ltmp2, $4  }
0xcc: {  	[sflag:s22] =	ssyncadd.s32 $0xFFFFC000  }
0xcd: {  	[spmem:s2] =	stream.indirect.scatter.add.f32 [tilespmem:s19], [sflag:$0x3], $0x80, s9, s18, $0xb8;
	[tilespmem:$0x1C800] =	vst v63  }
0xce: {  	_ =	swait.ge [sflag:s16], $0x4000  }
0xcf: {  	[sflag:s16] =	ssyncset.done $0x0  }
.LBB2_5:
0xd0: {  	[sflag:s16] =	ssyncadd.s32 $0xFFFFC000  }
0xd1: {  	s11 =	stileid.u32;
	[bflag:$0x0] =	sbarrier.arrive $0xFFFF  }
0xd2: {  	s11 =	sshll.u32 s11, $0x6;
	s13 =	rddreg [dreg:$0x3]  }
0xd3: {  	s11 =	sor.u32 $0x1C03, s11;
	s14 =	rddreg [dreg:$0x9]  }
0xd4: {  	[hbm:s13], [sflag:s11] =	dma.local [spmem:s14], $0x2800  }
0xd5: {  	_ =	swait.ge [sflag:s16], $0x2800  }
0xd6: {  	s10 =	sadd.s32 $0x1, s10;
	s14 =	rddreg [dreg:$0x4]  }
0xd7: {  	p0 =	sne.s32 s10, s14  }
.Ltmp3:
0xd8: {  	_ = 	snop;
	(pc) =	sbr.rel @p0 .LBB2_1-.Ltmp3, $3  }
0xd9: {  	_ =	sdelay $0x1  }
0xda: {  	[sflag:s16] =	ssyncset.done $0x0  }
0xdb: {  	[sflag:s16] =	ssyncadd.s32 $0xFFFFD800  }
0xdc: {  	_ =	sfence.sel $0x180000  }
0xdd: {  	[bflag:$0x0] =	sbarrier.arrive $0xFFFF  }
0xde: {  	_ =	strace $0x9000004A  }
0xdf: {  	s0 =	stileid.u32;
	[bflag:$0x2] =	sbarrier.arrive $0xFFFF  }
0xe0: {  	p0 =	sne.s32 s0, $0x0;
	s0 =	rddreg [dreg:$0x2]  }
0xe1: {  	s0 =	sadd.s32 @!p0 $0x100000, s0  }
0xe2: {  	[sflag:s0] =	ssyncadd.tile.s32 @!p0 $0x1;
	_ =	shalt  }
.Lfunc_end2:
_tile_overlayer_lowered:
.L_overlay_start_2:
0xe3: {  	(tag) =	ssettag $0x2  }
0xe4: {  	s0 =	rddreg [dreg:$0x0];
	s2 =	stileid.u32  }
0xe5: {  	s1 =	rddreg [dreg:$0x1];
	p0 =	sne.s32 s2, $0x0  }
0xe6: {  	s3 =	rddreg [dreg:$0x2];
	[bflag:$0x3] =	sbarrier.arrive $0xFFFF;
	s2 =	simm.s32 @!p0 $0x1C03  }
0xe7: {  	[timem:s3], [sflag:s2] =	dma.local @!p0 [hbm:s0], s1  }
0xe8: {  	s0 =	simm.s32 @!p0 $0x3  }
0xe9: {  	_ =	swait.ge @!p0 [sflag:s0], s1  }
0xea: {  	s1 =	ssub.s32 @!p0 $0x0, s1;
	[sflag:s0] =	ssyncset.done @!p0 $0x0  }
0xeb: {  	[sflag:s0] =	ssyncadd.s32 @!p0 s1  }
0xec: {  	[bflag:$0x3] =	sbarrier.arrive $0xFFFF  }
0xed: {  	_ =	shalt  }

// kernel: kernel.14.cloned.1.call-start
scs
__scs_entry_jumppad:
0x0: {  	(pc) =	sbr.rel $0x88, $3  }
0x1: {  	(tag) =	ssettag $0x0;
	lr =	simm.s32 $0x1  }
0x2: {  	[smem:$0x3F99] =	sst lr;
	_ =	strace $0xD0000000  }
0x3: {  	_ = 	snop  }
0x4: {  	_ = 	snop  }
0x5: {  	_ = 	snop  }
0x6: {  	_ = 	snop  }
0x7: {  	_ = 	snop  }
__scs_overlays_trampoline_lowered:
0x8: {  	[smem:$0x3FA8] =	sst s0  }
0x9: {  	[smem:$0x3FA9] =	sst s1  }
0xa: {  	[smem:$0x3FAA] =	sst s2  }
0xb: {  	[smem:$0x3FAB] =	sst s3  }
0xc: {  	[smem:$0x3FAC] =	sst s4  }
0xd: {  	[smem:$0x3FAD] =	sst s5  }
0xe: {  	[smem:$0x3FAE] =	sst s6  }
0xf: {  	[smem:$0x3FAF] =	sst s7  }
0x10: {  	[smem:$0x3FB0] =	sst s8  }
0x11: {  	[smem:$0x3FB1] =	sst s9;
	s0 =	simm.s32 @!p0 $0x0  }
0x12: {  	s1 =	sld [smem:$0x3F97];
	s0 =	simm.s32 @p0 $0x1  }
0x13: {  	[smem:$0x3FB2] =	sst s0;
	s0 =	simm.s32 @!p1 $0x0  }
0x14: {  	s2 =	sld [smem:$0x3F96];
	s0 =	simm.s32 @p1 $0x1  }
0x15: {  	[smem:$0x3FB3] =	sst s0;
	s0 =	simm.s32 @!p2 $0x0  }
0x16: {  	s3 =	sld [smem:$0x3FDB];
	s0 =	simm.s32 @p2 $0x1  }
0x17: {  	s4 =	simm.s32 $0x1BF5;
	[smem:$0x3FB5] =	sst s0  }
0x18: {  	s0 =	sld [smem:$0x3F98];
	_ =	swait.ge [sflag:s4], $0x0  }
0x19: {  	s7 =	sld [smem:$0x3F99]  }
0x1a: {  	s8 =	sadd.s32 $0xFFFFE003, lr  }
0x1b: {  	s9 =	sadd.s32 $0xFFFFFEF7, lr;
	s5 =	simm.s32 $0xFFFFFFFF;
	p2 =	slt.u32 s8, $0xFFFFF086  }
0x1c: {  	p1 =	slt.u32 s9, $0xF7A;
	s5 =	simm.s32 @!p2 $0x0  }
0x1d: {  	s5 =	simm.s32 @p1 $0x1;
	p0 =	seq.s32 s7, s2  }
0x1e: {  	s7 =	smul.u32 @!p0 $0xF7A, s2;
	p2 =	seq.s32 @!p0 s5, $0x0  }
0x1f: {  	s9 =	smul.u32 $0xF7A, s1;
	s8 =	simm.s32 @!p0 $0x1BF5;
	p2 =	por !p2, p0  }
0x20: {  	[sflag:s8] =	ssyncset.s32 @!p0 $0xFFFFF086;
	s6 =	sadd.s32 @!p0 s3, s7;
	s7 =	simm.s32 @!p0 $0x108  }
0x21: {  	s3 =	sadd.s32 s3, s9;
	s6 =	sadd.s32 @!p0 $0x88, s6;
	s7 =	simm.s32 @p2 $0x1082  }
0x22: {  	[simem:s7], [sflag:s8] =	dma.local @!p0 [hbm:s6], $0xF7A  }
0x23: {  	s9 =	sor.u32 $0xD0000000, s2;
	s6 =	simm.s32 $0x108;
	_ =	swait.ge @!p0 [sflag:s8], $0x0  }
0x24: {  	s3 =	sadd.s32 $0x88, s3;
	s6 =	simm.s32 @!p1 $0x1082;
	[sflag:s4] =	ssyncset.s32 $0xFFFFF086  }
0x25: {  	[simem:s6], [sflag:s4] =	dma.local [hbm:s3], $0xF7A  }
0x26: {  	[smem:$0x3F99] =	sst s1;
	(tag) =	ssettag s2;
	_ =	strace s9  }
0x27: {  	s1 =	sld [smem:$0x3FA9]  }
0x28: {  	s2 =	sld [smem:$0x3FAA]  }
0x29: {  	s4 =	sld [smem:$0x3FAC]  }
0x2a: {  	p0 =	seq.s32 s5, $0x0;
	s5 =	sld [smem:$0x3FAD]  }
0x2b: {  	s6 =	sld [smem:$0x3FAE]  }
0x2c: {  	s7 =	sld [smem:$0x3FAF]  }
0x2d: {  	s3 =	simm.s32 $0x108;
	s8 =	sld [smem:$0x3FB0]  }
0x2e: {  	s3 =	simm.s32 @!p0 $0x1082;
	s9 =	sld [smem:$0x3FB1]  }
0x2f: {  	lr =	sadd.s32 s0, s3;
	s0 =	sld [smem:$0x3FA8]  }
0x30: {  	s3 =	sld [smem:$0x3FAB]  }
0x31: {  	[smem:$0x3FB4] =	sst s10  }
0x32: {  	s10 =	sld [smem:$0x3FB2];
	_ =	sdelay $0x3  }
0x33: {  	p0 =	seq.s32 s10, $0x1;
	s10 =	sld [smem:$0x3FB4];
	_ =	sdelay $0x3  }
0x34: {  	[smem:$0x3FB4] =	sst s10  }
0x35: {  	s10 =	sld [smem:$0x3FB3];
	_ =	sdelay $0x3  }
0x36: {  	p1 =	seq.s32 s10, $0x1;
	s10 =	sld [smem:$0x3FB4];
	_ =	sdelay $0x3  }
0x37: {  	[smem:$0x3FB4] =	sst s10  }
0x38: {  	s10 =	sld [smem:$0x3FB5]  }
0x39: {  	_ = 	snop;
	(pc) =	sbr.ind lr, $3  }
0x3a: {  	_ = 	snop  }
0x3b: {  	_ = 	snop  }
0x3c: {  	p2 =	seq.s32 s10, $0x1;
	s10 =	sld [smem:$0x3FB4]  }
0x3d: {  	_ =	shalt  }
0x3e: {  	_ =	shalt  }
0x3f: {  	_ =	shalt  }
0x40: {  	_ =	shalt  }
0x41: {  	_ =	shalt  }
0x42: {  	_ =	shalt  }
0x43: {  	_ =	shalt  }
0x44: {  	_ =	shalt  }
0x45: {  	_ =	shalt  }
0x46: {  	_ =	shalt  }
0x47: {  	_ =	shalt  }
0x48: {  	_ =	shalt  }
0x49: {  	_ =	shalt  }
0x4a: {  	_ =	shalt  }
0x4b: {  	_ =	shalt  }
0x4c: {  	_ =	shalt  }
0x4d: {  	_ =	shalt  }
0x4e: {  	_ =	shalt  }
0x4f: {  	_ =	shalt  }
0x50: {  	_ =	shalt  }
0x51: {  	_ =	shalt  }
0x52: {  	_ =	shalt  }
0x53: {  	_ =	shalt  }
0x54: {  	_ =	shalt  }
0x55: {  	_ =	shalt  }
0x56: {  	_ =	shalt  }
0x57: {  	_ =	shalt  }
0x58: {  	_ =	shalt  }
0x59: {  	_ =	shalt  }
0x5a: {  	_ =	shalt  }
0x5b: {  	_ =	shalt  }
0x5c: {  	_ =	shalt  }
0x5d: {  	_ =	shalt  }
0x5e: {  	_ =	shalt  }
0x5f: {  	_ =	shalt  }
0x60: {  	_ =	shalt  }
0x61: {  	_ =	shalt  }
0x62: {  	_ =	shalt  }
0x63: {  	_ =	shalt  }
0x64: {  	_ =	shalt  }
0x65: {  	_ =	shalt  }
0x66: {  	_ =	shalt  }
0x67: {  	_ =	shalt  }
0x68: {  	_ =	shalt  }
0x69: {  	_ =	shalt  }
0x6a: {  	_ =	shalt  }
0x6b: {  	_ =	shalt  }
0x6c: {  	_ =	shalt  }
0x6d: {  	_ =	shalt  }
0x6e: {  	_ =	shalt  }
0x6f: {  	_ =	shalt  }
0x70: {  	_ =	shalt  }
0x71: {  	_ =	shalt  }
0x72: {  	_ =	shalt  }
0x73: {  	_ =	shalt  }
0x74: {  	_ =	shalt  }
0x75: {  	_ =	shalt  }
0x76: {  	_ =	shalt  }
0x77: {  	_ =	shalt  }
0x78: {  	_ =	shalt  }
0x79: {  	_ =	shalt  }
0x7a: {  	_ =	shalt  }
0x7b: {  	_ =	shalt  }
0x7c: {  	_ =	shalt  }
0x7d: {  	_ =	shalt  }
0x7e: {  	_ =	shalt  }
0x7f: {  	_ =	shalt  }
0x80: {  	_ =	shalt  }
0x81: {  	_ =	shalt  }
0x82: {  	_ =	shalt  }
0x83: {  	_ =	shalt  }
0x84: {  	_ =	shalt  }
0x85: {  	_ =	shalt  }
0x86: {  	_ =	shalt  }
0x87: {  	_ =	shalt  }
.Lfunc_end0:
.L_simem_size_0:
called_computation.2_lowered:
.L_overlay_start_0:
0x88: {  	s2 =	sld [smem:$0x3FD9]  }
0x89: {  	s3 =	sld [smem:$0x3FFE];
	_ =	sdelay $0x1  }
0x8a: {  	s1 =	srdreg.scid  }
0x8b: {  	s0 =	sand.u32 $0x1, s1  }
0x8c: {  	s16 =	sshll.u32 s0, $0xA;
	s2 =	sadd.s32 s3, s2  }
0x8d: {  	s2 =	sadd.s32 s2, s16  }
0x8e: {  	[smem:$0x3FC0] =	sst s2  }
0x8f: {  	_ = 	snop  }
0x90: {  	(tm) =	ssettm $0x1  }
0x91: {  	s17 =	sld [smem:$0x3FFB];
	_ =	sdelay $0x3  }
0x92: {  	_ =	strace s17  }
0x93: {  	s2 =	sld [smem:$0x3FFC];
	_ =	sdelay $0x3  }
0x94: {  	_ =	strace s2  }
0x95: {  	s2 =	sld [smem:$0x3FFD];
	_ =	sdelay $0x3  }
0x96: {  	_ =	strace s2  }
0x97: {  	_ =	strace $0x8FFFFFFF  }
0x98: {  	s18 =	sld [smem:$0x3FDB];
	_ =	sdelay $0x1  }
0x99: {  	s19 =	simm.s32 $_scs_section_size  }
0x9a: {  	s4 =	simm.s32 $_size__tile_overlayer_lowered;
	s5 =	simm.s32 $_tile_overlayer_lowered  }
0x9b: {  	s22 =	simm.s32 $0x1BFF;
	s21 =	sshll.u32 s5, $0x1;
	s2 =	sadd.s32 s19, s18  }
0x9c: {  	s6 =	simm.s32 $0x0;
	s20 =	sshll.u32 s4, $0x1;
	s4 =	sadd.s32 s21, s2  }
0x9d: {  	[timem:s6], [sflag:s22] =	dma.local [hbm:s4], s20  }
0x9e: {  	_ =	swait.ge [sflag:s22], s20  }
0x9f: {  	s3 =	ssub.s32 $0x0, s20;
	[sflag:s22] =	ssyncset.done $0x0  }
0xa0: {  	[sflag:s22] =	ssyncadd.s32 s3;
	_ =	sdelay $0x1  }
0xa1: {  	s23 =	simm.s32 $0x1B8B  }
0xa2: {  	_ =	swait.ge [sflag:s23], $0x1  }
0xa3: {  	[sflag:s23] =	ssyncset.done $0x0  }
0xa4: {  	s25 =	simm.s32 $0x1B8E;
	s24 =	sld [smem:$0x3FFE];
	[sflag:s23] =	ssyncadd.s32 $0xFFFFFFFF  }
0xa5: {  	s26 =	simm.s32 $execute0_lowered;
	[smem:$0x3FD2] =	sst s25  }
0xa6: {  	s4 =	sshll.u32 s26, $0x1;
	_ =	strace $0x8000004C;
	[dreg:$0x1] =	wrdreg $0xFFFFFFFF  }
0xa7: {  	s28 =	simm.s32 $_size_execute0_lowered;
	s2 =	sadd.s32 s2, s4;
	[dreg:$0x0] =	wrdreg $0x0  }
0xa8: {  	s4 =	sshll.u32 s28, $0x1;
	[dreg:$0x2] =	wrdreg s2  }
0xa9: {  	[dreg:$0x3] =	wrdreg s4  }
0xaa: {  	[dreg:$0x4] =	wrdreg $0xC0  }
0xab: {  	_ =	task [dreg:s6], $0x5FFFF  }
0xac: {  	[dreg:$0x1] =	wrdreg $0xFFFFFFFF  }
0xad: {  	[dreg:$0x0] =	wrdreg $0x60  }
0xae: {  	[dreg:$0x2] =	wrdreg s24  }
0xaf: {  	[dreg:$0x3] =	wrdreg $0x20000  }
0xb0: {  	[dreg:$0x4] =	wrdreg $0x9  }
0xb1: {  	_ =	task.clear_ibuf [dreg:s6], $0x5FFFF;
	_ =	strace $0x9000004C  }
0xb2: {  	s29 =	simm.s32 $0x9;
	_ =	strace $0x8000004E  }
0xb3: {  	_ =	swait.ge [sflag:s29], $0x1  }
0xb4: {  	[sflag:s29] =	ssyncadd.s32 $0xFFFFFFFF  }
0xb5: {  	_ =	strace $0x9000004E  }
0xb6: {  	_ =	sfence  }
0xb7: {  	s30 =	sld [smem:$0x0];
	_ =	sdelay $0x2  }
0xb8: {  	s31 =	sshll.u32 s1, $0xD;
	s1 =	sshrl.u32 s1, $0x2  }
0xb9: {  	s3 =	sand.u32 $0x4000, s31;
	s1 =	sadd.s32 s1, s30  }
0xba: {  	s0 =	sor.u32 s3, s0;
	s1 =	sshll.u32 s1, $0x11  }
0xbb: {  	s0 =	sor.u32 s1, s0  }
0xbc: {  	s0 =	sadd.s32 $0x8F2B, s0  }
0xbd: {  	[sflag:s0] =	ssyncadd.remote.s32 $0x1  }
0xbe: {  	_ =	sfence.sel $0xFFFF  }
0xbf: {  	[dreg:$0x0] =	wrdreg $0xFFFFFFFF;
	(pc) =	sbr.abs _section_cstart, $3  }
0xc0: {  	[dreg:$0x1] =	wrdreg $0xFFFFFFFF  }
0xc1: {  	_ =	task.clear_ibuf [dreg:s6], $0x2FFFF;
	_ =	strace $0x9FFFFFFF  }
0xc2: {  	(tm) =	ssettm $0x7FFFFFFF  }
0xc3: {  	_ =	shalt  }
tec
execute0_lowered:
.L_overlay_start_1:
0x0: {  	(tag) =	ssettag $0x1  }
0x1: {  	s0 =	rddreg [dreg:$0x0]  }
0x2: {  	s2 =	rddreg [dreg:$0x1]  }
0x3: {  	s1 =	srdreg.scid;
	s9 =	stileid.u32;
	s3 =	simm.s32 $0x0  }
0x4: {  	s11 =	simm.s32 $0x880;
	s13 =	simm.s32 $0x180;
	s15 =	simm.s32 $0x900  }
0x5: {  	s16 =	simm.s32 $0x200;
	s18 =	simm.s32 $0x980;
	s19 =	simm.s32 $0x280  }
0x6: {  	s20 =	simm.s32 $0xA00;
	s21 =	simm.s32 $0x300;
	s22 =	simm.s32 $0xA80  }
0x7: {  	s23 =	simm.s32 $0x380;
	[smem:$0x7FF] =	sst s3;
	s5 =	sshll.u32 s9, $0x6  }
0x8: {  	s24 =	simm.s32 $0xB00;
	s28 =	simm.s32 $0xC80;
	[dreg:$0x11] =	wrdreg s5  }
0x9: {  	s29 =	simm.s32 $0x580;
	_ =	strace $0x8000004D;
	[dreg:$0x4] =	wrdreg s11  }
0xa: {  	s30 =	simm.s32 $0xD00;
	s4 =	smul.u32 $0x60, s9;
	[dreg:$0x5] =	wrdreg s13  }
0xb: {  	s31 =	simm.s32 $0x600;
	s8 =	smul.u32 $0x2800, s9;
	[dreg:$0x6] =	wrdreg s15  }
0xc: {  	s1 =	sand.u32 $0x1, s1;
	s25 =	smul.u32 $0xA000, s9;
	[dreg:$0x7] =	wrdreg s16  }
0xd: {  	s9 =	simm.s32 $0x6;
	s6 =	smul.u32 $0x28000, s1;
	[dreg:$0x8] =	wrdreg s18  }
0xe: {  	p0 =	seq.s32 s1, $0x0;
	s7 =	sadd.s32 $0x600, s5;
	[dreg:$0x9] =	wrdreg s19  }
0xf: {  	s5 =	sadd.s32 $0xC600, s0;
	s1 =	ssub.s32 $0x2, s1;
	[dreg:$0xa] =	wrdreg s20  }
0x10: {  	s7 =	smov.u32 @p0 s4;
	s26 =	sshrl.u32 s1, $0x1;
	[dreg:$0xb] =	wrdreg s21  }
0x11: {  	s9 =	simm.s32 @!p0 $0x4;
	s16 =	simm.s32 $0x1000;
	[dreg:$0xc] =	wrdreg s22  }
0x12: {  	s18 =	simm.s32 $0x800;
	s19 =	simm.s32 $0x80;
	[dreg:$0xd] =	wrdreg s23  }
0x13: {  	s20 =	simm.s32 $0x1800;
	s21 =	simm.s32 $0x1;
	[dreg:$0xe] =	wrdreg s24  }
0x14: {  	s22 =	simm.s32 $0x2;
	s23 =	simm.s32 $0x480;
	s24 =	simm.s32 $0xC00  }
0x15: {  	s11 =	simm.s32 $0xF00;
	s4 =	sshll.u32 s7, $0x4;
	s6 =	sadd.s32 s8, s6  }
0x16: {  	s1 =	ssub.s32 s1, s26;
	[dreg:$0x12] =	wrdreg s9;
	s9 =	simm.s32 $0x100  }
0x17: {  	s7 =	sshrl.u32 s25, $0x2;
	s25 =	simm.s32 $0x400;
	[dreg:$0x3] =	wrdreg s9  }
0x18: {  	s26 =	simm.s32 $0xB80;
	s6 =	sshrl.u32 s6, $0x3;
	[dreg:$0xf] =	wrdreg s25  }
0x19: {  	s4 =	sadd.s32 s4, s0;
	s1 =	smax.u32 s1, $0x1;
	[dreg:$0x10] =	wrdreg s26  }
0x1a: {  	s0 =	sadd.s32 s6, s0;
	s6 =	sadd.s32 s7, s2;
	[dreg:$0x15] =	wrdreg s1  }
0x1b: {  	s13 =	simm.s32 $0x0;
	s17 =	sadd.s32 $0x2600, s4;
	[dreg:$0x13] =	wrdreg s6  }
0x1c: {  	s8 =	sadd.s32 s8, s2;
	s0 =	sadd.s32 $0x70600, s0;
	[dreg:$0x1a] =	wrdreg s17  }
0x1d: {  	s26 =	simm.s32 $0x500;
	s10 =	sadd.s32 $0x800, s6;
	[dreg:$0x14] =	wrdreg s0  }
0x1e: {  	s9 =	simm.s32 $0xE80;
	s12 =	sadd.s32 $0x1000, s6;
	[dreg:$0x16] =	wrdreg s10  }
0x1f: {  	s1 =	simm.s32 $0x680;
	s14 =	sadd.s32 $0x1800, s6;
	[dreg:$0x17] =	wrdreg s12  }
0x20: {  	s6 =	sadd.s32 $0x2000, s6;
	s17 =	simm.s32 $0x3;
	[dreg:$0x18] =	wrdreg s14  }
0x21: {  	[dreg:$0x19] =	wrdreg s6;
	s6 =	sadd.s32 $0x16600, s4;
	s0 =	sshrl.u32 s8, $0x3  }
0x22: {  	s4 =	simm.s32 $0xE00;
	s8 =	simm.s32 $0x700;
	s10 =	simm.s32 $0x780  }
0x23: {  	v0 =	vimm.f32 $0.0e+00;
	s12 =	simm.s32 $0xF80;
	[dreg:$0x1b] =	wrdreg s0;
	s0 =	simm.s32 $0xD80  }
.LBB2_1:
0x24: {  	s14 =	simm.s32 $0x40;
	s15 =	simm.s32 $0x0  }
.LBB2_2:
0x25: {  	p0 =	sne.s32 s14, $0x1FC0;
	[tilespmem:s15+$0x1000] =	vst v0;
	s15 =	smov.u32 s14;
	s14 =	sadd.s32 $0x40, s14  }
.Ltmp0:
0x26: {  	(pc) =	sbr.rel @p0 .LBB2_2-.Ltmp0, $2  }
0x27: {  	_ =	sdelay $0x2  }
0x28: {  	s15 =	sshra.s32 s15, $0x2  }
0x29: {  	[tilespmem:s15+$0x1000] =	vst v0;
	s7 =	rddreg [dreg:$0x13]  }
0x2a: {  	[spmem:s7] =	stream.linear.scatter [tilespmem:s16], [sflag:$0x3], $0x800, $0x38;
	[tilespmem:$0x4800] =	vst v63  }
0x2b: {  	_ =	swait.ge [sflag:s17], $0x800  }
0x2c: {  	[sflag:s17] =	ssyncset.done $0x0  }
0x2d: {  	s25 =	rddreg [dreg:$0x16];
	[sflag:s17] =	ssyncadd.s32 $0xFFFFF800  }
0x2e: {  	[spmem:s25] =	stream.linear.scatter [tilespmem:s16], [sflag:$0x3], $0x800, $0x38;
	[tilespmem:$0x4800] =	vst v63  }
0x2f: {  	_ =	swait.ge [sflag:s17], $0x800  }
0x30: {  	[sflag:s17] =	ssyncset.done $0x0  }
0x31: {  	s14 =	rddreg [dreg:$0x17];
	[sflag:s17] =	ssyncadd.s32 $0xFFFFF800  }
0x32: {  	[spmem:s14] =	stream.linear.scatter [tilespmem:s16], [sflag:$0x3], $0x800, $0x38;
	[tilespmem:$0x4800] =	vst v63  }
0x33: {  	_ =	swait.ge [sflag:s17], $0x800  }
0x34: {  	[sflag:s17] =	ssyncset.done $0x0  }
0x35: {  	s15 =	rddreg [dreg:$0x18];
	[sflag:s17] =	ssyncadd.s32 $0xFFFFF800  }
0x36: {  	[spmem:s15] =	stream.linear.scatter [tilespmem:s16], [sflag:$0x3], $0x800, $0x38;
	[tilespmem:$0x4800] =	vst v63  }
0x37: {  	_ =	swait.ge [sflag:s17], $0x800  }
0x38: {  	[sflag:s17] =	ssyncset.done $0x0  }
0x39: {  	s25 =	rddreg [dreg:$0x19];
	[sflag:s17] =	ssyncadd.s32 $0xFFFFF800  }
0x3a: {  	[spmem:s25] =	stream.linear.scatter [tilespmem:s16], [sflag:$0x3], $0x800, $0x38;
	[tilespmem:$0x4800] =	vst v63  }
0x3b: {  	_ =	swait.ge [sflag:s17], $0x800  }
0x3c: {  	[sflag:s17] =	ssyncset.done $0x0  }
0x3d: {  	[sflag:s17] =	ssyncadd.s32 $0xFFFFF800  }
0x3e: {  	[bflag:$0x0] =	sbarrier.arrive $0xFFFF  }
0x3f: {  	[tilespmem:s3], [sflag:$0x3] =	stream.linear.gather [hbm4b:s6+s3], $0x800, $0x38;
	[tilespmem:$0x4800] =	vst v63  }
0x40: {  	_ =	swait.ge [sflag:s17], $0x800  }
0x41: {  	[sflag:s17] =	ssyncset.done $0x0  }
0x42: {  	s15 =	rddreg [dreg:$0x1a];
	[sflag:s17] =	ssyncadd.s32 $0xFFFFF800  }
0x43: {  	[tilespmem:s18], [sflag:$0x3] =	stream.linear.gather [hbm4b:s15+s3], $0x800, $0x38;
	[tilespmem:$0x4800] =	vst v63  }
0x44: {  	_ =	swait.ge [sflag:s17], $0x800  }
0x45: {  	[sflag:s17] =	ssyncset.done $0x0  }
0x46: {  	[sflag:s17] =	ssyncadd.s32 $0xFFFFF800  }
0x47: {  	[tilespmem:s16], [sflag:$0x1] =	stream.indirect.gather [hbm4b:s5+s19], $0x10, s3, s19, $0xb8;
	[tilespmem:$0x4800] =	vst v63  }
0x48: {  	_ = 	snop  }
0x49: {  	[tilespmem:s20], [sflag:$0x2] =	stream.indirect.gather [hbm4b:s5+s19], $0x10, s19, s19, $0xb8;
	[tilespmem:$0x4800] =	vst v63  }
0x4a: {  	_ =	swait.ge [sflag:s21], $0x800  }
0x4b: {  	[sflag:s21] =	ssyncset.done $0x0  }
0x4c: {  	[sflag:s21] =	ssyncadd.s32 $0xFFFFF800  }
0x4d: {  	[spmem:s2] =	stream.indirect.scatter.add.f32 [tilespmem:s16], [sflag:$0x3], $0x10, s18, s19, $0xb8;
	[tilespmem:$0x4800] =	vst v63  }
0x4e: {  	_ =	swait.ge [sflag:s17], $0x800  }
0x4f: {  	[sflag:s17] =	ssyncset.done $0x0  }
0x50: {  	s14 =	rddreg [dreg:$0x3];
	[sflag:s17] =	ssyncadd.s32 $0xFFFFF800  }
0x51: {  	[tilespmem:s16], [sflag:$0x1] =	stream.indirect.gather [hbm4b:s5+s19], $0x10, s14, s19, $0xb8;
	[tilespmem:$0x4800] =	vst v63  }
0x52: {  	_ =	swait.ge [sflag:s22], $0x800  }
0x53: {  	[sflag:s22] =	ssyncset.done $0x0  }
0x54: {  	s7 =	rddreg [dreg:$0x4];
	[sflag:s22] =	ssyncadd.s32 $0xFFFFF800  }
0x55: {  	[spmem:s2] =	stream.indirect.scatter.add.f32 [tilespmem:s20], [sflag:$0x3], $0x10, s7, s19, $0xb8;
	[tilespmem:$0x4800] =	vst v63  }
0x56: {  	_ =	swait.ge [sflag:s17], $0x800  }
0x57: {  	[sflag:s17] =	ssyncset.done $0x0  }
0x58: {  	s25 =	rddreg [dreg:$0x5];
	[sflag:s17] =	ssyncadd.s32 $0xFFFFF800  }
0x59: {  	[tilespmem:s20], [sflag:$0x2] =	stream.indirect.gather [hbm4b:s5+s19], $0x10, s25, s19, $0xb8;
	[tilespmem:$0x4800] =	vst v63  }
0x5a: {  	_ =	swait.ge [sflag:s21], $0x800  }
0x5b: {  	[sflag:s21] =	ssyncset.done $0x0  }
0x5c: {  	s7 =	rddreg [dreg:$0x6];
	[sflag:s21] =	ssyncadd.s32 $0xFFFFF800  }
0x5d: {  	[spmem:s2] =	stream.indirect.scatter.add.f32 [tilespmem:s16], [sflag:$0x3], $0x10, s7, s19, $0xb8;
	[tilespmem:$0x4800] =	vst v63  }
0x5e: {  	_ =	swait.ge [sflag:s17], $0x800  }
0x5f: {  	[sflag:s17] =	ssyncset.done $0x0  }
0x60: {  	s25 =	rddreg [dreg:$0x7];
	[sflag:s17] =	ssyncadd.s32 $0xFFFFF800  }
0x61: {  	[tilespmem:s16], [sflag:$0x1] =	stream.indirect.gather [hbm4b:s5+s19], $0x10, s25, s19, $0xb8;
	[tilespmem:$0x4800] =	vst v63  }
0x62: {  	_ =	swait.ge [sflag:s22], $0x800  }
0x63: {  	[sflag:s22] =	ssyncset.done $0x0  }
0x64: {  	s7 =	rddreg [dreg:$0x8];
	[sflag:s22] =	ssyncadd.s32 $0xFFFFF800  }
0x65: {  	[spmem:s2] =	stream.indirect.scatter.add.f32 [tilespmem:s20], [sflag:$0x3], $0x10, s7, s19, $0xb8;
	[tilespmem:$0x4800] =	vst v63  }
0x66: {  	_ =	swait.ge [sflag:s17], $0x800  }
0x67: {  	[sflag:s17] =	ssyncset.done $0x0  }
0x68: {  	s25 =	rddreg [dreg:$0x9];
	[sflag:s17] =	ssyncadd.s32 $0xFFFFF800  }
0x69: {  	[tilespmem:s20], [sflag:$0x2] =	stream.indirect.gather [hbm4b:s5+s19], $0x10, s25, s19, $0xb8;
	[tilespmem:$0x4800] =	vst v63  }
0x6a: {  	_ =	swait.ge [sflag:s21], $0x800  }
0x6b: {  	[sflag:s21] =	ssyncset.done $0x0  }
0x6c: {  	s7 =	rddreg [dreg:$0xa];
	[sflag:s21] =	ssyncadd.s32 $0xFFFFF800  }
0x6d: {  	[spmem:s2] =	stream.indirect.scatter.add.f32 [tilespmem:s16], [sflag:$0x3], $0x10, s7, s19, $0xb8;
	[tilespmem:$0x4800] =	vst v63  }
0x6e: {  	_ =	swait.ge [sflag:s17], $0x800  }
0x6f: {  	[sflag:s17] =	ssyncset.done $0x0  }
0x70: {  	s25 =	rddreg [dreg:$0xb];
	[sflag:s17] =	ssyncadd.s32 $0xFFFFF800  }
0x71: {  	[tilespmem:s16], [sflag:$0x1] =	stream.indirect.gather [hbm4b:s5+s19], $0x10, s25, s19, $0xb8;
	[tilespmem:$0x4800] =	vst v63  }
0x72: {  	_ =	swait.ge [sflag:s22], $0x800  }
0x73: {  	[sflag:s22] =	ssyncset.done $0x0  }
0x74: {  	s7 =	rddreg [dreg:$0xc];
	[sflag:s22] =	ssyncadd.s32 $0xFFFFF800  }
0x75: {  	[spmem:s2] =	stream.indirect.scatter.add.f32 [tilespmem:s20], [sflag:$0x3], $0x10, s7, s19, $0xb8;
	[tilespmem:$0x4800] =	vst v63  }
0x76: {  	_ =	swait.ge [sflag:s17], $0x800  }
0x77: {  	[sflag:s17] =	ssyncset.done $0x0  }
0x78: {  	s25 =	rddreg [dreg:$0xd];
	[sflag:s17] =	ssyncadd.s32 $0xFFFFF800  }
0x79: {  	[tilespmem:s20], [sflag:$0x2] =	stream.indirect.gather [hbm4b:s5+s19], $0x10, s25, s19, $0xb8;
	[tilespmem:$0x4800] =	vst v63  }
0x7a: {  	_ =	swait.ge [sflag:s21], $0x800  }
0x7b: {  	[sflag:s21] =	ssyncset.done $0x0  }
0x7c: {  	s7 =	rddreg [dreg:$0xe];
	[sflag:s21] =	ssyncadd.s32 $0xFFFFF800  }
0x7d: {  	[spmem:s2] =	stream.indirect.scatter.add.f32 [tilespmem:s16], [sflag:$0x3], $0x10, s7, s19, $0xb8;
	[tilespmem:$0x4800] =	vst v63  }
0x7e: {  	_ =	swait.ge [sflag:s17], $0x800  }
0x7f: {  	[sflag:s17] =	ssyncset.done $0x0  }
0x80: {  	s25 =	rddreg [dreg:$0xf];
	[sflag:s17] =	ssyncadd.s32 $0xFFFFF800  }
0x81: {  	[tilespmem:s16], [sflag:$0x1] =	stream.indirect.gather [hbm4b:s5+s19], $0x10, s25, s19, $0xb8;
	[tilespmem:$0x4800] =	vst v63  }
0x82: {  	_ =	swait.ge [sflag:s22], $0x800  }
0x83: {  	[sflag:s22] =	ssyncset.done $0x0  }
0x84: {  	s7 =	rddreg [dreg:$0x10];
	[sflag:s22] =	ssyncadd.s32 $0xFFFFF800  }
0x85: {  	[spmem:s2] =	stream.indirect.scatter.add.f32 [tilespmem:s20], [sflag:$0x3], $0x10, s7, s19, $0xb8;
	[tilespmem:$0x4800] =	vst v63  }
0x86: {  	_ =	swait.ge [sflag:s17], $0x800  }
0x87: {  	[sflag:s17] =	ssyncset.done $0x0  }
0x88: {  	[sflag:s17] =	ssyncadd.s32 $0xFFFFF800  }
0x89: {  	[tilespmem:s20], [sflag:$0x2] =	stream.indirect.gather [hbm4b:s5+s19], $0x10, s23, s19, $0xb8;
	[tilespmem:$0x4800] =	vst v63  }
0x8a: {  	_ =	swait.ge [sflag:s21], $0x800  }
0x8b: {  	[sflag:s21] =	ssyncset.done $0x0  }
0x8c: {  	[sflag:s21] =	ssyncadd.s32 $0xFFFFF800  }
0x8d: {  	[spmem:s2] =	stream.indirect.scatter.add.f32 [tilespmem:s16], [sflag:$0x3], $0x10, s24, s19, $0xb8;
	[tilespmem:$0x4800] =	vst v63  }
0x8e: {  	_ =	swait.ge [sflag:s17], $0x800  }
0x8f: {  	[sflag:s17] =	ssyncset.done $0x0  }
0x90: {  	[sflag:s17] =	ssyncadd.s32 $0xFFFFF800  }
0x91: {  	[tilespmem:s16], [sflag:$0x1] =	stream.indirect.gather [hbm4b:s5+s19], $0x10, s26, s19, $0xb8;
	[tilespmem:$0x4800] =	vst v63  }
0x92: {  	_ =	swait.ge [sflag:s22], $0x800  }
0x93: {  	[sflag:s22] =	ssyncset.done $0x0  }
0x94: {  	[sflag:s22] =	ssyncadd.s32 $0xFFFFF800  }
0x95: {  	[spmem:s2] =	stream.indirect.scatter.add.f32 [tilespmem:s20], [sflag:$0x3], $0x10, s28, s19, $0xb8;
	[tilespmem:$0x4800] =	vst v63  }
0x96: {  	_ =	swait.ge [sflag:s17], $0x800  }
0x97: {  	[sflag:s17] =	ssyncset.done $0x0  }
0x98: {  	[sflag:s17] =	ssyncadd.s32 $0xFFFFF800  }
0x99: {  	[tilespmem:s20], [sflag:$0x2] =	stream.indirect.gather [hbm4b:s5+s19], $0x10, s29, s19, $0xb8;
	[tilespmem:$0x4800] =	vst v63  }
0x9a: {  	_ =	swait.ge [sflag:s21], $0x800  }
0x9b: {  	[sflag:s21] =	ssyncset.done $0x0  }
0x9c: {  	[sflag:s21] =	ssyncadd.s32 $0xFFFFF800  }
0x9d: {  	[spmem:s2] =	stream.indirect.scatter.add.f32 [tilespmem:s16], [sflag:$0x3], $0x10, s30, s19, $0xb8;
	[tilespmem:$0x4800] =	vst v63  }
0x9e: {  	_ =	swait.ge [sflag:s17], $0x800  }
0x9f: {  	[sflag:s17] =	ssyncset.done $0x0  }
0xa0: {  	[sflag:s17] =	ssyncadd.s32 $0xFFFFF800  }
0xa1: {  	[tilespmem:s16], [sflag:$0x1] =	stream.indirect.gather [hbm4b:s5+s19], $0x10, s31, s19, $0xb8;
	[tilespmem:$0x4800] =	vst v63  }
0xa2: {  	_ =	swait.ge [sflag:s22], $0x800  }
0xa3: {  	[sflag:s22] =	ssyncset.done $0x0  }
0xa4: {  	[sflag:s22] =	ssyncadd.s32 $0xFFFFF800  }
0xa5: {  	[spmem:s2] =	stream.indirect.scatter.add.f32 [tilespmem:s20], [sflag:$0x3], $0x10, s0, s19, $0xb8;
	[tilespmem:$0x4800] =	vst v63  }
0xa6: {  	_ =	swait.ge [sflag:s17], $0x800  }
0xa7: {  	[sflag:s17] =	ssyncset.done $0x0  }
0xa8: {  	[sflag:s17] =	ssyncadd.s32 $0xFFFFF800  }
0xa9: {  	[tilespmem:s20], [sflag:$0x2] =	stream.indirect.gather [hbm4b:s5+s19], $0x10, s1, s19, $0xb8;
	[tilespmem:$0x4800] =	vst v63  }
0xaa: {  	_ =	swait.ge [sflag:s21], $0x800  }
0xab: {  	[sflag:s21] =	ssyncset.done $0x0  }
0xac: {  	[sflag:s21] =	ssyncadd.s32 $0xFFFFF800  }
0xad: {  	[spmem:s2] =	stream.indirect.scatter.add.f32 [tilespmem:s16], [sflag:$0x3], $0x10, s4, s19, $0xb8;
	[tilespmem:$0x4800] =	vst v63  }
0xae: {  	_ =	swait.ge [sflag:s17], $0x800  }
0xaf: {  	[sflag:s17] =	ssyncset.done $0x0  }
0xb0: {  	[sflag:s17] =	ssyncadd.s32 $0xFFFFF800  }
0xb1: {  	[tilespmem:s16], [sflag:$0x1] =	stream.indirect.gather [hbm4b:s5+s19], $0x10, s8, s19, $0xb8;
	[tilespmem:$0x4800] =	vst v63  }
0xb2: {  	_ =	swait.ge [sflag:s22], $0x800  }
0xb3: {  	[sflag:s22] =	ssyncset.done $0x0  }
0xb4: {  	[sflag:s22] =	ssyncadd.s32 $0xFFFFF800  }
0xb5: {  	[spmem:s2] =	stream.indirect.scatter.add.f32 [tilespmem:s20], [sflag:$0x3], $0x10, s9, s19, $0xb8;
	[tilespmem:$0x4800] =	vst v63  }
0xb6: {  	_ =	swait.ge [sflag:s17], $0x800  }
0xb7: {  	[sflag:s17] =	ssyncset.done $0x0  }
0xb8: {  	[sflag:s17] =	ssyncadd.s32 $0xFFFFF800  }
0xb9: {  	[tilespmem:s20], [sflag:$0x2] =	stream.indirect.gather [hbm4b:s5+s19], $0x10, s10, s19, $0xb8;
	[tilespmem:$0x4800] =	vst v63  }
0xba: {  	_ =	swait.ge [sflag:s21], $0x800  }
0xbb: {  	[sflag:s21] =	ssyncset.done $0x0  }
0xbc: {  	[sflag:s21] =	ssyncadd.s32 $0xFFFFF800  }
0xbd: {  	[spmem:s2] =	stream.indirect.scatter.add.f32 [tilespmem:s16], [sflag:$0x3], $0x10, s11, s19, $0xb8;
	[tilespmem:$0x4800] =	vst v63  }
0xbe: {  	_ =	swait.ge [sflag:s17], $0x800  }
0xbf: {  	[sflag:s17] =	ssyncset.done $0x0  }
0xc0: {  	[sflag:s17] =	ssyncadd.s32 $0xFFFFF800  }
0xc1: {  	_ =	swait.ge [sflag:s22], $0x800  }
0xc2: {  	s25 =	rddreg [dreg:$0x12]  }
0xc3: {  	p0 =	sne.s32 s25, $0x1  }
.Ltmp1:
0xc4: {  	[sflag:s22] =	ssyncset.done $0x0;
	(pc) =	sbr.rel @!p0 .LBB2_5-.Ltmp1, $4  }
0xc5: {  	[sflag:s22] =	ssyncadd.s32 $0xFFFFF800  }
0xc6: {  	[spmem:s2] =	stream.indirect.scatter.add.f32 [tilespmem:s20], [sflag:$0x3], $0x10, s12, s19, $0xb8;
	[tilespmem:$0x4800] =	vst v63  }
0xc7: {  	s14 =	smov.u32 s15;
	_ =	swait.ge [sflag:s17], $0x800  }
0xc8: {  	s15 =	smov.u32 s6;
	s25 =	sadd.s32 $0xFFFFFFFF, s25;
	[sflag:s17] =	ssyncset.done $0x0  }
.LBB2_4:
0xc9: {  	[sflag:s17] =	ssyncadd.s32 $0xFFFFF800;
	s15 =	sadd.s32 $0x100, s15  }
0xca: {  	[tilespmem:s3], [sflag:$0x3] =	stream.linear.gather [hbm4b:s15+s3], $0x800, $0x38;
	[tilespmem:$0x4800] =	vst v63  }
0xcb: {  	_ =	swait.ge [sflag:s17], $0x800  }
0xcc: {  	[sflag:s17] =	ssyncset.done $0x0  }
0xcd: {  	s14 =	sadd.s32 $0x100, s14;
	[sflag:s17] =	ssyncadd.s32 $0xFFFFF800  }
0xce: {  	[tilespmem:s18], [sflag:$0x3] =	stream.linear.gather [hbm4b:s14+s3], $0x800, $0x38;
	[tilespmem:$0x4800] =	vst v63  }
0xcf: {  	_ =	swait.ge [sflag:s17], $0x800  }
0xd0: {  	[sflag:s17] =	ssyncset.done $0x0  }
0xd1: {  	[sflag:s17] =	ssyncadd.s32 $0xFFFFF800  }
0xd2: {  	[tilespmem:s16], [sflag:$0x1] =	stream.indirect.gather [hbm4b:s5+s19], $0x10, s3, s19, $0xb8;
	[tilespmem:$0x4800] =	vst v63  }
0xd3: {  	_ = 	snop  }
0xd4: {  	[tilespmem:s20], [sflag:$0x2] =	stream.indirect.gather [hbm4b:s5+s19], $0x10, s19, s19, $0xb8;
	[tilespmem:$0x4800] =	vst v63  }
0xd5: {  	_ =	swait.ge [sflag:s21], $0x800  }
0xd6: {  	[sflag:s21] =	ssyncset.done $0x0  }
0xd7: {  	[sflag:s21] =	ssyncadd.s32 $0xFFFFF800  }
0xd8: {  	[spmem:s2] =	stream.indirect.scatter.add.f32 [tilespmem:s16], [sflag:$0x3], $0x10, s18, s19, $0xb8;
	[tilespmem:$0x4800] =	vst v63  }
0xd9: {  	_ =	swait.ge [sflag:s17], $0x800  }
0xda: {  	[sflag:s17] =	ssyncset.done $0x0  }
0xdb: {  	s7 =	rddreg [dreg:$0x3];
	[sflag:s17] =	ssyncadd.s32 $0xFFFFF800  }
0xdc: {  	[tilespmem:s16], [sflag:$0x1] =	stream.indirect.gather [hbm4b:s5+s19], $0x10, s7, s19, $0xb8;
	[tilespmem:$0x4800] =	vst v63  }
0xdd: {  	_ =	swait.ge [sflag:s22], $0x800  }
0xde: {  	[sflag:s22] =	ssyncset.done $0x0  }
0xdf: {  	s7 =	rddreg [dreg:$0x4];
	[sflag:s22] =	ssyncadd.s32 $0xFFFFF800  }
0xe0: {  	[spmem:s2] =	stream.indirect.scatter.add.f32 [tilespmem:s20], [sflag:$0x3], $0x10, s7, s19, $0xb8;
	[tilespmem:$0x4800] =	vst v63  }
0xe1: {  	_ =	swait.ge [sflag:s17], $0x800  }
0xe2: {  	[sflag:s17] =	ssyncset.done $0x0  }
0xe3: {  	s7 =	rddreg [dreg:$0x5];
	[sflag:s17] =	ssyncadd.s32 $0xFFFFF800  }
0xe4: {  	[tilespmem:s20], [sflag:$0x2] =	stream.indirect.gather [hbm4b:s5+s19], $0x10, s7, s19, $0xb8;
	[tilespmem:$0x4800] =	vst v63  }
0xe5: {  	_ =	swait.ge [sflag:s21], $0x800  }
0xe6: {  	[sflag:s21] =	ssyncset.done $0x0  }
0xe7: {  	s7 =	rddreg [dreg:$0x6];
	[sflag:s21] =	ssyncadd.s32 $0xFFFFF800  }
0xe8: {  	[spmem:s2] =	stream.indirect.scatter.add.f32 [tilespmem:s16], [sflag:$0x3], $0x10, s7, s19, $0xb8;
	[tilespmem:$0x4800] =	vst v63  }
0xe9: {  	_ =	swait.ge [sflag:s17], $0x800  }
0xea: {  	[sflag:s17] =	ssyncset.done $0x0  }
0xeb: {  	s7 =	rddreg [dreg:$0x7];
	[sflag:s17] =	ssyncadd.s32 $0xFFFFF800  }
0xec: {  	[tilespmem:s16], [sflag:$0x1] =	stream.indirect.gather [hbm4b:s5+s19], $0x10, s7, s19, $0xb8;
	[tilespmem:$0x4800] =	vst v63  }
0xed: {  	_ =	swait.ge [sflag:s22], $0x800  }
0xee: {  	[sflag:s22] =	ssyncset.done $0x0  }
0xef: {  	s7 =	rddreg [dreg:$0x8];
	[sflag:s22] =	ssyncadd.s32 $0xFFFFF800  }
0xf0: {  	[spmem:s2] =	stream.indirect.scatter.add.f32 [tilespmem:s20], [sflag:$0x3], $0x10, s7, s19, $0xb8;
	[tilespmem:$0x4800] =	vst v63  }
0xf1: {  	_ =	swait.ge [sflag:s17], $0x800  }
0xf2: {  	[sflag:s17] =	ssyncset.done $0x0  }
0xf3: {  	s7 =	rddreg [dreg:$0x9];
	[sflag:s17] =	ssyncadd.s32 $0xFFFFF800  }
0xf4: {  	[tilespmem:s20], [sflag:$0x2] =	stream.indirect.gather [hbm4b:s5+s19], $0x10, s7, s19, $0xb8;
	[tilespmem:$0x4800] =	vst v63  }
0xf5: {  	_ =	swait.ge [sflag:s21], $0x800  }
0xf6: {  	[sflag:s21] =	ssyncset.done $0x0  }
0xf7: {  	s7 =	rddreg [dreg:$0xa];
	[sflag:s21] =	ssyncadd.s32 $0xFFFFF800  }
0xf8: {  	[spmem:s2] =	stream.indirect.scatter.add.f32 [tilespmem:s16], [sflag:$0x3], $0x10, s7, s19, $0xb8;
	[tilespmem:$0x4800] =	vst v63  }
0xf9: {  	_ =	swait.ge [sflag:s17], $0x800  }
0xfa: {  	[sflag:s17] =	ssyncset.done $0x0  }
0xfb: {  	s7 =	rddreg [dreg:$0xb];
	[sflag:s17] =	ssyncadd.s32 $0xFFFFF800  }
0xfc: {  	[tilespmem:s16], [sflag:$0x1] =	stream.indirect.gather [hbm4b:s5+s19], $0x10, s7, s19, $0xb8;
	[tilespmem:$0x4800] =	vst v63  }
0xfd: {  	_ =	swait.ge [sflag:s22], $0x800  }
0xfe: {  	[sflag:s22] =	ssyncset.done $0x0  }
0xff: {  	s7 =	rddreg [dreg:$0xc];
	[sflag:s22] =	ssyncadd.s32 $0xFFFFF800  }
0x100: {  	[spmem:s2] =	stream.indirect.scatter.add.f32 [tilespmem:s20], [sflag:$0x3], $0x10, s7, s19, $0xb8;
	[tilespmem:$0x4800] =	vst v63  }
0x101: {  	_ =	swait.ge [sflag:s17], $0x800  }
0x102: {  	[sflag:s17] =	ssyncset.done $0x0  }
0x103: {  	s7 =	rddreg [dreg:$0xd];
	[sflag:s17] =	ssyncadd.s32 $0xFFFFF800  }
0x104: {  	[tilespmem:s20], [sflag:$0x2] =	stream.indirect.gather [hbm4b:s5+s19], $0x10, s7, s19, $0xb8;
	[tilespmem:$0x4800] =	vst v63  }
0x105: {  	_ =	swait.ge [sflag:s21], $0x800  }
0x106: {  	[sflag:s21] =	ssyncset.done $0x0  }
0x107: {  	s7 =	rddreg [dreg:$0xe];
	[sflag:s21] =	ssyncadd.s32 $0xFFFFF800  }
0x108: {  	[spmem:s2] =	stream.indirect.scatter.add.f32 [tilespmem:s16], [sflag:$0x3], $0x10, s7, s19, $0xb8;
	[tilespmem:$0x4800] =	vst v63  }
0x109: {  	_ =	swait.ge [sflag:s17], $0x800  }
0x10a: {  	[sflag:s17] =	ssyncset.done $0x0  }
0x10b: {  	s7 =	rddreg [dreg:$0xf];
	[sflag:s17] =	ssyncadd.s32 $0xFFFFF800  }
0x10c: {  	[tilespmem:s16], [sflag:$0x1] =	stream.indirect.gather [hbm4b:s5+s19], $0x10, s7, s19, $0xb8;
	[tilespmem:$0x4800] =	vst v63  }
0x10d: {  	_ =	swait.ge [sflag:s22], $0x800  }
0x10e: {  	[sflag:s22] =	ssyncset.done $0x0  }
0x10f: {  	s7 =	rddreg [dreg:$0x10];
	[sflag:s22] =	ssyncadd.s32 $0xFFFFF800  }
0x110: {  	[spmem:s2] =	stream.indirect.scatter.add.f32 [tilespmem:s20], [sflag:$0x3], $0x10, s7, s19, $0xb8;
	[tilespmem:$0x4800] =	vst v63  }
0x111: {  	_ =	swait.ge [sflag:s17], $0x800  }
0x112: {  	[sflag:s17] =	ssyncset.done $0x0  }
0x113: {  	[sflag:s17] =	ssyncadd.s32 $0xFFFFF800  }
0x114: {  	[tilespmem:s20], [sflag:$0x2] =	stream.indirect.gather [hbm4b:s5+s19], $0x10, s23, s19, $0xb8;
	[tilespmem:$0x4800] =	vst v63  }
0x115: {  	_ =	swait.ge [sflag:s21], $0x800  }
0x116: {  	[sflag:s21] =	ssyncset.done $0x0  }
0x117: {  	[sflag:s21] =	ssyncadd.s32 $0xFFFFF800  }
0x118: {  	[spmem:s2] =	stream.indirect.scatter.add.f32 [tilespmem:s16], [sflag:$0x3], $0x10, s24, s19, $0xb8;
	[tilespmem:$0x4800] =	vst v63  }
0x119: {  	_ =	swait.ge [sflag:s17], $0x800  }
0x11a: {  	[sflag:s17] =	ssyncset.done $0x0  }
0x11b: {  	[sflag:s17] =	ssyncadd.s32 $0xFFFFF800  }
0x11c: {  	[tilespmem:s16], [sflag:$0x1] =	stream.indirect.gather [hbm4b:s5+s19], $0x10, s26, s19, $0xb8;
	[tilespmem:$0x4800] =	vst v63  }
0x11d: {  	_ =	swait.ge [sflag:s22], $0x800  }
0x11e: {  	[sflag:s22] =	ssyncset.done $0x0  }
0x11f: {  	[sflag:s22] =	ssyncadd.s32 $0xFFFFF800  }
0x120: {  	[spmem:s2] =	stream.indirect.scatter.add.f32 [tilespmem:s20], [sflag:$0x3], $0x10, s28, s19, $0xb8;
	[tilespmem:$0x4800] =	vst v63  }
0x121: {  	_ =	swait.ge [sflag:s17], $0x800  }
0x122: {  	[sflag:s17] =	ssyncset.done $0x0  }
0x123: {  	[sflag:s17] =	ssyncadd.s32 $0xFFFFF800  }
0x124: {  	[tilespmem:s20], [sflag:$0x2] =	stream.indirect.gather [hbm4b:s5+s19], $0x10, s29, s19, $0xb8;
	[tilespmem:$0x4800] =	vst v63  }
0x125: {  	_ =	swait.ge [sflag:s21], $0x800  }
0x126: {  	[sflag:s21] =	ssyncset.done $0x0  }
0x127: {  	[sflag:s21] =	ssyncadd.s32 $0xFFFFF800  }
0x128: {  	[spmem:s2] =	stream.indirect.scatter.add.f32 [tilespmem:s16], [sflag:$0x3], $0x10, s30, s19, $0xb8;
	[tilespmem:$0x4800] =	vst v63  }
0x129: {  	_ =	swait.ge [sflag:s17], $0x800  }
0x12a: {  	[sflag:s17] =	ssyncset.done $0x0  }
0x12b: {  	[sflag:s17] =	ssyncadd.s32 $0xFFFFF800  }
0x12c: {  	[tilespmem:s16], [sflag:$0x1] =	stream.indirect.gather [hbm4b:s5+s19], $0x10, s31, s19, $0xb8;
	[tilespmem:$0x4800] =	vst v63  }
0x12d: {  	_ =	swait.ge [sflag:s22], $0x800  }
0x12e: {  	[sflag:s22] =	ssyncset.done $0x0  }
0x12f: {  	[sflag:s22] =	ssyncadd.s32 $0xFFFFF800  }
0x130: {  	[spmem:s2] =	stream.indirect.scatter.add.f32 [tilespmem:s20], [sflag:$0x3], $0x10, s0, s19, $0xb8;
	[tilespmem:$0x4800] =	vst v63  }
0x131: {  	_ =	swait.ge [sflag:s17], $0x800  }
0x132: {  	[sflag:s17] =	ssyncset.done $0x0  }
0x133: {  	[sflag:s17] =	ssyncadd.s32 $0xFFFFF800  }
0x134: {  	[tilespmem:s20], [sflag:$0x2] =	stream.indirect.gather [hbm4b:s5+s19], $0x10, s1, s19, $0xb8;
	[tilespmem:$0x4800] =	vst v63  }
0x135: {  	_ =	swait.ge [sflag:s21], $0x800  }
0x136: {  	[sflag:s21] =	ssyncset.done $0x0  }
0x137: {  	[sflag:s21] =	ssyncadd.s32 $0xFFFFF800  }
0x138: {  	[spmem:s2] =	stream.indirect.scatter.add.f32 [tilespmem:s16], [sflag:$0x3], $0x10, s4, s19, $0xb8;
	[tilespmem:$0x4800] =	vst v63  }
0x139: {  	_ =	swait.ge [sflag:s17], $0x800  }
0x13a: {  	[sflag:s17] =	ssyncset.done $0x0  }
0x13b: {  	[sflag:s17] =	ssyncadd.s32 $0xFFFFF800  }
0x13c: {  	[tilespmem:s16], [sflag:$0x1] =	stream.indirect.gather [hbm4b:s5+s19], $0x10, s8, s19, $0xb8;
	[tilespmem:$0x4800] =	vst v63  }
0x13d: {  	_ =	swait.ge [sflag:s22], $0x800  }
0x13e: {  	[sflag:s22] =	ssyncset.done $0x0  }
0x13f: {  	[sflag:s22] =	ssyncadd.s32 $0xFFFFF800  }
0x140: {  	[spmem:s2] =	stream.indirect.scatter.add.f32 [tilespmem:s20], [sflag:$0x3], $0x10, s9, s19, $0xb8;
	[tilespmem:$0x4800] =	vst v63  }
0x141: {  	_ =	swait.ge [sflag:s17], $0x800  }
0x142: {  	[sflag:s17] =	ssyncset.done $0x0  }
0x143: {  	[sflag:s17] =	ssyncadd.s32 $0xFFFFF800  }
0x144: {  	[tilespmem:s20], [sflag:$0x2] =	stream.indirect.gather [hbm4b:s5+s19], $0x10, s10, s19, $0xb8;
	[tilespmem:$0x4800] =	vst v63  }
0x145: {  	_ =	swait.ge [sflag:s21], $0x800  }
0x146: {  	[sflag:s21] =	ssyncset.done $0x0  }
0x147: {  	[sflag:s21] =	ssyncadd.s32 $0xFFFFF800  }
0x148: {  	[spmem:s2] =	stream.indirect.scatter.add.f32 [tilespmem:s16], [sflag:$0x3], $0x10, s11, s19, $0xb8;
	[tilespmem:$0x4800] =	vst v63  }
0x149: {  	_ =	swait.ge [sflag:s17], $0x800  }
0x14a: {  	[sflag:s17] =	ssyncset.done $0x0  }
0x14b: {  	[sflag:s17] =	ssyncadd.s32 $0xFFFFF800  }
0x14c: {  	p0 =	sne.s32 s25, $0x1;
	_ =	swait.ge [sflag:s22], $0x800  }
.Ltmp2:
0x14d: {  	[sflag:s22] =	ssyncset.done $0x0;
	(pc) =	sbr.rel @p0 .LBB2_4-.Ltmp2, $4  }
0x14e: {  	[sflag:s22] =	ssyncadd.s32 $0xFFFFF800  }
0x14f: {  	[spmem:s2] =	stream.indirect.scatter.add.f32 [tilespmem:s20], [sflag:$0x3], $0x10, s12, s19, $0xb8;
	[tilespmem:$0x4800] =	vst v63  }
0x150: {  	_ =	swait.ge [sflag:s17], $0x800  }
0x151: {  	s25 =	sadd.s32 $0xFFFFFFFF, s25;
	[sflag:s17] =	ssyncset.done $0x0  }
.LBB2_5:
0x152: {  	[sflag:s17] =	ssyncadd.s32 $0xFFFFF800  }
0x153: {  	[bflag:$0x0] =	sbarrier.arrive $0xFFFF  }
0x154: {  	s7 =	rddreg [dreg:$0x11]  }
0x155: {  	s14 =	rddreg [dreg:$0x14]  }
0x156: {  	s15 =	rddreg [dreg:$0x1b];
	s7 =	sor.u32 $0x1C03, s7  }
0x157: {  	[hbm:s14], [sflag:s7] =	dma.local [spmem:s15], $0x500  }
0x158: {  	_ =	swait.ge [sflag:s17], $0x500  }
0x159: {  	s13 =	sadd.s32 $0x1, s13;
	s25 =	rddreg [dreg:$0x15]  }
0x15a: {  	p0 =	sne.s32 s13, s25  }
.Ltmp3:
0x15b: {  	_ = 	snop;
	(pc) =	sbr.rel @p0 .LBB2_1-.Ltmp3, $3  }
0x15c: {  	_ =	sdelay $0x1  }
0x15d: {  	[sflag:s17] =	ssyncset.done $0x0  }
0x15e: {  	[sflag:s17] =	ssyncadd.s32 $0xFFFFFB00  }
0x15f: {  	_ =	sfence.sel $0x180000  }
0x160: {  	[bflag:$0x0] =	sbarrier.arrive $0xFFFF  }
0x161: {  	_ =	strace $0x9000004D  }
0x162: {  	s0 =	stileid.u32;
	[bflag:$0x2] =	sbarrier.arrive $0xFFFF  }
0x163: {  	p0 =	sne.s32 s0, $0x0;
	s0 =	rddreg [dreg:$0x2]  }
0x164: {  	s0 =	sadd.s32 @!p0 $0x100000, s0  }
0x165: {  	[sflag:s0] =	ssyncadd.tile.s32 @!p0 $0x1;
	_ =	shalt  }
.Lfunc_end2:
_tile_overlayer_lowered:
.L_overlay_start_2:
0x166: {  	(tag) =	ssettag $0x2  }
0x167: {  	s0 =	rddreg [dreg:$0x0];
	s2 =	stileid.u32  }
0x168: {  	s1 =	rddreg [dreg:$0x1];
	p0 =	sne.s32 s2, $0x0  }
0x169: {  	s3 =	rddreg [dreg:$0x2];
	[bflag:$0x3] =	sbarrier.arrive $0xFFFF;
	s2 =	simm.s32 @!p0 $0x1C03  }
0x16a: {  	[timem:s3], [sflag:s2] =	dma.local @!p0 [hbm:s0], s1  }
0x16b: {  	s0 =	simm.s32 @!p0 $0x3  }
0x16c: {  	_ =	swait.ge @!p0 [sflag:s0], s1  }
0x16d: {  	s1 =	ssub.s32 @!p0 $0x0, s1;
	[sflag:s0] =	ssyncset.done @!p0 $0x0  }
0x16e: {  	[sflag:s0] =	ssyncadd.s32 @!p0 s1  }
0x16f: {  	[bflag:$0x3] =	sbarrier.arrive $0xFFFF  }
0x170: {  	_ =	shalt  }

// kernel: kernel.8.cloned.1.call-start
scs
__scs_entry_jumppad:
0x0: {  	(pc) =	sbr.rel $0x88, $3  }
0x1: {  	(tag) =	ssettag $0x0;
	lr =	simm.s32 $0x1  }
0x2: {  	[smem:$0x3F99] =	sst lr;
	_ =	strace $0xD0000000  }
0x3: {  	_ = 	snop  }
0x4: {  	_ = 	snop  }
0x5: {  	_ = 	snop  }
0x6: {  	_ = 	snop  }
0x7: {  	_ = 	snop  }
__scs_overlays_trampoline_lowered:
0x8: {  	[smem:$0x3FA8] =	sst s0  }
0x9: {  	[smem:$0x3FA9] =	sst s1  }
0xa: {  	[smem:$0x3FAA] =	sst s2  }
0xb: {  	[smem:$0x3FAB] =	sst s3  }
0xc: {  	[smem:$0x3FAC] =	sst s4  }
0xd: {  	[smem:$0x3FAD] =	sst s5  }
0xe: {  	[smem:$0x3FAE] =	sst s6  }
0xf: {  	[smem:$0x3FAF] =	sst s7  }
0x10: {  	[smem:$0x3FB0] =	sst s8  }
0x11: {  	[smem:$0x3FB1] =	sst s9;
	s0 =	simm.s32 @!p0 $0x0  }
0x12: {  	s1 =	sld [smem:$0x3F97];
	s0 =	simm.s32 @p0 $0x1  }
0x13: {  	[smem:$0x3FB2] =	sst s0;
	s0 =	simm.s32 @!p1 $0x0  }
0x14: {  	s2 =	sld [smem:$0x3F96];
	s0 =	simm.s32 @p1 $0x1  }
0x15: {  	[smem:$0x3FB3] =	sst s0;
	s0 =	simm.s32 @!p2 $0x0  }
0x16: {  	s3 =	sld [smem:$0x3FDB];
	s0 =	simm.s32 @p2 $0x1  }
0x17: {  	s4 =	simm.s32 $0x1BF5;
	[smem:$0x3FB5] =	sst s0  }
0x18: {  	s0 =	sld [smem:$0x3F98];
	_ =	swait.ge [sflag:s4], $0x0  }
0x19: {  	s7 =	sld [smem:$0x3F99]  }
0x1a: {  	s8 =	sadd.s32 $0xFFFFE003, lr  }
0x1b: {  	s9 =	sadd.s32 $0xFFFFFEF7, lr;
	s5 =	simm.s32 $0xFFFFFFFF;
	p2 =	slt.u32 s8, $0xFFFFF086  }
0x1c: {  	p1 =	slt.u32 s9, $0xF7A;
	s5 =	simm.s32 @!p2 $0x0  }
0x1d: {  	s5 =	simm.s32 @p1 $0x1;
	p0 =	seq.s32 s7, s2  }
0x1e: {  	s7 =	smul.u32 @!p0 $0xF7A, s2;
	p2 =	seq.s32 @!p0 s5, $0x0  }
0x1f: {  	s9 =	smul.u32 $0xF7A, s1;
	s8 =	simm.s32 @!p0 $0x1BF5;
	p2 =	por !p2, p0  }
0x20: {  	[sflag:s8] =	ssyncset.s32 @!p0 $0xFFFFF086;
	s6 =	sadd.s32 @!p0 s3, s7;
	s7 =	simm.s32 @!p0 $0x108  }
0x21: {  	s3 =	sadd.s32 s3, s9;
	s6 =	sadd.s32 @!p0 $0x88, s6;
	s7 =	simm.s32 @p2 $0x1082  }
0x22: {  	[simem:s7], [sflag:s8] =	dma.local @!p0 [hbm:s6], $0xF7A  }
0x23: {  	s9 =	sor.u32 $0xD0000000, s2;
	s6 =	simm.s32 $0x108;
	_ =	swait.ge @!p0 [sflag:s8], $0x0  }
0x24: {  	s3 =	sadd.s32 $0x88, s3;
	s6 =	simm.s32 @!p1 $0x1082;
	[sflag:s4] =	ssyncset.s32 $0xFFFFF086  }
0x25: {  	[simem:s6], [sflag:s4] =	dma.local [hbm:s3], $0xF7A  }
0x26: {  	[smem:$0x3F99] =	sst s1;
	(tag) =	ssettag s2;
	_ =	strace s9  }
0x27: {  	s1 =	sld [smem:$0x3FA9]  }
0x28: {  	s2 =	sld [smem:$0x3FAA]  }
0x29: {  	s4 =	sld [smem:$0x3FAC]  }
0x2a: {  	p0 =	seq.s32 s5, $0x0;
	s5 =	sld [smem:$0x3FAD]  }
0x2b: {  	s6 =	sld [smem:$0x3FAE]  }
0x2c: {  	s7 =	sld [smem:$0x3FAF]  }
0x2d: {  	s3 =	simm.s32 $0x108;
	s8 =	sld [smem:$0x3FB0]  }
0x2e: {  	s3 =	simm.s32 @!p0 $0x1082;
	s9 =	sld [smem:$0x3FB1]  }
0x2f: {  	lr =	sadd.s32 s0, s3;
	s0 =	sld [smem:$0x3FA8]  }
0x30: {  	s3 =	sld [smem:$0x3FAB]  }
0x31: {  	[smem:$0x3FB4] =	sst s10  }
0x32: {  	s10 =	sld [smem:$0x3FB2];
	_ =	sdelay $0x3  }
0x33: {  	p0 =	seq.s32 s10, $0x1;
	s10 =	sld [smem:$0x3FB4];
	_ =	sdelay $0x3  }
0x34: {  	[smem:$0x3FB4] =	sst s10  }
0x35: {  	s10 =	sld [smem:$0x3FB3];
	_ =	sdelay $0x3  }
0x36: {  	p1 =	seq.s32 s10, $0x1;
	s10 =	sld [smem:$0x3FB4];
	_ =	sdelay $0x3  }
0x37: {  	[smem:$0x3FB4] =	sst s10  }
0x38: {  	s10 =	sld [smem:$0x3FB5]  }
0x39: {  	_ = 	snop;
	(pc) =	sbr.ind lr, $3  }
0x3a: {  	_ = 	snop  }
0x3b: {  	_ = 	snop  }
0x3c: {  	p2 =	seq.s32 s10, $0x1;
	s10 =	sld [smem:$0x3FB4]  }
0x3d: {  	_ =	shalt  }
0x3e: {  	_ =	shalt  }
0x3f: {  	_ =	shalt  }
0x40: {  	_ =	shalt  }
0x41: {  	_ =	shalt  }
0x42: {  	_ =	shalt  }
0x43: {  	_ =	shalt  }
0x44: {  	_ =	shalt  }
0x45: {  	_ =	shalt  }
0x46: {  	_ =	shalt  }
0x47: {  	_ =	shalt  }
0x48: {  	_ =	shalt  }
0x49: {  	_ =	shalt  }
0x4a: {  	_ =	shalt  }
0x4b: {  	_ =	shalt  }
0x4c: {  	_ =	shalt  }
0x4d: {  	_ =	shalt  }
0x4e: {  	_ =	shalt  }
0x4f: {  	_ =	shalt  }
0x50: {  	_ =	shalt  }
0x51: {  	_ =	shalt  }
0x52: {  	_ =	shalt  }
0x53: {  	_ =	shalt  }
0x54: {  	_ =	shalt  }
0x55: {  	_ =	shalt  }
0x56: {  	_ =	shalt  }
0x57: {  	_ =	shalt  }
0x58: {  	_ =	shalt  }
0x59: {  	_ =	shalt  }
0x5a: {  	_ =	shalt  }
0x5b: {  	_ =	shalt  }
0x5c: {  	_ =	shalt  }
0x5d: {  	_ =	shalt  }
0x5e: {  	_ =	shalt  }
0x5f: {  	_ =	shalt  }
0x60: {  	_ =	shalt  }
0x61: {  	_ =	shalt  }
0x62: {  	_ =	shalt  }
0x63: {  	_ =	shalt  }
0x64: {  	_ =	shalt  }
0x65: {  	_ =	shalt  }
0x66: {  	_ =	shalt  }
0x67: {  	_ =	shalt  }
0x68: {  	_ =	shalt  }
0x69: {  	_ =	shalt  }
0x6a: {  	_ =	shalt  }
0x6b: {  	_ =	shalt  }
0x6c: {  	_ =	shalt  }
0x6d: {  	_ =	shalt  }
0x6e: {  	_ =	shalt  }
0x6f: {  	_ =	shalt  }
0x70: {  	_ =	shalt  }
0x71: {  	_ =	shalt  }
0x72: {  	_ =	shalt  }
0x73: {  	_ =	shalt  }
0x74: {  	_ =	shalt  }
0x75: {  	_ =	shalt  }
0x76: {  	_ =	shalt  }
0x77: {  	_ =	shalt  }
0x78: {  	_ =	shalt  }
0x79: {  	_ =	shalt  }
0x7a: {  	_ =	shalt  }
0x7b: {  	_ =	shalt  }
0x7c: {  	_ =	shalt  }
0x7d: {  	_ =	shalt  }
0x7e: {  	_ =	shalt  }
0x7f: {  	_ =	shalt  }
0x80: {  	_ =	shalt  }
0x81: {  	_ =	shalt  }
0x82: {  	_ =	shalt  }
0x83: {  	_ =	shalt  }
0x84: {  	_ =	shalt  }
0x85: {  	_ =	shalt  }
0x86: {  	_ =	shalt  }
0x87: {  	_ =	shalt  }
.Lfunc_end0:
.L_simem_size_0:
called_computation_lowered:
.L_overlay_start_0:
0x88: {  	s2 =	sld [smem:$0x3FD9]  }
0x89: {  	s3 =	sld [smem:$0x3FFE];
	_ =	sdelay $0x1  }
0x8a: {  	s1 =	srdreg.scid  }
0x8b: {  	s0 =	sand.u32 $0x1, s1  }
0x8c: {  	s16 =	sshll.u32 s0, $0xA;
	s2 =	sadd.s32 s3, s2  }
0x8d: {  	s2 =	sadd.s32 s2, s16  }
0x8e: {  	[smem:$0x3FC0] =	sst s2  }
0x8f: {  	_ = 	snop  }
0x90: {  	(tm) =	ssettm $0x1  }
0x91: {  	s17 =	sld [smem:$0x3FFB];
	_ =	sdelay $0x3  }
0x92: {  	_ =	strace s17  }
0x93: {  	s2 =	sld [smem:$0x3FFC];
	_ =	sdelay $0x3  }
0x94: {  	_ =	strace s2  }
0x95: {  	s2 =	sld [smem:$0x3FFD];
	_ =	sdelay $0x3  }
0x96: {  	_ =	strace s2  }
0x97: {  	_ =	strace $0x8FFFFFFF  }
0x98: {  	s18 =	sld [smem:$0x3FDB];
	_ =	sdelay $0x1  }
0x99: {  	s19 =	simm.s32 $_scs_section_size  }
0x9a: {  	s4 =	simm.s32 $_size__tile_overlayer_lowered;
	s5 =	simm.s32 $_tile_overlayer_lowered  }
0x9b: {  	s22 =	simm.s32 $0x1BFF;
	s21 =	sshll.u32 s5, $0x1;
	s2 =	sadd.s32 s19, s18  }
0x9c: {  	s6 =	simm.s32 $0x0;
	s20 =	sshll.u32 s4, $0x1;
	s4 =	sadd.s32 s21, s2  }
0x9d: {  	[timem:s6], [sflag:s22] =	dma.local [hbm:s4], s20  }
0x9e: {  	_ =	swait.ge [sflag:s22], s20  }
0x9f: {  	s3 =	ssub.s32 $0x0, s20;
	[sflag:s22] =	ssyncset.done $0x0  }
0xa0: {  	[sflag:s22] =	ssyncadd.s32 s3;
	_ =	sdelay $0x1  }
0xa1: {  	s23 =	simm.s32 $0x1B8B  }
0xa2: {  	_ =	swait.ge [sflag:s23], $0x1  }
0xa3: {  	[sflag:s23] =	ssyncset.done $0x0  }
0xa4: {  	s25 =	simm.s32 $0x1B8E;
	s24 =	sld [smem:$0x3FFE];
	[sflag:s23] =	ssyncadd.s32 $0xFFFFFFFF  }
0xa5: {  	s26 =	simm.s32 $execute0_lowered;
	[smem:$0x3FD2] =	sst s25  }
0xa6: {  	s4 =	sshll.u32 s26, $0x1;
	_ =	strace $0x80000046;
	[dreg:$0x1] =	wrdreg $0xFFFFFFFF  }
0xa7: {  	s28 =	simm.s32 $_size_execute0_lowered;
	s2 =	sadd.s32 s2, s4;
	[dreg:$0x0] =	wrdreg $0x0  }
0xa8: {  	s4 =	sshll.u32 s28, $0x1;
	[dreg:$0x2] =	wrdreg s2  }
0xa9: {  	[dreg:$0x3] =	wrdreg s4  }
0xaa: {  	[dreg:$0x4] =	wrdreg $0xC0  }
0xab: {  	_ =	task [dreg:s6], $0x5FFFF  }
0xac: {  	[dreg:$0x1] =	wrdreg $0xFFFFFFFF  }
0xad: {  	[dreg:$0x0] =	wrdreg $0x60  }
0xae: {  	[dreg:$0x2] =	wrdreg s24  }
0xaf: {  	[dreg:$0x3] =	wrdreg $0x38000  }
0xb0: {  	[dreg:$0x4] =	wrdreg $0x9  }
0xb1: {  	_ =	task.clear_ibuf [dreg:s6], $0x5FFFF;
	_ =	strace $0x90000046  }
0xb2: {  	s29 =	simm.s32 $0x9;
	_ =	strace $0x80000048  }
0xb3: {  	_ =	swait.ge [sflag:s29], $0x1  }
0xb4: {  	[sflag:s29] =	ssyncadd.s32 $0xFFFFFFFF  }
0xb5: {  	_ =	strace $0x90000048  }
0xb6: {  	_ =	sfence  }
0xb7: {  	s30 =	sld [smem:$0x0];
	_ =	sdelay $0x2  }
0xb8: {  	s31 =	sshll.u32 s1, $0xD;
	s1 =	sshrl.u32 s1, $0x2  }
0xb9: {  	s3 =	sand.u32 $0x4000, s31;
	s1 =	sadd.s32 s1, s30  }
0xba: {  	s0 =	sor.u32 s3, s0;
	s1 =	sshll.u32 s1, $0x11  }
0xbb: {  	s0 =	sor.u32 s1, s0  }
0xbc: {  	s0 =	sadd.s32 $0x8F2B, s0  }
0xbd: {  	[sflag:s0] =	ssyncadd.remote.s32 $0x1  }
0xbe: {  	_ =	sfence.sel $0xFFFF  }
0xbf: {  	[dreg:$0x0] =	wrdreg $0xFFFFFFFF;
	(pc) =	sbr.abs _section_cstart, $3  }
0xc0: {  	[dreg:$0x1] =	wrdreg $0xFFFFFFFF  }
0xc1: {  	_ =	task.clear_ibuf [dreg:s6], $0x2FFFF;
	_ =	strace $0x9FFFFFFF  }
0xc2: {  	(tm) =	ssettm $0x7FFFFFFF  }
0xc3: {  	_ =	shalt  }
tec
execute0_lowered:
.L_overlay_start_1:
0x0: {  	(tag) =	ssettag $0x1  }
0x1: {  	s4 =	rddreg [dreg:$0x0];
	s0 =	srdreg.scid  }
0x2: {  	s2 =	rddreg [dreg:$0x1];
	s1 =	stileid.u32  }
0x3: {  	s3 =	simm.s32 $0x0;
	s12 =	simm.s32 $0x1;
	s13 =	simm.s32 $0x3000  }
0x4: {  	s14 =	simm.s32 $0x80;
	s15 =	simm.s32 $0x2800;
	s18 =	simm.s32 $0x0  }
0x5: {  	s5 =	sand.u32 $0x1, s0;
	s0 =	rddreg [dreg:$0x2];
	s8 =	smul.u32 $0x2800, s1  }
0x6: {  	s6 =	sshll.u32 s1, $0x1;
	[smem:$0x7FF] =	sst s3;
	s9 =	smul.u32 $0xA000, s1  }
0x7: {  	s16 =	sshll.u32 s1, $0x6;
	s7 =	smul.u32 $0x28000, s5;
	s6 =	sor.u32 s5, s6  }
0x8: {  	_ =	strace $0x80000047;
	s5 =	ssub.s32 $0x2, s5;
	s16 =	sor.u32 $0x1C01, s16  }
0x9: {  	s6 =	smul.u32 $0x500, s6;
	s31 =	sshrl.u32 s5, $0x1;
	s9 =	sshrl.u32 s9, $0x2  }
0xa: {  	s17 =	sadd.s32 s8, s2;
	s7 =	sadd.s32 s8, s7;
	s10 =	ssub.s32 s5, s31  }
0xb: {  	s5 =	sadd.s32 s9, s2;
	s17 =	sshrl.u32 s17, $0x3;
	s6 =	sadd.s32 s6, s4  }
0xc: {  	s7 =	sshrl.u32 s7, $0x3;
	s8 =	sadd.s32 $0x800, s5;
	s9 =	sadd.s32 $0x1000, s5  }
0xd: {  	s11 =	sadd.s32 $0x2000, s5;
	s7 =	sadd.s32 s7, s4;
	s4 =	sadd.s32 $0x2600, s6  }
0xe: {  	v0 =	vimm.f32 $1.000000000e+00;
	v1 =	vimm.f32 $0.0e+00;
	s6 =	sadd.s32 $0xC600, s7;
	s7 =	smax.u32 s10, $0x1;
	s10 =	sadd.s32 $0x1800, s5  }
.LBB2_1:
0xf: {  	[tilespmem:s3], [sflag:$0x1] =	stream.linear.gather [hbm4b:s4+s3], $0x2800, $0x38;
	[tilespmem:$0x6000] =	vst v63  }
0x10: {  	_ =	swait.ge [sflag:s12], $0x2800  }
0x11: {  	[sflag:s12] =	ssyncset.done $0x0  }
0x12: {  	s19 =	simm.s32 $0x40;
	s20 =	simm.s32 $0x0;
	[sflag:s12] =	ssyncadd.s32 $0xFFFFD800  }
.LBB2_2:
0x13: {  	p0 =	sne.s32 s19, $0x1FC0;
	[tilespmem:s20+$0x2800] =	vst v0;
	s21 =	smov.u32 s19;
	s19 =	sadd.s32 $0x40, s19  }
.Ltmp0:
0x14: {  	[tilespmem:s20+$0x3000] =	vst v1;
	(pc) =	sbr.rel @p0 .LBB2_2-.Ltmp0, $2  }
0x15: {  	_ =	sdelay $0x2  }
0x16: {  	s20 =	sshra.s32 s21, $0x2  }
0x17: {  	[tilespmem:s20+$0x2800] =	vst v0  }
0x18: {  	[tilespmem:s20+$0x3000] =	vst v1  }
0x19: {  	[spmem:s5] =	stream.linear.scatter [tilespmem:s13], [sflag:$0x1], $0x800, $0x38;
	[tilespmem:$0x6000] =	vst v63  }
0x1a: {  	_ =	swait.ge [sflag:s12], $0x800  }
0x1b: {  	[sflag:s12] =	ssyncset.done $0x0  }
0x1c: {  	[sflag:s12] =	ssyncadd.s32 $0xFFFFF800  }
0x1d: {  	[spmem:s8] =	stream.linear.scatter [tilespmem:s13], [sflag:$0x1], $0x800, $0x38;
	[tilespmem:$0x6000] =	vst v63  }
0x1e: {  	_ =	swait.ge [sflag:s12], $0x800  }
0x1f: {  	[sflag:s12] =	ssyncset.done $0x0  }
0x20: {  	[sflag:s12] =	ssyncadd.s32 $0xFFFFF800  }
0x21: {  	[spmem:s9] =	stream.linear.scatter [tilespmem:s13], [sflag:$0x1], $0x800, $0x38;
	[tilespmem:$0x6000] =	vst v63  }
0x22: {  	_ =	swait.ge [sflag:s12], $0x800  }
0x23: {  	[sflag:s12] =	ssyncset.done $0x0  }
0x24: {  	[sflag:s12] =	ssyncadd.s32 $0xFFFFF800  }
0x25: {  	[spmem:s10] =	stream.linear.scatter [tilespmem:s13], [sflag:$0x1], $0x800, $0x38;
	[tilespmem:$0x6000] =	vst v63  }
0x26: {  	_ =	swait.ge [sflag:s12], $0x800  }
0x27: {  	[sflag:s12] =	ssyncset.done $0x0  }
0x28: {  	[sflag:s12] =	ssyncadd.s32 $0xFFFFF800  }
0x29: {  	[spmem:s11] =	stream.linear.scatter [tilespmem:s13], [sflag:$0x1], $0x800, $0x38;
	[tilespmem:$0x6000] =	vst v63  }
0x2a: {  	_ =	swait.ge [sflag:s12], $0x800  }
0x2b: {  	[sflag:s12] =	ssyncset.done $0x0  }
0x2c: {  	[sflag:s12] =	ssyncadd.s32 $0xFFFFF800  }
0x2d: {  	s19 =	simm.s32 $0x0;
	[bflag:$0x0] =	sbarrier.arrive $0xFFFF  }
0x2e: {  	[spmem:s2] =	stream.indirect.scatter.add.f32 [tilespmem:s15], [sflag:$0x1], $0x10, s19, s14, $0xb8;
	[tilespmem:$0x6000] =	vst v63  }
0x2f: {  	_ =	swait.ge [sflag:s12], $0x800  }
0x30: {  	s19 =	simm.s32 $0x200;
	[sflag:s12] =	ssyncset.done $0x0  }
.LBB2_4:
0x31: {  	s20 =	sshra.s32 s19, $0x2;
	[sflag:s12] =	ssyncadd.s32 $0xFFFFF800;
	p0 =	sne.s32 s19, $0x9E00  }
0x32: {  	[spmem:s2] =	stream.indirect.scatter.add.f32 [tilespmem:s15], [sflag:$0x1], $0x10, s20, s14, $0xb8;
	[tilespmem:$0x6000] =	vst v63  }
.Ltmp1:
0x33: {  	_ = 	snop;
	(pc) =	sbr.rel @p0 .LBB2_4-.Ltmp1, $4  }
0x34: {  	_ = 	snop  }
0x35: {  	s19 =	sadd.s32 $0x200, s19  }
0x36: {  	_ =	swait.ge [sflag:s12], $0x800  }
0x37: {  	[sflag:s12] =	ssyncset.done $0x0  }
0x38: {  	s18 =	sadd.s32 $0x1, s18  }
0x39: {  	[sflag:s12] =	ssyncadd.s32 $0xFFFFF800;
	p0 =	sne.s32 s18, s7  }
.Ltmp2:
0x3a: {  	[bflag:$0x0] =	sbarrier.arrive $0xFFFF;
	(pc) =	sbr.rel @p0 .LBB2_1-.Ltmp2, $4  }
0x3b: {  	[hbm:s6], [sflag:s16] =	dma.local [spmem:s17], $0x500  }
0x3c: {  	_ =	swait.ge [sflag:s12], $0x500  }
0x3d: {  	[sflag:s12] =	ssyncset.done $0x0  }
0x3e: {  	[sflag:s12] =	ssyncadd.s32 $0xFFFFFB00  }
0x3f: {  	_ =	sfence.sel $0x180000  }
0x40: {  	[bflag:$0x0] =	sbarrier.arrive $0xFFFF  }
0x41: {  	p0 =	sne.s32 s1, $0x0;
	_ =	strace $0x90000047  }
0x42: {  	s0 =	sadd.s32 @!p0 $0x100000, s0;
	[bflag:$0x2] =	sbarrier.arrive $0xFFFF  }
0x43: {  	[sflag:s0] =	ssyncadd.tile.s32 @!p0 $0x1;
	_ =	shalt  }
.Lfunc_end2:
_tile_overlayer_lowered:
.L_overlay_start_2:
0x44: {  	(tag) =	ssettag $0x2  }
0x45: {  	s0 =	rddreg [dreg:$0x0];
	s2 =	stileid.u32  }
0x46: {  	s1 =	rddreg [dreg:$0x1];
	p0 =	sne.s32 s2, $0x0  }
0x47: {  	s3 =	rddreg [dreg:$0x2];
	[bflag:$0x3] =	sbarrier.arrive $0xFFFF;
	s2 =	simm.s32 @!p0 $0x1C01  }
0x48: {  	[timem:s3], [sflag:s2] =	dma.local @!p0 [hbm:s0], s1  }
0x49: {  	s0 =	simm.s32 @!p0 $0x1  }
0x4a: {  	_ =	swait.ge @!p0 [sflag:s0], s1  }
0x4b: {  	s1 =	ssub.s32 @!p0 $0x0, s1;
	[sflag:s0] =	ssyncset.done @!p0 $0x0  }
0x4c: {  	[sflag:s0] =	ssyncadd.s32 @!p0 s1  }
0x4d: {  	[bflag:$0x3] =	sbarrier.arrive $0xFFFF  }
0x4e: {  	_ =	shalt  }

</sc_bundles>
